<compile_context>
chip_gen: v7x
topology: tpu7x:2x2x1
jax: 0.10.2.dev20260603
libtpu: 0.0.44.dev20260713+nightly
codegen_flags: <defaults>
</compile_context>

<pallas_src>
import functools

from functools import partial

import jax
import jax.numpy as jnp
from jax import lax
from jax.experimental import pallas as pl
from jax.experimental.pallas import tpu as pltpu
from jax.experimental.pallas import tpu_sc as plsc

N = 100000
E = 6400000
D = 7
DP = 8
NC = 2
NS = 16
W = NC * NS
CHUNK = 128
GROUP = 16
EG = CHUNK * GROUP
NGROUPS = E // EG
NP_ = 100096
ROWS_PER_TILE = NP_ // NS
NROWBLK = E // CHUNK


def _spmm_body(q_hbm, kidx_hbm, kv_hbm, zeros_hbm, out_hbm,
               acc, colv0, colv1, rowv0, rowv1, kvv0, kvv1,
               gath0, gath1, scal0, scal1,
               isem0, isem1, gsem0, gsem1, ssem0, ssem1):
  c = lax.axis_index("c")
  s = lax.axis_index("s")
  wid = s * NC + c
  colv = (colv0, colv1)
  rowv = (rowv0, rowv1)
  kvv = (kvv0, kvv1)
  gath = (gath0, gath1)
  scal = (scal0, scal1)
  isem = (isem0, isem1)
  gsem = (gsem0, gsem1)
  ssem = (ssem0, ssem1)

  rbase = s * ROWS_PER_TILE
  pltpu.sync_copy(zeros_hbm, acc.at[pl.ds(rbase, ROWS_PER_TILE)])
  plsc.subcore_barrier()

  patt = lax.shift_right_logical(lax.iota(jnp.int32, 16), 3)
  colc = lax.iota(jnp.int32, 16) & 7
  nit = (NGROUPS // W) + jnp.where(wid < (NGROUPS % W), 1, 0)

  def fire_idx(b, it):
    eb = (wid + it * W) * EG
    pltpu.async_copy(kidx_hbm.at[1, pl.ds(eb, EG)], colv[b], isem[b])
    pltpu.async_copy(kidx_hbm.at[0, pl.ds(eb, EG)], rowv[b], isem[b])
    pltpu.async_copy(kv_hbm.at[pl.ds(eb, EG)], kvv[b], isem[b])

  def wait_idx(b):
    pltpu.make_async_copy(kidx_hbm.at[1, pl.ds(0, EG)], colv[b], isem[b]).wait()
    pltpu.make_async_copy(kidx_hbm.at[0, pl.ds(0, EG)], rowv[b], isem[b]).wait()
    pltpu.make_async_copy(kv_hbm.at[pl.ds(0, EG)], kvv[b], isem[b]).wait()

  def fire_gather(b):
    pltpu.async_copy(q_hbm.at[colv[b]], gath[b], gsem[b])

  def wait_gather(b):
    pltpu.make_async_copy(q_hbm.at[colv[b]], gath[b], gsem[b]).wait()

  def fire_scatter(b):
    pltpu.async_copy(scal[b], acc.at[rowv[b]], ssem[b], add=True)

  def wait_scatter(b):
    pltpu.make_async_copy(scal[b], acc.at[rowv[b]], ssem[b]).wait()

  @pl.when(nit > 0)
  def _():
    fire_idx(0, 0)
    wait_idx(0)
    fire_gather(0)

  def body2(it2, _):
    for b in (0, 1):
      it = 2 * it2 + b
      ob = 1 - b

      @pl.when(it < nit)
      def _():
        @pl.when(it >= 1)
        def _():
          wait_scatter(ob)

        @pl.when(it + 1 < nit)
        def _():
          fire_idx(ob, it + 1)

        wait_gather(b)

        @plsc.parallel_loop(0, EG // 2, unroll=8)
        def mul_body(i):
          idx2 = patt + 2 * i
          gv = plsc.load_gather(gath[b], [idx2, colc])
          kvb = plsc.load_gather(kvv[b], [idx2])
          plsc.store_scatter(scal[b], [idx2, colc], gv * kvb)

        fire_scatter(b)

        @pl.when(it + 1 < nit)
        def _():
          wait_idx(ob)
          fire_gather(ob)
    return 0

  lax.fori_loop(0, (nit + 1) // 2, body2, 0)

  @pl.when(nit % 2 == 1)
  def _():
    wait_scatter(0)

  @pl.when((nit % 2 == 0) & (nit > 0))
  def _():
    wait_scatter(1)

  plsc.subcore_barrier()
  pltpu.sync_copy(acc.at[pl.ds(rbase, ROWS_PER_TILE)],
                  out_hbm.at[c, pl.ds(rbase, ROWS_PER_TILE)])


_sc_spmm = functools.partial(
    pl.kernel,
    out_type=jax.ShapeDtypeStruct((NC, NP_, DP), jnp.float32),
    mesh=plsc.VectorSubcoreMesh(core_axis_name="c", subcore_axis_name="s"),
    compiler_params=pltpu.CompilerParams(
        needs_layout_passes=False, use_tc_tiling_on_sc=False),
    scratch_types=[
        pltpu.VMEM_SHARED((NP_, DP), jnp.float32),
        pltpu.VMEM((EG,), jnp.int32),
        pltpu.VMEM((EG,), jnp.int32),
        pltpu.VMEM((EG,), jnp.int32),
        pltpu.VMEM((EG,), jnp.int32),
        pltpu.VMEM((EG,), jnp.float32),
        pltpu.VMEM((EG,), jnp.float32),
        pltpu.VMEM((EG, DP), jnp.float32),
        pltpu.VMEM((EG, DP), jnp.float32),
        pltpu.VMEM((EG, DP), jnp.float32),
        pltpu.VMEM((EG, DP), jnp.float32),
        pltpu.SemaphoreType.DMA,
        pltpu.SemaphoreType.DMA,
        pltpu.SemaphoreType.DMA,
        pltpu.SemaphoreType.DMA,
        pltpu.SemaphoreType.DMA,
        pltpu.SemaphoreType.DMA,
    ],
)(_spmm_body)


NR = N // 16
BLK16 = 625
GRID16 = NR // BLK16


def _lane_mask7(shape):
  lane = lax.broadcasted_iota(jnp.int32, shape, 1)
  return (lane & 7) < D


def _bd8():
  r = lax.broadcasted_iota(jnp.int32, (128, 128), 0)
  c = lax.broadcasted_iota(jnp.int32, (128, 128), 1)
  return jnp.where((r >> 3) == (c >> 3), 1.0, 0.0)


def _bd_compat(w):
  cm = _compat(w)
  big = jnp.tile(cm, (16, 16))
  r = lax.broadcasted_iota(jnp.int32, (128, 128), 0)
  c = lax.broadcasted_iota(jnp.int32, (128, 128), 1)
  return jnp.where((r >> 3) == (c >> 3), big, 0.0)


def _softmax_body(x_ref, o_ref):
  x = x_ref[...]
  e = jnp.where(_lane_mask7(x.shape), jnp.exp(x), 0.0)
  s = jnp.dot(e, _bd8(), preferred_element_type=jnp.float32)
  o_ref[...] = e / s


def _compat(w):
  eye = (lax.broadcasted_iota(jnp.int32, (DP, DP), 0)
         == lax.broadcasted_iota(jnp.int32, (DP, DP), 1))
  return w * jnp.where(eye, 1.0, -1.0)


def _dense_body(x_ref, a_ref, w_ref, o_ref):
  mp_ = a_ref[0, :NR] + a_ref[1, :NR]
  o_ref[...] = x_ref[...] - jnp.dot(mp_, _bd_compat(w_ref[...]),
                                    preferred_element_type=jnp.float32,
                                    precision=lax.Precision.HIGHEST)


def _final_body(q0_ref, x_ref, a_ref, w_ref, o_ref):
  mp_ = a_ref[0, :NR] + a_ref[1, :NR]
  q1 = x_ref[...] - jnp.dot(mp_, _bd_compat(w_ref[...]),
                            preferred_element_type=jnp.float32,
                            precision=lax.Precision.HIGHEST)
  t = q0_ref[...] + q1
  e = jnp.where(_lane_mask7(t.shape), jnp.exp(t), 0.0)
  s = jnp.dot(e, _bd8(), preferred_element_type=jnp.float32,
              precision=lax.Precision.HIGHEST)
  o_ref[...] = e / s


_out_sds = jax.ShapeDtypeStruct((NR, 128), jnp.float32)

_tc_softmax = pl.pallas_call(_softmax_body, out_shape=_out_sds)

_tc_dense = pl.pallas_call(_dense_body, out_shape=_out_sds)

_tc_final = pl.pallas_call(_final_body, out_shape=_out_sds)


def kernel(inputs, kernel_values, W3, kernel_indices):
  x16 = jnp.pad(inputs, ((0, 0), (0, DP - D))).reshape(NR, 128)
  w8 = jnp.pad(W3, ((0, 0), (0, DP - D), (0, DP - D)))
  zeros = jnp.zeros((ROWS_PER_TILE, DP), jnp.float32)

  q_soft = _tc_softmax(x16)
  a = _sc_spmm(q_soft.reshape(N, DP), kernel_indices, kernel_values, zeros)
  a16 = a.reshape(NC, NP_ // 16, 128)
  q0 = _tc_dense(x16, a16, w8[0])
  b = _sc_spmm(q0.reshape(N, DP), kernel_indices, kernel_values, zeros)
  b16 = b.reshape(NC, NP_ // 16, 128)
  out16 = _tc_final(q0, x16, b16, w8[1])
  return out16.reshape(N, DP)[:, :D]

# --- scband reference (transcript-rebuilt; emitter-appended) ---
"""Pipeline reference for scband-mrf-convolution-64699387347221 (READ-ONLY COPY).

The authoritative reference and input builder live on the scoring server;
editing this copy changes nothing except your own understanding.
"""

import jax, jax.numpy as jnp
import numpy as np

N = 100000
E = 6400000
D = 7
NUM_SUPPORTS = 2


def setup_inputs(seed: int = 0) -> dict:
    key = jax.random.key(seed)
    k1, k2, k3, k4 = jax.random.split(key, 4)
    inputs = jax.random.normal(k1, (N, D), dtype=jnp.float32)
    kernel_indices = jax.random.randint(k2, (2, E), 0, N, dtype=jnp.int32)
    kernel_values = jax.random.normal(k3, (E,), dtype=jnp.float32) * 0.05
    W3 = jax.random.uniform(k4, (NUM_SUPPORTS, D, D), dtype=jnp.float32, minval=-0.05, maxval=0.05)
    return {"inputs": inputs, "kernel_values": kernel_values, "W3": W3, "kernel_indices": kernel_indices}


def reference(inputs, kernel_values, W3, kernel_indices):
    rows = kernel_indices[0]
    cols = kernel_indices[1]
    q_values_1 = inputs
    # q_values = softmax(q_values_1)  (the -1*q line in the original is dead code)
    q_values = jax.nn.softmax(q_values_1, axis=-1)
    # compatibility1 = -1 * (-2*I + ones) = 2*I - ones
    compat_base = -1.0 * (-2.0 * jnp.eye(D, dtype=jnp.float32) + jnp.ones((D, D), dtype=jnp.float32))
    alpha2 = 1.0
    beta2 = 1.0
    supports = []
    output = None
    for i in range(NUM_SUPPORTS):
        # sparse kernel_1 @ q_values : gather rows of q by col index, scale, scatter-add by row
        gathered = q_values[cols] * kernel_values[:, None]
        message_passing = jax.ops.segment_sum(gathered, rows, num_segments=N)
        compatibility = W3[i] * compat_base
        pairwise = alpha2 * (message_passing @ compatibility)
        q_values = beta2 * (q_values_1 - pairwise)
        supports.append(q_values)
        output = supports[0]
        for s in supports[1:]:
            output = output + s
    # act = softmax
    return jax.nn.softmax(output, axis=-1)

if __name__ == "__main__":
    import jax
    _d = setup_inputs()
    print(jax.jit(kernel)(*tuple(_d.values())))

</pallas_src>

<mosaic_0001>
#map = affine_map<(d0, d1) -> (0, 0)>
#map1 = affine_map<(d0, d1) -> (0)>
#map2 = affine_map<(d0, d1) -> (0, 0, 0)>
module attributes {stable_mosaic.version = 14 : i64} {
  func.func @_spmm_body(%arg0: i32, %arg1: i32, %arg2: memref<100000x8xf32, #tpu.memory_space<hbm>>, %arg3: memref<2x6400000xi32, #tpu.memory_space<hbm>>, %arg4: memref<6400000xf32, #tpu.memory_space<hbm>>, %arg5: memref<6256x8xf32, #tpu.memory_space<hbm>>, %arg6: memref<2x100096x8xf32, #tpu.memory_space<hbm>>, %arg7: memref<100096x8xf32, #tpu.memory_space<vmem_shared>>, %arg8: memref<2048xi32, #tpu.memory_space<vmem>>, %arg9: memref<2048xi32, #tpu.memory_space<vmem>>, %arg10: memref<2048xi32, #tpu.memory_space<vmem>>, %arg11: memref<2048xi32, #tpu.memory_space<vmem>>, %arg12: memref<2048xf32, #tpu.memory_space<vmem>>, %arg13: memref<2048xf32, #tpu.memory_space<vmem>>, %arg14: memref<2048x8xf32, #tpu.memory_space<vmem>>, %arg15: memref<2048x8xf32, #tpu.memory_space<vmem>>, %arg16: memref<2048x8xf32, #tpu.memory_space<vmem>>, %arg17: memref<2048x8xf32, #tpu.memory_space<vmem>>, %arg18: memref<!tpu.dma_semaphore, #tpu.memory_space<semaphore_mem>>, %arg19: memref<!tpu.dma_semaphore, #tpu.memory_space<semaphore_mem>>, %arg20: memref<!tpu.dma_semaphore, #tpu.memory_space<semaphore_mem>>, %arg21: memref<!tpu.dma_semaphore, #tpu.memory_space<semaphore_mem>>, %arg22: memref<!tpu.dma_semaphore, #tpu.memory_space<semaphore_mem>>, %arg23: memref<!tpu.dma_semaphore, #tpu.memory_space<semaphore_mem>>) attributes {dimension_semantics = [#tpu.dimension_semantics<core_parallel>, #tpu.dimension_semantics<subcore_parallel>], iteration_bounds = array<i64: 2, 16>, scalar_prefetch = 0 : i64, scratch_operands = 17 : i64, tpu.core_type = #tpu.core_type<sc_vector_subcore>, window_params = [{transform_indices = #map}, {transform_indices = #map}, {transform_indices = #map1}, {transform_indices = #map}, {transform_indices = #map2}]} {
    %mul3A = arith.constant 2 : i32
    %mul3A_0 = arith.muli %arg1, %mul3A : i32
    %add3A = arith.addi %mul3A_0, %arg0 : i32
    %mul3A_1 = arith.constant 6256 : i32
    %mul3A_2 = arith.muli %arg1, %mul3A_1 : i32
    "tpu.region"() ({
      %run_scoped3A = tpu.sem_alloc : memref<!tpu.dma_semaphore, #tpu.memory_space<semaphore_mem>>
      %dma_start3A = arith.constant 0 : i32
      %dma_start3A_91 = tpu.memref_slice %arg7[%mul3A_2, %dma_start3A] : memref<100096x8xf32, #tpu.memory_space<vmem_shared>> -> memref<6256x8xf32, #tpu.memory_space<vmem_shared>>
      tpu.enqueue_dma source(%arg5 : memref<6256x8xf32, #tpu.memory_space<hbm>>) target(%dma_start3A_91 : memref<6256x8xf32, #tpu.memory_space<vmem_shared>>) target_semaphore(%run_scoped3A : memref<!tpu.dma_semaphore, #tpu.memory_space<semaphore_mem>>)
      %dma_wait3A = arith.constant 0 : i32
      %dma_wait3A_92 = tpu.memref_slice %arg7[%mul3A_2, %dma_wait3A] : memref<100096x8xf32, #tpu.memory_space<vmem_shared>> -> memref<6256x8xf32, #tpu.memory_space<vmem_shared>>
      tpu.wait_dma2 semaphore(%run_scoped3A : memref<!tpu.dma_semaphore, #tpu.memory_space<semaphore_mem>>) src(%arg5 : memref<6256x8xf32, #tpu.memory_space<hbm>>) dst(%dma_wait3A_92 : memref<6256x8xf32, #tpu.memory_space<vmem_shared>>)
      tpu.yield
    }) : () -> ()
    %barrier3A = arith.constant 0 : index
    tpu.barrier barrier_id(%barrier3A)
    %iota3A = tpu.iota {dimensions = array<i32: 0>} : vector<16xi32>
    %shift_right_logical3A = arith.constant 3 : i32
    %shift_right_logical3A_3 = vector.broadcast %shift_right_logical3A : i32 to vector<16xi32>
    %shift_right_logical3A_4 = arith.shrui %iota3A, %shift_right_logical3A_3 : vector<16xi32>
    %iota3A_5 = tpu.iota {dimensions = array<i32: 0>} : vector<16xi32>
    %and3A = arith.constant 7 : i32
    %and3A_6 = vector.broadcast %and3A : i32 to vector<16xi32>
    %and3A_7 = arith.andi %iota3A_5, %and3A_6 : vector<16xi32>
    %lt3A = arith.constant 21 : i32
    %lt3A_8 = arith.cmpi slt, %add3A, %lt3A : i32
    %jit3A = arith.constant 1 : i32
    %jit3A_9 = arith.constant 0 : i32
    %select_n3A = arith.select %lt3A_8, %jit3A, %jit3A_9 : i32
    %add3A_10 = arith.constant 97 : i32
    %add3A_11 = arith.addi %add3A_10, %select_n3A : i32
    %gt3A = arith.constant 0 : i32
    %gt3A_12 = arith.cmpi sgt, %add3A_11, %gt3A : i32
    %convert_element_type3A = arith.extui %gt3A_12 : i1 to i32
    %cond3A = arith.constant 0 : i32
    %cond3A_13 = arith.cmpi ne, %convert_element_type3A, %cond3A : i32
    scf.if %cond3A_13 {
      %add3A_91 = arith.constant 0 : i32
      %add3A_92 = arith.addi %add3A, %add3A_91 : i32
      %mul3A_93 = arith.constant 2048 : i32
      %mul3A_94 = arith.muli %add3A_92, %mul3A_93 : i32
      %dma_start3A = arith.constant 1 : i32
      %dma_start3A_95 = tpu.memref_slice %arg3[%dma_start3A, %mul3A_94] : memref<2x6400000xi32, #tpu.memory_space<hbm>> -> memref<1x2048xi32, #tpu.memory_space<hbm>>
      %dma_start3A_96 = tpu.memref_squeeze %dma_start3A_95 : memref<1x2048xi32, #tpu.memory_space<hbm>> -> memref<2048xi32, #tpu.memory_space<hbm>>
      %dma_start3A_97 = tpu.memref_slice %arg3[%dma_start3A, %mul3A_94] : memref<2x6400000xi32, #tpu.memory_space<hbm>> -> memref<1x2048xi32, #tpu.memory_space<hbm>>
      %dma_start3A_98 = tpu.memref_squeeze %dma_start3A_97 : memref<1x2048xi32, #tpu.memory_space<hbm>> -> memref<2048xi32, #tpu.memory_space<hbm>>
      tpu.enqueue_dma source(%dma_start3A_98 : memref<2048xi32, #tpu.memory_space<hbm>>) target(%arg8 : memref<2048xi32, #tpu.memory_space<vmem>>) target_semaphore(%arg18 : memref<!tpu.dma_semaphore, #tpu.memory_space<semaphore_mem>>)
      %dma_start3A_99 = arith.constant 0 : i32
      %dma_start3A_100 = tpu.memref_slice %arg3[%dma_start3A_99, %mul3A_94] : memref<2x6400000xi32, #tpu.memory_space<hbm>> -> memref<1x2048xi32, #tpu.memory_space<hbm>>
      %dma_start3A_101 = tpu.memref_squeeze %dma_start3A_100 : memref<1x2048xi32, #tpu.memory_space<hbm>> -> memref<2048xi32, #tpu.memory_space<hbm>>
      %dma_start3A_102 = tpu.memref_slice %arg3[%dma_start3A_99, %mul3A_94] : memref<2x6400000xi32, #tpu.memory_space<hbm>> -> memref<1x2048xi32, #tpu.memory_space<hbm>>
      %dma_start3A_103 = tpu.memref_squeeze %dma_start3A_102 : memref<1x2048xi32, #tpu.memory_space<hbm>> -> memref<2048xi32, #tpu.memory_space<hbm>>
      tpu.enqueue_dma source(%dma_start3A_103 : memref<2048xi32, #tpu.memory_space<hbm>>) target(%arg10 : memref<2048xi32, #tpu.memory_space<vmem>>) target_semaphore(%arg18 : memref<!tpu.dma_semaphore, #tpu.memory_space<semaphore_mem>>)
      %dma_start3A_104 = tpu.memref_slice %arg4[%mul3A_94] : memref<6400000xf32, #tpu.memory_space<hbm>> -> memref<2048xf32, #tpu.memory_space<hbm>>
      %dma_start3A_105 = tpu.memref_slice %arg4[%mul3A_94] : memref<6400000xf32, #tpu.memory_space<hbm>> -> memref<2048xf32, #tpu.memory_space<hbm>>
      tpu.enqueue_dma source(%dma_start3A_105 : memref<2048xf32, #tpu.memory_space<hbm>>) target(%arg12 : memref<2048xf32, #tpu.memory_space<vmem>>) target_semaphore(%arg18 : memref<!tpu.dma_semaphore, #tpu.memory_space<semaphore_mem>>)
      %dma_wait3A = arith.constant 1 : i32
      %dma_wait3A_106 = arith.constant 0 : i32
      %dma_wait3A_107 = tpu.memref_slice %arg3[%dma_wait3A, %dma_wait3A_106] : memref<2x6400000xi32, #tpu.memory_space<hbm>> -> memref<1x2048xi32, #tpu.memory_space<hbm>>
      %dma_wait3A_108 = tpu.memref_squeeze %dma_wait3A_107 : memref<1x2048xi32, #tpu.memory_space<hbm>> -> memref<2048xi32, #tpu.memory_space<hbm>>
      %dma_wait3A_109 = arith.constant 0 : i32
      %dma_wait3A_110 = tpu.memref_slice %arg3[%dma_wait3A, %dma_wait3A_109] : memref<2x6400000xi32, #tpu.memory_space<hbm>> -> memref<1x2048xi32, #tpu.memory_space<hbm>>
      %dma_wait3A_111 = tpu.memref_squeeze %dma_wait3A_110 : memref<1x2048xi32, #tpu.memory_space<hbm>> -> memref<2048xi32, #tpu.memory_space<hbm>>
      tpu.wait_dma2 semaphore(%arg18 : memref<!tpu.dma_semaphore, #tpu.memory_space<semaphore_mem>>) src(%dma_wait3A_111 : memref<2048xi32, #tpu.memory_space<hbm>>) dst(%arg8 : memref<2048xi32, #tpu.memory_space<vmem>>)
      %dma_wait3A_112 = arith.constant 0 : i32
      %dma_wait3A_113 = arith.constant 0 : i32
      %dma_wait3A_114 = tpu.memref_slice %arg3[%dma_wait3A_112, %dma_wait3A_113] : memref<2x6400000xi32, #tpu.memory_space<hbm>> -> memref<1x2048xi32, #tpu.memory_space<hbm>>
      %dma_wait3A_115 = tpu.memref_squeeze %dma_wait3A_114 : memref<1x2048xi32, #tpu.memory_space<hbm>> -> memref<2048xi32, #tpu.memory_space<hbm>>
      %dma_wait3A_116 = arith.constant 0 : i32
      %dma_wait3A_117 = tpu.memref_slice %arg3[%dma_wait3A_112, %dma_wait3A_116] : memref<2x6400000xi32, #tpu.memory_space<hbm>> -> memref<1x2048xi32, #tpu.memory_space<hbm>>
      %dma_wait3A_118 = tpu.memref_squeeze %dma_wait3A_117 : memref<1x2048xi32, #tpu.memory_space<hbm>> -> memref<2048xi32, #tpu.memory_space<hbm>>
      tpu.wait_dma2 semaphore(%arg18 : memref<!tpu.dma_semaphore, #tpu.memory_space<semaphore_mem>>) src(%dma_wait3A_118 : memref<2048xi32, #tpu.memory_space<hbm>>) dst(%arg10 : memref<2048xi32, #tpu.memory_space<vmem>>)
      %dma_wait3A_119 = arith.constant 0 : i32
      %dma_wait3A_120 = tpu.memref_slice %arg4[%dma_wait3A_119] : memref<6400000xf32, #tpu.memory_space<hbm>> -> memref<2048xf32, #tpu.memory_space<hbm>>
      %dma_wait3A_121 = arith.constant 0 : i32
      %dma_wait3A_122 = tpu.memref_slice %arg4[%dma_wait3A_121] : memref<6400000xf32, #tpu.memory_space<hbm>> -> memref<2048xf32, #tpu.memory_space<hbm>>
      tpu.wait_dma2 semaphore(%arg18 : memref<!tpu.dma_semaphore, #tpu.memory_space<semaphore_mem>>) src(%dma_wait3A_122 : memref<2048xf32, #tpu.memory_space<hbm>>) dst(%arg12 : memref<2048xf32, #tpu.memory_space<vmem>>)
      %dma_start3A_123 = arith.constant 0 : i32
      %dma_start3A_124 = arith.constant 0 : i32
      %dma_start3A_125 = tpu.memref_slice %arg2[%dma_start3A_123, %dma_start3A_124] : memref<100000x8xf32, #tpu.memory_space<hbm>> -> memref<100000x8xf32, #tpu.memory_space<hbm>>
      tpu.enqueue_indirect_dma source(%dma_start3A_125 : memref<100000x8xf32, #tpu.memory_space<hbm>>) target(%arg14 : memref<2048x8xf32, #tpu.memory_space<vmem>>) offsets(%arg8 : memref<2048xi32, #tpu.memory_space<vmem>>) semaphore(%arg20 : memref<!tpu.dma_semaphore, #tpu.memory_space<semaphore_mem>>)
    } else {
    }
    %add3A_14 = arith.constant 1 : i32
    %add3A_15 = arith.addi %add3A_11, %add3A_14 : i32
    %jit3A_16 = arith.constant 2 : i32
    %div3A = arith.divsi %add3A_15, %jit3A_16 : i32
    %sign3A = arith.constant 0 : i32
    %sign3A_17 = arith.cmpi sgt, %add3A_15, %sign3A : i32
    %sign3A_18 = arith.extui %sign3A_17 : i1 to i32
    %sign3A_19 = arith.constant 0 : i32
    %sign3A_20 = arith.cmpi slt, %add3A_15, %sign3A_19 : i32
    %sign3A_21 = arith.extui %sign3A_20 : i1 to i32
    %sign3A_22 = arith.subi %sign3A_18, %sign3A_21 : i32
    %sign3A_23 = arith.constant 0 : i32
    %sign3A_24 = arith.cmpi sgt, %jit3A_16, %sign3A_23 : i32
    %sign3A_25 = arith.extui %sign3A_24 : i1 to i32
    %sign3A_26 = arith.constant 0 : i32
    %sign3A_27 = arith.cmpi slt, %jit3A_16, %sign3A_26 : i32
    %sign3A_28 = arith.extui %sign3A_27 : i1 to i32
    %sign3A_29 = arith.subi %sign3A_25, %sign3A_28 : i32
    %ne3A = arith.cmpi ne, %sign3A_22, %sign3A_29 : i32
    %rem3A = arith.remsi %add3A_15, %jit3A_16 : i32
    %ne3A_30 = arith.constant 0 : i32
    %ne3A_31 = arith.cmpi ne, %rem3A, %ne3A_30 : i32
    %and3A_32 = arith.andi %ne3A, %ne3A_31 : i1
    %sub3A = arith.constant 1 : i32
    %sub3A_33 = arith.subi %div3A, %sub3A : i32
    %select_n3A_34 = arith.select %and3A_32, %sub3A_33, %div3A : i32
    %while3A = arith.constant 0 : i32
    %while3A_35 = arith.constant 0 : i32
    %while3A_36 = arith.subi %select_n3A_34, %while3A : i32
    %while3A_37 = arith.addi %while3A, %while3A_36 : i32
    %while3A_38 = arith.constant 1 : i32
    %while3A_39 = arith.divsi %while3A_36, %while3A_38 : i32
    %while3A_40 = arith.muli %while3A_39, %while3A_38 : i32
    %while3A_41 = arith.addi %while3A, %while3A_40 : i32
    %while3A_42 = arith.constant 1 : i32
    %while3A_43 = scf.for %while3A_91 = %while3A to %while3A_41 step %while3A_42 iter_args(%while3A_92 = %while3A_35) -> (i32)  : i32 {
      %mul3A_93 = arith.constant 2 : i32
      %mul3A_94 = arith.muli %mul3A_93, %while3A_91 : i32
      %add3A_95 = arith.constant 0 : i32
      %add3A_96 = arith.addi %mul3A_94, %add3A_95 : i32
      %lt3A_97 = arith.cmpi slt, %add3A_96, %add3A_11 : i32
      %convert_element_type3A_98 = arith.extui %lt3A_97 : i1 to i32
      %cond3A_99 = arith.constant 0 : i32
      %cond3A_100 = arith.cmpi ne, %convert_element_type3A_98, %cond3A_99 : i32
      scf.if %cond3A_100 {
        %ge3A = arith.constant 1 : i32
        %ge3A_110 = arith.cmpi sge, %add3A_96, %ge3A : i32
        %convert_element_type3A_111 = arith.extui %ge3A_110 : i1 to i32
        %cond3A_112 = arith.constant 0 : i32
        %cond3A_113 = arith.cmpi ne, %convert_element_type3A_111, %cond3A_112 : i32
        scf.if %cond3A_113 {
          %dma_wait3A_132 = arith.constant 0 : i32
          %dma_wait3A_133 = arith.constant 0 : i32
          %dma_wait3A_134 = tpu.memref_slice %arg7[%dma_wait3A_132, %dma_wait3A_133] : memref<100096x8xf32, #tpu.memory_space<vmem_shared>> -> memref<100096x8xf32, #tpu.memory_space<vmem_shared>>
          tpu.wait_indirect_dma semaphore(%arg23 : memref<!tpu.dma_semaphore, #tpu.memory_space<semaphore_mem>>) src(%arg17 : memref<2048x8xf32, #tpu.memory_space<vmem>>) dst(%dma_wait3A_134 : memref<100096x8xf32, #tpu.memory_space<vmem_shared>>)
        } else {
        }
        %add3A_114 = arith.constant 1 : i32
        %add3A_115 = arith.addi %add3A_96, %add3A_114 : i32
        %lt3A_116 = arith.cmpi slt, %add3A_115, %add3A_11 : i32
        %convert_element_type3A_117 = arith.extui %lt3A_116 : i1 to i32
        %cond3A_118 = arith.constant 0 : i32
        %cond3A_119 = arith.cmpi ne, %convert_element_type3A_117, %cond3A_118 : i32
        scf.if %cond3A_119 {
          %add3A_132 = arith.constant 1 : i32
          %add3A_133 = arith.addi %add3A_96, %add3A_132 : i32
          %mul3A_134 = arith.constant 32 : i32
          %mul3A_135 = arith.muli %add3A_133, %mul3A_134 : i32
          %add3A_136 = arith.addi %add3A, %mul3A_135 : i32
          %mul3A_137 = arith.constant 2048 : i32
          %mul3A_138 = arith.muli %add3A_136, %mul3A_137 : i32
          %dma_start3A_139 = arith.constant 1 : i32
          %dma_start3A_140 = tpu.memref_slice %arg3[%dma_start3A_139, %mul3A_138] : memref<2x6400000xi32, #tpu.memory_space<hbm>> -> memref<1x2048xi32, #tpu.memory_space<hbm>>
          %dma_start3A_141 = tpu.memref_squeeze %dma_start3A_140 : memref<1x2048xi32, #tpu.memory_space<hbm>> -> memref<2048xi32, #tpu.memory_space<hbm>>
          %dma_start3A_142 = tpu.memref_slice %arg3[%dma_start3A_139, %mul3A_138] : memref<2x6400000xi32, #tpu.memory_space<hbm>> -> memref<1x2048xi32, #tpu.memory_space<hbm>>
          %dma_start3A_143 = tpu.memref_squeeze %dma_start3A_142 : memref<1x2048xi32, #tpu.memory_space<hbm>> -> memref<2048xi32, #tpu.memory_space<hbm>>
          tpu.enqueue_dma source(%dma_start3A_143 : memref<2048xi32, #tpu.memory_space<hbm>>) target(%arg9 : memref<2048xi32, #tpu.memory_space<vmem>>) target_semaphore(%arg19 : memref<!tpu.dma_semaphore, #tpu.memory_space<semaphore_mem>>)
          %dma_start3A_144 = arith.constant 0 : i32
          %dma_start3A_145 = tpu.memref_slice %arg3[%dma_start3A_144, %mul3A_138] : memref<2x6400000xi32, #tpu.memory_space<hbm>> -> memref<1x2048xi32, #tpu.memory_space<hbm>>
          %dma_start3A_146 = tpu.memref_squeeze %dma_start3A_145 : memref<1x2048xi32, #tpu.memory_space<hbm>> -> memref<2048xi32, #tpu.memory_space<hbm>>
          %dma_start3A_147 = tpu.memref_slice %arg3[%dma_start3A_144, %mul3A_138] : memref<2x6400000xi32, #tpu.memory_space<hbm>> -> memref<1x2048xi32, #tpu.memory_space<hbm>>
          %dma_start3A_148 = tpu.memref_squeeze %dma_start3A_147 : memref<1x2048xi32, #tpu.memory_space<hbm>> -> memref<2048xi32, #tpu.memory_space<hbm>>
          tpu.enqueue_dma source(%dma_start3A_148 : memref<2048xi32, #tpu.memory_space<hbm>>) target(%arg11 : memref<2048xi32, #tpu.memory_space<vmem>>) target_semaphore(%arg19 : memref<!tpu.dma_semaphore, #tpu.memory_space<semaphore_mem>>)
          %dma_start3A_149 = tpu.memref_slice %arg4[%mul3A_138] : memref<6400000xf32, #tpu.memory_space<hbm>> -> memref<2048xf32, #tpu.memory_space<hbm>>
          %dma_start3A_150 = tpu.memref_slice %arg4[%mul3A_138] : memref<6400000xf32, #tpu.memory_space<hbm>> -> memref<2048xf32, #tpu.memory_space<hbm>>
          tpu.enqueue_dma source(%dma_start3A_150 : memref<2048xf32, #tpu.memory_space<hbm>>) target(%arg13 : memref<2048xf32, #tpu.memory_space<vmem>>) target_semaphore(%arg19 : memref<!tpu.dma_semaphore, #tpu.memory_space<semaphore_mem>>)
        } else {
        }
        %dma_wait3A = arith.constant 0 : i32
        %dma_wait3A_120 = arith.constant 0 : i32
        %dma_wait3A_121 = tpu.memref_slice %arg2[%dma_wait3A, %dma_wait3A_120] : memref<100000x8xf32, #tpu.memory_space<hbm>> -> memref<100000x8xf32, #tpu.memory_space<hbm>>
        tpu.wait_indirect_dma semaphore(%arg20 : memref<!tpu.dma_semaphore, #tpu.memory_space<semaphore_mem>>) src(%dma_wait3A_121 : memref<100000x8xf32, #tpu.memory_space<hbm>>) dst(%arg14 : memref<2048x8xf32, #tpu.memory_space<vmem>>)
        %parallel_loop3A = arith.constant 0 : i32
        %parallel_loop3A_122 = arith.constant 1024 : i32
        %parallel_loop3A_123 = arith.constant 1 : i32
        scf.for %parallel_loop3A_132 = %parallel_loop3A to %parallel_loop3A_122 step %parallel_loop3A_123  : i32 {
          %parallel_loop3A_133 = arith.constant 2 : i32
          %parallel_loop3A_134 = arith.muli %parallel_loop3A_133, %parallel_loop3A_132 : i32
          %parallel_loop3A_135 = vector.broadcast %parallel_loop3A_134 : i32 to vector<16xi32>
          %parallel_loop3A_136 = arith.addi %shift_right_logical3A_4, %parallel_loop3A_135 : vector<16xi32>
          %parallel_loop3A_137 = tpu.vector_load_idx %arg14[%parallel_loop3A_136, %and3A_7] : memref<2048x8xf32, #tpu.memory_space<vmem>>[vector<16xi32>, vector<16xi32>], vector<16xf32>,
          %parallel_loop3A_138 = tpu.vector_load_idx %arg12[%parallel_loop3A_136] : memref<2048xf32, #tpu.memory_space<vmem>>[vector<16xi32>], vector<16xf32>,
          %parallel_loop3A_139 = arith.mulf %parallel_loop3A_137, %parallel_loop3A_138 : vector<16xf32>
          tpu.vector_store_idx %arg16[%parallel_loop3A_136, %and3A_7], %parallel_loop3A_139 : memref<2048x8xf32, #tpu.memory_space<vmem>>[vector<16xi32>, vector<16xi32>], vector<16xf32>,
        } {sc.loop_unroll_factor = 8 : i64, sc.parallel_access}
        %dma_start3A = arith.constant 0 : i32
        %dma_start3A_124 = arith.constant 0 : i32
        %dma_start3A_125 = tpu.memref_slice %arg7[%dma_start3A, %dma_start3A_124] : memref<100096x8xf32, #tpu.memory_space<vmem_shared>> -> memref<100096x8xf32, #tpu.memory_space<vmem_shared>>
        tpu.enqueue_indirect_dma source(%arg16 : memref<2048x8xf32, #tpu.memory_space<vmem>>) target(%dma_start3A_125 : memref<100096x8xf32, #tpu.memory_space<vmem_shared>>) offsets(%arg10 : memref<2048xi32, #tpu.memory_space<vmem>>) semaphore(%arg22 : memref<!tpu.dma_semaphore, #tpu.memory_space<semaphore_mem>>) {add = true}
        %add3A_126 = arith.constant 1 : i32
        %add3A_127 = arith.addi %add3A_96, %add3A_126 : i32
        %lt3A_128 = arith.cmpi slt, %add3A_127, %add3A_11 : i32
        %convert_element_type3A_129 = arith.extui %lt3A_128 : i1 to i32
        %cond3A_130 = arith.constant 0 : i32
        %cond3A_131 = arith.cmpi ne, %convert_element_type3A_129, %cond3A_130 : i32
        scf.if %cond3A_131 {
          %dma_wait3A_132 = arith.constant 1 : i32
          %dma_wait3A_133 = arith.constant 0 : i32
          %dma_wait3A_134 = tpu.memref_slice %arg3[%dma_wait3A_132, %dma_wait3A_133] : memref<2x6400000xi32, #tpu.memory_space<hbm>> -> memref<1x2048xi32, #tpu.memory_space<hbm>>
          %dma_wait3A_135 = tpu.memref_squeeze %dma_wait3A_134 : memref<1x2048xi32, #tpu.memory_space<hbm>> -> memref<2048xi32, #tpu.memory_space<hbm>>
          %dma_wait3A_136 = arith.constant 0 : i32
          %dma_wait3A_137 = tpu.memref_slice %arg3[%dma_wait3A_132, %dma_wait3A_136] : memref<2x6400000xi32, #tpu.memory_space<hbm>> -> memref<1x2048xi32, #tpu.memory_space<hbm>>
          %dma_wait3A_138 = tpu.memref_squeeze %dma_wait3A_137 : memref<1x2048xi32, #tpu.memory_space<hbm>> -> memref<2048xi32, #tpu.memory_space<hbm>>
          tpu.wait_dma2 semaphore(%arg19 : memref<!tpu.dma_semaphore, #tpu.memory_space<semaphore_mem>>) src(%dma_wait3A_138 : memref<2048xi32, #tpu.memory_space<hbm>>) dst(%arg9 : memref<2048xi32, #tpu.memory_space<vmem>>)
          %dma_wait3A_139 = arith.constant 0 : i32
          %dma_wait3A_140 = arith.constant 0 : i32
          %dma_wait3A_141 = tpu.memref_slice %arg3[%dma_wait3A_139, %dma_wait3A_140] : memref<2x6400000xi32, #tpu.memory_space<hbm>> -> memref<1x2048xi32, #tpu.memory_space<hbm>>
          %dma_wait3A_142 = tpu.memref_squeeze %dma_wait3A_141 : memref<1x2048xi32, #tpu.memory_space<hbm>> -> memref<2048xi32, #tpu.memory_space<hbm>>
          %dma_wait3A_143 = arith.constant 0 : i32
          %dma_wait3A_144 = tpu.memref_slice %arg3[%dma_wait3A_139, %dma_wait3A_143] : memref<2x6400000xi32, #tpu.memory_space<hbm>> -> memref<1x2048xi32, #tpu.memory_space<hbm>>
          %dma_wait3A_145 = tpu.memref_squeeze %dma_wait3A_144 : memref<1x2048xi32, #tpu.memory_space<hbm>> -> memref<2048xi32, #tpu.memory_space<hbm>>
          tpu.wait_dma2 semaphore(%arg19 : memref<!tpu.dma_semaphore, #tpu.memory_space<semaphore_mem>>) src(%dma_wait3A_145 : memref<2048xi32, #tpu.memory_space<hbm>>) dst(%arg11 : memref<2048xi32, #tpu.memory_space<vmem>>)
          %dma_wait3A_146 = arith.constant 0 : i32
          %dma_wait3A_147 = tpu.memref_slice %arg4[%dma_wait3A_146] : memref<6400000xf32, #tpu.memory_space<hbm>> -> memref<2048xf32, #tpu.memory_space<hbm>>
          %dma_wait3A_148 = arith.constant 0 : i32
          %dma_wait3A_149 = tpu.memref_slice %arg4[%dma_wait3A_148] : memref<6400000xf32, #tpu.memory_space<hbm>> -> memref<2048xf32, #tpu.memory_space<hbm>>
          tpu.wait_dma2 semaphore(%arg19 : memref<!tpu.dma_semaphore, #tpu.memory_space<semaphore_mem>>) src(%dma_wait3A_149 : memref<2048xf32, #tpu.memory_space<hbm>>) dst(%arg13 : memref<2048xf32, #tpu.memory_space<vmem>>)
          %dma_start3A_150 = arith.constant 0 : i32
          %dma_start3A_151 = arith.constant 0 : i32
          %dma_start3A_152 = tpu.memref_slice %arg2[%dma_start3A_150, %dma_start3A_151] : memref<100000x8xf32, #tpu.memory_space<hbm>> -> memref<100000x8xf32, #tpu.memory_space<hbm>>
          tpu.enqueue_indirect_dma source(%dma_start3A_152 : memref<100000x8xf32, #tpu.memory_space<hbm>>) target(%arg15 : memref<2048x8xf32, #tpu.memory_space<vmem>>) offsets(%arg9 : memref<2048xi32, #tpu.memory_space<vmem>>) semaphore(%arg21 : memref<!tpu.dma_semaphore, #tpu.memory_space<semaphore_mem>>)
        } else {
        }
      } else {
      }
      %mul3A_101 = arith.constant 2 : i32
      %mul3A_102 = arith.muli %mul3A_101, %while3A_91 : i32
      %add3A_103 = arith.constant 1 : i32
      %add3A_104 = arith.addi %mul3A_102, %add3A_103 : i32
      %lt3A_105 = arith.cmpi slt, %add3A_104, %add3A_11 : i32
      %convert_element_type3A_106 = arith.extui %lt3A_105 : i1 to i32
      %cond3A_107 = arith.constant 0 : i32
      %cond3A_108 = arith.cmpi ne, %convert_element_type3A_106, %cond3A_107 : i32
      scf.if %cond3A_108 {
        %ge3A = arith.constant 1 : i32
        %ge3A_110 = arith.cmpi sge, %add3A_104, %ge3A : i32
        %convert_element_type3A_111 = arith.extui %ge3A_110 : i1 to i32
        %cond3A_112 = arith.constant 0 : i32
        %cond3A_113 = arith.cmpi ne, %convert_element_type3A_111, %cond3A_112 : i32
        scf.if %cond3A_113 {
          %dma_wait3A_132 = arith.constant 0 : i32
          %dma_wait3A_133 = arith.constant 0 : i32
          %dma_wait3A_134 = tpu.memref_slice %arg7[%dma_wait3A_132, %dma_wait3A_133] : memref<100096x8xf32, #tpu.memory_space<vmem_shared>> -> memref<100096x8xf32, #tpu.memory_space<vmem_shared>>
          tpu.wait_indirect_dma semaphore(%arg22 : memref<!tpu.dma_semaphore, #tpu.memory_space<semaphore_mem>>) src(%arg16 : memref<2048x8xf32, #tpu.memory_space<vmem>>) dst(%dma_wait3A_134 : memref<100096x8xf32, #tpu.memory_space<vmem_shared>>)
        } else {
        }
        %add3A_114 = arith.constant 1 : i32
        %add3A_115 = arith.addi %add3A_104, %add3A_114 : i32
        %lt3A_116 = arith.cmpi slt, %add3A_115, %add3A_11 : i32
        %convert_element_type3A_117 = arith.extui %lt3A_116 : i1 to i32
        %cond3A_118 = arith.constant 0 : i32
        %cond3A_119 = arith.cmpi ne, %convert_element_type3A_117, %cond3A_118 : i32
        scf.if %cond3A_119 {
          %add3A_132 = arith.constant 1 : i32
          %add3A_133 = arith.addi %add3A_104, %add3A_132 : i32
          %mul3A_134 = arith.constant 32 : i32
          %mul3A_135 = arith.muli %add3A_133, %mul3A_134 : i32
          %add3A_136 = arith.addi %add3A, %mul3A_135 : i32
          %mul3A_137 = arith.constant 2048 : i32
          %mul3A_138 = arith.muli %add3A_136, %mul3A_137 : i32
          %dma_start3A_139 = arith.constant 1 : i32
          %dma_start3A_140 = tpu.memref_slice %arg3[%dma_start3A_139, %mul3A_138] : memref<2x6400000xi32, #tpu.memory_space<hbm>> -> memref<1x2048xi32, #tpu.memory_space<hbm>>
          %dma_start3A_141 = tpu.memref_squeeze %dma_start3A_140 : memref<1x2048xi32, #tpu.memory_space<hbm>> -> memref<2048xi32, #tpu.memory_space<hbm>>
          %dma_start3A_142 = tpu.memref_slice %arg3[%dma_start3A_139, %mul3A_138] : memref<2x6400000xi32, #tpu.memory_space<hbm>> -> memref<1x2048xi32, #tpu.memory_space<hbm>>
          %dma_start3A_143 = tpu.memref_squeeze %dma_start3A_142 : memref<1x2048xi32, #tpu.memory_space<hbm>> -> memref<2048xi32, #tpu.memory_space<hbm>>
          tpu.enqueue_dma source(%dma_start3A_143 : memref<2048xi32, #tpu.memory_space<hbm>>) target(%arg8 : memref<2048xi32, #tpu.memory_space<vmem>>) target_semaphore(%arg18 : memref<!tpu.dma_semaphore, #tpu.memory_space<semaphore_mem>>)
          %dma_start3A_144 = arith.constant 0 : i32
          %dma_start3A_145 = tpu.memref_slice %arg3[%dma_start3A_144, %mul3A_138] : memref<2x6400000xi32, #tpu.memory_space<hbm>> -> memref<1x2048xi32, #tpu.memory_space<hbm>>
          %dma_start3A_146 = tpu.memref_squeeze %dma_start3A_145 : memref<1x2048xi32, #tpu.memory_space<hbm>> -> memref<2048xi32, #tpu.memory_space<hbm>>
          %dma_start3A_147 = tpu.memref_slice %arg3[%dma_start3A_144, %mul3A_138] : memref<2x6400000xi32, #tpu.memory_space<hbm>> -> memref<1x2048xi32, #tpu.memory_space<hbm>>
          %dma_start3A_148 = tpu.memref_squeeze %dma_start3A_147 : memref<1x2048xi32, #tpu.memory_space<hbm>> -> memref<2048xi32, #tpu.memory_space<hbm>>
          tpu.enqueue_dma source(%dma_start3A_148 : memref<2048xi32, #tpu.memory_space<hbm>>) target(%arg10 : memref<2048xi32, #tpu.memory_space<vmem>>) target_semaphore(%arg18 : memref<!tpu.dma_semaphore, #tpu.memory_space<semaphore_mem>>)
          %dma_start3A_149 = tpu.memref_slice %arg4[%mul3A_138] : memref<6400000xf32, #tpu.memory_space<hbm>> -> memref<2048xf32, #tpu.memory_space<hbm>>
          %dma_start3A_150 = tpu.memref_slice %arg4[%mul3A_138] : memref<6400000xf32, #tpu.memory_space<hbm>> -> memref<2048xf32, #tpu.memory_space<hbm>>
          tpu.enqueue_dma source(%dma_start3A_150 : memref<2048xf32, #tpu.memory_space<hbm>>) target(%arg12 : memref<2048xf32, #tpu.memory_space<vmem>>) target_semaphore(%arg18 : memref<!tpu.dma_semaphore, #tpu.memory_space<semaphore_mem>>)
        } else {
        }
        %dma_wait3A = arith.constant 0 : i32
        %dma_wait3A_120 = arith.constant 0 : i32
        %dma_wait3A_121 = tpu.memref_slice %arg2[%dma_wait3A, %dma_wait3A_120] : memref<100000x8xf32, #tpu.memory_space<hbm>> -> memref<100000x8xf32, #tpu.memory_space<hbm>>
        tpu.wait_indirect_dma semaphore(%arg21 : memref<!tpu.dma_semaphore, #tpu.memory_space<semaphore_mem>>) src(%dma_wait3A_121 : memref<100000x8xf32, #tpu.memory_space<hbm>>) dst(%arg15 : memref<2048x8xf32, #tpu.memory_space<vmem>>)
        %parallel_loop3A = arith.constant 0 : i32
        %parallel_loop3A_122 = arith.constant 1024 : i32
        %parallel_loop3A_123 = arith.constant 1 : i32
        scf.for %parallel_loop3A_132 = %parallel_loop3A to %parallel_loop3A_122 step %parallel_loop3A_123  : i32 {
          %parallel_loop3A_133 = arith.constant 2 : i32
          %parallel_loop3A_134 = arith.muli %parallel_loop3A_133, %parallel_loop3A_132 : i32
          %parallel_loop3A_135 = vector.broadcast %parallel_loop3A_134 : i32 to vector<16xi32>
          %parallel_loop3A_136 = arith.addi %shift_right_logical3A_4, %parallel_loop3A_135 : vector<16xi32>
          %parallel_loop3A_137 = tpu.vector_load_idx %arg15[%parallel_loop3A_136, %and3A_7] : memref<2048x8xf32, #tpu.memory_space<vmem>>[vector<16xi32>, vector<16xi32>], vector<16xf32>,
          %parallel_loop3A_138 = tpu.vector_load_idx %arg13[%parallel_loop3A_136] : memref<2048xf32, #tpu.memory_space<vmem>>[vector<16xi32>], vector<16xf32>,
          %parallel_loop3A_139 = arith.mulf %parallel_loop3A_137, %parallel_loop3A_138 : vector<16xf32>
          tpu.vector_store_idx %arg17[%parallel_loop3A_136, %and3A_7], %parallel_loop3A_139 : memref<2048x8xf32, #tpu.memory_space<vmem>>[vector<16xi32>, vector<16xi32>], vector<16xf32>,
        } {sc.loop_unroll_factor = 8 : i64, sc.parallel_access}
        %dma_start3A = arith.constant 0 : i32
        %dma_start3A_124 = arith.constant 0 : i32
        %dma_start3A_125 = tpu.memref_slice %arg7[%dma_start3A, %dma_start3A_124] : memref<100096x8xf32, #tpu.memory_space<vmem_shared>> -> memref<100096x8xf32, #tpu.memory_space<vmem_shared>>
        tpu.enqueue_indirect_dma source(%arg17 : memref<2048x8xf32, #tpu.memory_space<vmem>>) target(%dma_start3A_125 : memref<100096x8xf32, #tpu.memory_space<vmem_shared>>) offsets(%arg11 : memref<2048xi32, #tpu.memory_space<vmem>>) semaphore(%arg23 : memref<!tpu.dma_semaphore, #tpu.memory_space<semaphore_mem>>) {add = true}
        %add3A_126 = arith.constant 1 : i32
        %add3A_127 = arith.addi %add3A_104, %add3A_126 : i32
        %lt3A_128 = arith.cmpi slt, %add3A_127, %add3A_11 : i32
        %convert_element_type3A_129 = arith.extui %lt3A_128 : i1 to i32
        %cond3A_130 = arith.constant 0 : i32
        %cond3A_131 = arith.cmpi ne, %convert_element_type3A_129, %cond3A_130 : i32
        scf.if %cond3A_131 {
          %dma_wait3A_132 = arith.constant 1 : i32
          %dma_wait3A_133 = arith.constant 0 : i32
          %dma_wait3A_134 = tpu.memref_slice %arg3[%dma_wait3A_132, %dma_wait3A_133] : memref<2x6400000xi32, #tpu.memory_space<hbm>> -> memref<1x2048xi32, #tpu.memory_space<hbm>>
          %dma_wait3A_135 = tpu.memref_squeeze %dma_wait3A_134 : memref<1x2048xi32, #tpu.memory_space<hbm>> -> memref<2048xi32, #tpu.memory_space<hbm>>
          %dma_wait3A_136 = arith.constant 0 : i32
          %dma_wait3A_137 = tpu.memref_slice %arg3[%dma_wait3A_132, %dma_wait3A_136] : memref<2x6400000xi32, #tpu.memory_space<hbm>> -> memref<1x2048xi32, #tpu.memory_space<hbm>>
          %dma_wait3A_138 = tpu.memref_squeeze %dma_wait3A_137 : memref<1x2048xi32, #tpu.memory_space<hbm>> -> memref<2048xi32, #tpu.memory_space<hbm>>
          tpu.wait_dma2 semaphore(%arg18 : memref<!tpu.dma_semaphore, #tpu.memory_space<semaphore_mem>>) src(%dma_wait3A_138 : memref<2048xi32, #tpu.memory_space<hbm>>) dst(%arg8 : memref<2048xi32, #tpu.memory_space<vmem>>)
          %dma_wait3A_139 = arith.constant 0 : i32
          %dma_wait3A_140 = arith.constant 0 : i32
          %dma_wait3A_141 = tpu.memref_slice %arg3[%dma_wait3A_139, %dma_wait3A_140] : memref<2x6400000xi32, #tpu.memory_space<hbm>> -> memref<1x2048xi32, #tpu.memory_space<hbm>>
          %dma_wait3A_142 = tpu.memref_squeeze %dma_wait3A_141 : memref<1x2048xi32, #tpu.memory_space<hbm>> -> memref<2048xi32, #tpu.memory_space<hbm>>
          %dma_wait3A_143 = arith.constant 0 : i32
          %dma_wait3A_144 = tpu.memref_slice %arg3[%dma_wait3A_139, %dma_wait3A_143] : memref<2x6400000xi32, #tpu.memory_space<hbm>> -> memref<1x2048xi32, #tpu.memory_space<hbm>>
          %dma_wait3A_145 = tpu.memref_squeeze %dma_wait3A_144 : memref<1x2048xi32, #tpu.memory_space<hbm>> -> memref<2048xi32, #tpu.memory_space<hbm>>
          tpu.wait_dma2 semaphore(%arg18 : memref<!tpu.dma_semaphore, #tpu.memory_space<semaphore_mem>>) src(%dma_wait3A_145 : memref<2048xi32, #tpu.memory_space<hbm>>) dst(%arg10 : memref<2048xi32, #tpu.memory_space<vmem>>)
          %dma_wait3A_146 = arith.constant 0 : i32
          %dma_wait3A_147 = tpu.memref_slice %arg4[%dma_wait3A_146] : memref<6400000xf32, #tpu.memory_space<hbm>> -> memref<2048xf32, #tpu.memory_space<hbm>>
          %dma_wait3A_148 = arith.constant 0 : i32
          %dma_wait3A_149 = tpu.memref_slice %arg4[%dma_wait3A_148] : memref<6400000xf32, #tpu.memory_space<hbm>> -> memref<2048xf32, #tpu.memory_space<hbm>>
          tpu.wait_dma2 semaphore(%arg18 : memref<!tpu.dma_semaphore, #tpu.memory_space<semaphore_mem>>) src(%dma_wait3A_149 : memref<2048xf32, #tpu.memory_space<hbm>>) dst(%arg12 : memref<2048xf32, #tpu.memory_space<vmem>>)
          %dma_start3A_150 = arith.constant 0 : i32
          %dma_start3A_151 = arith.constant 0 : i32
          %dma_start3A_152 = tpu.memref_slice %arg2[%dma_start3A_150, %dma_start3A_151] : memref<100000x8xf32, #tpu.memory_space<hbm>> -> memref<100000x8xf32, #tpu.memory_space<hbm>>
          tpu.enqueue_indirect_dma source(%dma_start3A_152 : memref<100000x8xf32, #tpu.memory_space<hbm>>) target(%arg14 : memref<2048x8xf32, #tpu.memory_space<vmem>>) offsets(%arg8 : memref<2048xi32, #tpu.memory_space<vmem>>) semaphore(%arg20 : memref<!tpu.dma_semaphore, #tpu.memory_space<semaphore_mem>>)
        } else {
        }
      } else {
      }
      %while3A_109 = arith.constant 0 : i32
      scf.yield %while3A_109 : i32
    }
    %while3A_44 = arith.constant 1 : i32
    %while3A_45 = scf.for %while3A_91 = %while3A_41 to %while3A_37 step %while3A_44 iter_args(%while3A_92 = %while3A_43) -> (i32)  : i32 {
      %mul3A_93 = arith.constant 2 : i32
      %mul3A_94 = arith.muli %mul3A_93, %while3A_91 : i32
      %add3A_95 = arith.constant 0 : i32
      %add3A_96 = arith.addi %mul3A_94, %add3A_95 : i32
      %lt3A_97 = arith.cmpi slt, %add3A_96, %add3A_11 : i32
      %convert_element_type3A_98 = arith.extui %lt3A_97 : i1 to i32
      %cond3A_99 = arith.constant 0 : i32
      %cond3A_100 = arith.cmpi ne, %convert_element_type3A_98, %cond3A_99 : i32
      scf.if %cond3A_100 {
        %ge3A = arith.constant 1 : i32
        %ge3A_110 = arith.cmpi sge, %add3A_96, %ge3A : i32
        %convert_element_type3A_111 = arith.extui %ge3A_110 : i1 to i32
        %cond3A_112 = arith.constant 0 : i32
        %cond3A_113 = arith.cmpi ne, %convert_element_type3A_111, %cond3A_112 : i32
        scf.if %cond3A_113 {
          %dma_wait3A_132 = arith.constant 0 : i32
          %dma_wait3A_133 = arith.constant 0 : i32
          %dma_wait3A_134 = tpu.memref_slice %arg7[%dma_wait3A_132, %dma_wait3A_133] : memref<100096x8xf32, #tpu.memory_space<vmem_shared>> -> memref<100096x8xf32, #tpu.memory_space<vmem_shared>>
          tpu.wait_indirect_dma semaphore(%arg23 : memref<!tpu.dma_semaphore, #tpu.memory_space<semaphore_mem>>) src(%arg17 : memref<2048x8xf32, #tpu.memory_space<vmem>>) dst(%dma_wait3A_134 : memref<100096x8xf32, #tpu.memory_space<vmem_shared>>)
        } else {
        }
        %add3A_114 = arith.constant 1 : i32
        %add3A_115 = arith.addi %add3A_96, %add3A_114 : i32
        %lt3A_116 = arith.cmpi slt, %add3A_115, %add3A_11 : i32
        %convert_element_type3A_117 = arith.extui %lt3A_116 : i1 to i32
        %cond3A_118 = arith.constant 0 : i32
        %cond3A_119 = arith.cmpi ne, %convert_element_type3A_117, %cond3A_118 : i32
        scf.if %cond3A_119 {
          %add3A_132 = arith.constant 1 : i32
          %add3A_133 = arith.addi %add3A_96, %add3A_132 : i32
          %mul3A_134 = arith.constant 32 : i32
          %mul3A_135 = arith.muli %add3A_133, %mul3A_134 : i32
          %add3A_136 = arith.addi %add3A, %mul3A_135 : i32
          %mul3A_137 = arith.constant 2048 : i32
          %mul3A_138 = arith.muli %add3A_136, %mul3A_137 : i32
          %dma_start3A_139 = arith.constant 1 : i32
          %dma_start3A_140 = tpu.memref_slice %arg3[%dma_start3A_139, %mul3A_138] : memref<2x6400000xi32, #tpu.memory_space<hbm>> -> memref<1x2048xi32, #tpu.memory_space<hbm>>
          %dma_start3A_141 = tpu.memref_squeeze %dma_start3A_140 : memref<1x2048xi32, #tpu.memory_space<hbm>> -> memref<2048xi32, #tpu.memory_space<hbm>>
          %dma_start3A_142 = tpu.memref_slice %arg3[%dma_start3A_139, %mul3A_138] : memref<2x6400000xi32, #tpu.memory_space<hbm>> -> memref<1x2048xi32, #tpu.memory_space<hbm>>
          %dma_start3A_143 = tpu.memref_squeeze %dma_start3A_142 : memref<1x2048xi32, #tpu.memory_space<hbm>> -> memref<2048xi32, #tpu.memory_space<hbm>>
          tpu.enqueue_dma source(%dma_start3A_143 : memref<2048xi32, #tpu.memory_space<hbm>>) target(%arg9 : memref<2048xi32, #tpu.memory_space<vmem>>) target_semaphore(%arg19 : memref<!tpu.dma_semaphore, #tpu.memory_space<semaphore_mem>>)
          %dma_start3A_144 = arith.constant 0 : i32
          %dma_start3A_145 = tpu.memref_slice %arg3[%dma_start3A_144, %mul3A_138] : memref<2x6400000xi32, #tpu.memory_space<hbm>> -> memref<1x2048xi32, #tpu.memory_space<hbm>>
          %dma_start3A_146 = tpu.memref_squeeze %dma_start3A_145 : memref<1x2048xi32, #tpu.memory_space<hbm>> -> memref<2048xi32, #tpu.memory_space<hbm>>
          %dma_start3A_147 = tpu.memref_slice %arg3[%dma_start3A_144, %mul3A_138] : memref<2x6400000xi32, #tpu.memory_space<hbm>> -> memref<1x2048xi32, #tpu.memory_space<hbm>>
          %dma_start3A_148 = tpu.memref_squeeze %dma_start3A_147 : memref<1x2048xi32, #tpu.memory_space<hbm>> -> memref<2048xi32, #tpu.memory_space<hbm>>
          tpu.enqueue_dma source(%dma_start3A_148 : memref<2048xi32, #tpu.memory_space<hbm>>) target(%arg11 : memref<2048xi32, #tpu.memory_space<vmem>>) target_semaphore(%arg19 : memref<!tpu.dma_semaphore, #tpu.memory_space<semaphore_mem>>)
          %dma_start3A_149 = tpu.memref_slice %arg4[%mul3A_138] : memref<6400000xf32, #tpu.memory_space<hbm>> -> memref<2048xf32, #tpu.memory_space<hbm>>
          %dma_start3A_150 = tpu.memref_slice %arg4[%mul3A_138] : memref<6400000xf32, #tpu.memory_space<hbm>> -> memref<2048xf32, #tpu.memory_space<hbm>>
          tpu.enqueue_dma source(%dma_start3A_150 : memref<2048xf32, #tpu.memory_space<hbm>>) target(%arg13 : memref<2048xf32, #tpu.memory_space<vmem>>) target_semaphore(%arg19 : memref<!tpu.dma_semaphore, #tpu.memory_space<semaphore_mem>>)
        } else {
        }
        %dma_wait3A = arith.constant 0 : i32
        %dma_wait3A_120 = arith.constant 0 : i32
        %dma_wait3A_121 = tpu.memref_slice %arg2[%dma_wait3A, %dma_wait3A_120] : memref<100000x8xf32, #tpu.memory_space<hbm>> -> memref<100000x8xf32, #tpu.memory_space<hbm>>
        tpu.wait_indirect_dma semaphore(%arg20 : memref<!tpu.dma_semaphore, #tpu.memory_space<semaphore_mem>>) src(%dma_wait3A_121 : memref<100000x8xf32, #tpu.memory_space<hbm>>) dst(%arg14 : memref<2048x8xf32, #tpu.memory_space<vmem>>)
        %parallel_loop3A = arith.constant 0 : i32
        %parallel_loop3A_122 = arith.constant 1024 : i32
        %parallel_loop3A_123 = arith.constant 1 : i32
        scf.for %parallel_loop3A_132 = %parallel_loop3A to %parallel_loop3A_122 step %parallel_loop3A_123  : i32 {
          %parallel_loop3A_133 = arith.constant 2 : i32
          %parallel_loop3A_134 = arith.muli %parallel_loop3A_133, %parallel_loop3A_132 : i32
          %parallel_loop3A_135 = vector.broadcast %parallel_loop3A_134 : i32 to vector<16xi32>
          %parallel_loop3A_136 = arith.addi %shift_right_logical3A_4, %parallel_loop3A_135 : vector<16xi32>
          %parallel_loop3A_137 = tpu.vector_load_idx %arg14[%parallel_loop3A_136, %and3A_7] : memref<2048x8xf32, #tpu.memory_space<vmem>>[vector<16xi32>, vector<16xi32>], vector<16xf32>,
          %parallel_loop3A_138 = tpu.vector_load_idx %arg12[%parallel_loop3A_136] : memref<2048xf32, #tpu.memory_space<vmem>>[vector<16xi32>], vector<16xf32>,
          %parallel_loop3A_139 = arith.mulf %parallel_loop3A_137, %parallel_loop3A_138 : vector<16xf32>
          tpu.vector_store_idx %arg16[%parallel_loop3A_136, %and3A_7], %parallel_loop3A_139 : memref<2048x8xf32, #tpu.memory_space<vmem>>[vector<16xi32>, vector<16xi32>], vector<16xf32>,
        } {sc.loop_unroll_factor = 8 : i64, sc.parallel_access}
        %dma_start3A = arith.constant 0 : i32
        %dma_start3A_124 = arith.constant 0 : i32
        %dma_start3A_125 = tpu.memref_slice %arg7[%dma_start3A, %dma_start3A_124] : memref<100096x8xf32, #tpu.memory_space<vmem_shared>> -> memref<100096x8xf32, #tpu.memory_space<vmem_shared>>
        tpu.enqueue_indirect_dma source(%arg16 : memref<2048x8xf32, #tpu.memory_space<vmem>>) target(%dma_start3A_125 : memref<100096x8xf32, #tpu.memory_space<vmem_shared>>) offsets(%arg10 : memref<2048xi32, #tpu.memory_space<vmem>>) semaphore(%arg22 : memref<!tpu.dma_semaphore, #tpu.memory_space<semaphore_mem>>) {add = true}
        %add3A_126 = arith.constant 1 : i32
        %add3A_127 = arith.addi %add3A_96, %add3A_126 : i32
        %lt3A_128 = arith.cmpi slt, %add3A_127, %add3A_11 : i32
        %convert_element_type3A_129 = arith.extui %lt3A_128 : i1 to i32
        %cond3A_130 = arith.constant 0 : i32
        %cond3A_131 = arith.cmpi ne, %convert_element_type3A_129, %cond3A_130 : i32
        scf.if %cond3A_131 {
          %dma_wait3A_132 = arith.constant 1 : i32
          %dma_wait3A_133 = arith.constant 0 : i32
          %dma_wait3A_134 = tpu.memref_slice %arg3[%dma_wait3A_132, %dma_wait3A_133] : memref<2x6400000xi32, #tpu.memory_space<hbm>> -> memref<1x2048xi32, #tpu.memory_space<hbm>>
          %dma_wait3A_135 = tpu.memref_squeeze %dma_wait3A_134 : memref<1x2048xi32, #tpu.memory_space<hbm>> -> memref<2048xi32, #tpu.memory_space<hbm>>
          %dma_wait3A_136 = arith.constant 0 : i32
          %dma_wait3A_137 = tpu.memref_slice %arg3[%dma_wait3A_132, %dma_wait3A_136] : memref<2x6400000xi32, #tpu.memory_space<hbm>> -> memref<1x2048xi32, #tpu.memory_space<hbm>>
          %dma_wait3A_138 = tpu.memref_squeeze %dma_wait3A_137 : memref<1x2048xi32, #tpu.memory_space<hbm>> -> memref<2048xi32, #tpu.memory_space<hbm>>
          tpu.wait_dma2 semaphore(%arg19 : memref<!tpu.dma_semaphore, #tpu.memory_space<semaphore_mem>>) src(%dma_wait3A_138 : memref<2048xi32, #tpu.memory_space<hbm>>) dst(%arg9 : memref<2048xi32, #tpu.memory_space<vmem>>)
          %dma_wait3A_139 = arith.constant 0 : i32
          %dma_wait3A_140 = arith.constant 0 : i32
          %dma_wait3A_141 = tpu.memref_slice %arg3[%dma_wait3A_139, %dma_wait3A_140] : memref<2x6400000xi32, #tpu.memory_space<hbm>> -> memref<1x2048xi32, #tpu.memory_space<hbm>>
          %dma_wait3A_142 = tpu.memref_squeeze %dma_wait3A_141 : memref<1x2048xi32, #tpu.memory_space<hbm>> -> memref<2048xi32, #tpu.memory_space<hbm>>
          %dma_wait3A_143 = arith.constant 0 : i32
          %dma_wait3A_144 = tpu.memref_slice %arg3[%dma_wait3A_139, %dma_wait3A_143] : memref<2x6400000xi32, #tpu.memory_space<hbm>> -> memref<1x2048xi32, #tpu.memory_space<hbm>>
          %dma_wait3A_145 = tpu.memref_squeeze %dma_wait3A_144 : memref<1x2048xi32, #tpu.memory_space<hbm>> -> memref<2048xi32, #tpu.memory_space<hbm>>
          tpu.wait_dma2 semaphore(%arg19 : memref<!tpu.dma_semaphore, #tpu.memory_space<semaphore_mem>>) src(%dma_wait3A_145 : memref<2048xi32, #tpu.memory_space<hbm>>) dst(%arg11 : memref<2048xi32, #tpu.memory_space<vmem>>)
          %dma_wait3A_146 = arith.constant 0 : i32
          %dma_wait3A_147 = tpu.memref_slice %arg4[%dma_wait3A_146] : memref<6400000xf32, #tpu.memory_space<hbm>> -> memref<2048xf32, #tpu.memory_space<hbm>>
          %dma_wait3A_148 = arith.constant 0 : i32
          %dma_wait3A_149 = tpu.memref_slice %arg4[%dma_wait3A_148] : memref<6400000xf32, #tpu.memory_space<hbm>> -> memref<2048xf32, #tpu.memory_space<hbm>>
          tpu.wait_dma2 semaphore(%arg19 : memref<!tpu.dma_semaphore, #tpu.memory_space<semaphore_mem>>) src(%dma_wait3A_149 : memref<2048xf32, #tpu.memory_space<hbm>>) dst(%arg13 : memref<2048xf32, #tpu.memory_space<vmem>>)
          %dma_start3A_150 = arith.constant 0 : i32
          %dma_start3A_151 = arith.constant 0 : i32
          %dma_start3A_152 = tpu.memref_slice %arg2[%dma_start3A_150, %dma_start3A_151] : memref<100000x8xf32, #tpu.memory_space<hbm>> -> memref<100000x8xf32, #tpu.memory_space<hbm>>
          tpu.enqueue_indirect_dma source(%dma_start3A_152 : memref<100000x8xf32, #tpu.memory_space<hbm>>) target(%arg15 : memref<2048x8xf32, #tpu.memory_space<vmem>>) offsets(%arg9 : memref<2048xi32, #tpu.memory_space<vmem>>) semaphore(%arg21 : memref<!tpu.dma_semaphore, #tpu.memory_space<semaphore_mem>>)
        } else {
        }
      } else {
      }
      %mul3A_101 = arith.constant 2 : i32
      %mul3A_102 = arith.muli %mul3A_101, %while3A_91 : i32
      %add3A_103 = arith.constant 1 : i32
      %add3A_104 = arith.addi %mul3A_102, %add3A_103 : i32
      %lt3A_105 = arith.cmpi slt, %add3A_104, %add3A_11 : i32
      %convert_element_type3A_106 = arith.extui %lt3A_105 : i1 to i32
      %cond3A_107 = arith.constant 0 : i32
      %cond3A_108 = arith.cmpi ne, %convert_element_type3A_106, %cond3A_107 : i32
      scf.if %cond3A_108 {
        %ge3A = arith.constant 1 : i32
        %ge3A_110 = arith.cmpi sge, %add3A_104, %ge3A : i32
        %convert_element_type3A_111 = arith.extui %ge3A_110 : i1 to i32
        %cond3A_112 = arith.constant 0 : i32
        %cond3A_113 = arith.cmpi ne, %convert_element_type3A_111, %cond3A_112 : i32
        scf.if %cond3A_113 {
          %dma_wait3A_132 = arith.constant 0 : i32
          %dma_wait3A_133 = arith.constant 0 : i32
          %dma_wait3A_134 = tpu.memref_slice %arg7[%dma_wait3A_132, %dma_wait3A_133] : memref<100096x8xf32, #tpu.memory_space<vmem_shared>> -> memref<100096x8xf32, #tpu.memory_space<vmem_shared>>
          tpu.wait_indirect_dma semaphore(%arg22 : memref<!tpu.dma_semaphore, #tpu.memory_space<semaphore_mem>>) src(%arg16 : memref<2048x8xf32, #tpu.memory_space<vmem>>) dst(%dma_wait3A_134 : memref<100096x8xf32, #tpu.memory_space<vmem_shared>>)
        } else {
        }
        %add3A_114 = arith.constant 1 : i32
        %add3A_115 = arith.addi %add3A_104, %add3A_114 : i32
        %lt3A_116 = arith.cmpi slt, %add3A_115, %add3A_11 : i32
        %convert_element_type3A_117 = arith.extui %lt3A_116 : i1 to i32
        %cond3A_118 = arith.constant 0 : i32
        %cond3A_119 = arith.cmpi ne, %convert_element_type3A_117, %cond3A_118 : i32
        scf.if %cond3A_119 {
          %add3A_132 = arith.constant 1 : i32
          %add3A_133 = arith.addi %add3A_104, %add3A_132 : i32
          %mul3A_134 = arith.constant 32 : i32
          %mul3A_135 = arith.muli %add3A_133, %mul3A_134 : i32
          %add3A_136 = arith.addi %add3A, %mul3A_135 : i32
          %mul3A_137 = arith.constant 2048 : i32
          %mul3A_138 = arith.muli %add3A_136, %mul3A_137 : i32
          %dma_start3A_139 = arith.constant 1 : i32
          %dma_start3A_140 = tpu.memref_slice %arg3[%dma_start3A_139, %mul3A_138] : memref<2x6400000xi32, #tpu.memory_space<hbm>> -> memref<1x2048xi32, #tpu.memory_space<hbm>>
          %dma_start3A_141 = tpu.memref_squeeze %dma_start3A_140 : memref<1x2048xi32, #tpu.memory_space<hbm>> -> memref<2048xi32, #tpu.memory_space<hbm>>
          %dma_start3A_142 = tpu.memref_slice %arg3[%dma_start3A_139, %mul3A_138] : memref<2x6400000xi32, #tpu.memory_space<hbm>> -> memref<1x2048xi32, #tpu.memory_space<hbm>>
          %dma_start3A_143 = tpu.memref_squeeze %dma_start3A_142 : memref<1x2048xi32, #tpu.memory_space<hbm>> -> memref<2048xi32, #tpu.memory_space<hbm>>
          tpu.enqueue_dma source(%dma_start3A_143 : memref<2048xi32, #tpu.memory_space<hbm>>) target(%arg8 : memref<2048xi32, #tpu.memory_space<vmem>>) target_semaphore(%arg18 : memref<!tpu.dma_semaphore, #tpu.memory_space<semaphore_mem>>)
          %dma_start3A_144 = arith.constant 0 : i32
          %dma_start3A_145 = tpu.memref_slice %arg3[%dma_start3A_144, %mul3A_138] : memref<2x6400000xi32, #tpu.memory_space<hbm>> -> memref<1x2048xi32, #tpu.memory_space<hbm>>
          %dma_start3A_146 = tpu.memref_squeeze %dma_start3A_145 : memref<1x2048xi32, #tpu.memory_space<hbm>> -> memref<2048xi32, #tpu.memory_space<hbm>>
          %dma_start3A_147 = tpu.memref_slice %arg3[%dma_start3A_144, %mul3A_138] : memref<2x6400000xi32, #tpu.memory_space<hbm>> -> memref<1x2048xi32, #tpu.memory_space<hbm>>
          %dma_start3A_148 = tpu.memref_squeeze %dma_start3A_147 : memref<1x2048xi32, #tpu.memory_space<hbm>> -> memref<2048xi32, #tpu.memory_space<hbm>>
          tpu.enqueue_dma source(%dma_start3A_148 : memref<2048xi32, #tpu.memory_space<hbm>>) target(%arg10 : memref<2048xi32, #tpu.memory_space<vmem>>) target_semaphore(%arg18 : memref<!tpu.dma_semaphore, #tpu.memory_space<semaphore_mem>>)
          %dma_start3A_149 = tpu.memref_slice %arg4[%mul3A_138] : memref<6400000xf32, #tpu.memory_space<hbm>> -> memref<2048xf32, #tpu.memory_space<hbm>>
          %dma_start3A_150 = tpu.memref_slice %arg4[%mul3A_138] : memref<6400000xf32, #tpu.memory_space<hbm>> -> memref<2048xf32, #tpu.memory_space<hbm>>
          tpu.enqueue_dma source(%dma_start3A_150 : memref<2048xf32, #tpu.memory_space<hbm>>) target(%arg12 : memref<2048xf32, #tpu.memory_space<vmem>>) target_semaphore(%arg18 : memref<!tpu.dma_semaphore, #tpu.memory_space<semaphore_mem>>)
        } else {
        }
        %dma_wait3A = arith.constant 0 : i32
        %dma_wait3A_120 = arith.constant 0 : i32
        %dma_wait3A_121 = tpu.memref_slice %arg2[%dma_wait3A, %dma_wait3A_120] : memref<100000x8xf32, #tpu.memory_space<hbm>> -> memref<100000x8xf32, #tpu.memory_space<hbm>>
        tpu.wait_indirect_dma semaphore(%arg21 : memref<!tpu.dma_semaphore, #tpu.memory_space<semaphore_mem>>) src(%dma_wait3A_121 : memref<100000x8xf32, #tpu.memory_space<hbm>>) dst(%arg15 : memref<2048x8xf32, #tpu.memory_space<vmem>>)
        %parallel_loop3A = arith.constant 0 : i32
        %parallel_loop3A_122 = arith.constant 1024 : i32
        %parallel_loop3A_123 = arith.constant 1 : i32
        scf.for %parallel_loop3A_132 = %parallel_loop3A to %parallel_loop3A_122 step %parallel_loop3A_123  : i32 {
          %parallel_loop3A_133 = arith.constant 2 : i32
          %parallel_loop3A_134 = arith.muli %parallel_loop3A_133, %parallel_loop3A_132 : i32
          %parallel_loop3A_135 = vector.broadcast %parallel_loop3A_134 : i32 to vector<16xi32>
          %parallel_loop3A_136 = arith.addi %shift_right_logical3A_4, %parallel_loop3A_135 : vector<16xi32>
          %parallel_loop3A_137 = tpu.vector_load_idx %arg15[%parallel_loop3A_136, %and3A_7] : memref<2048x8xf32, #tpu.memory_space<vmem>>[vector<16xi32>, vector<16xi32>], vector<16xf32>,
          %parallel_loop3A_138 = tpu.vector_load_idx %arg13[%parallel_loop3A_136] : memref<2048xf32, #tpu.memory_space<vmem>>[vector<16xi32>], vector<16xf32>,
          %parallel_loop3A_139 = arith.mulf %parallel_loop3A_137, %parallel_loop3A_138 : vector<16xf32>
          tpu.vector_store_idx %arg17[%parallel_loop3A_136, %and3A_7], %parallel_loop3A_139 : memref<2048x8xf32, #tpu.memory_space<vmem>>[vector<16xi32>, vector<16xi32>], vector<16xf32>,
        } {sc.loop_unroll_factor = 8 : i64, sc.parallel_access}
        %dma_start3A = arith.constant 0 : i32
        %dma_start3A_124 = arith.constant 0 : i32
        %dma_start3A_125 = tpu.memref_slice %arg7[%dma_start3A, %dma_start3A_124] : memref<100096x8xf32, #tpu.memory_space<vmem_shared>> -> memref<100096x8xf32, #tpu.memory_space<vmem_shared>>
        tpu.enqueue_indirect_dma source(%arg17 : memref<2048x8xf32, #tpu.memory_space<vmem>>) target(%dma_start3A_125 : memref<100096x8xf32, #tpu.memory_space<vmem_shared>>) offsets(%arg11 : memref<2048xi32, #tpu.memory_space<vmem>>) semaphore(%arg23 : memref<!tpu.dma_semaphore, #tpu.memory_space<semaphore_mem>>) {add = true}
        %add3A_126 = arith.constant 1 : i32
        %add3A_127 = arith.addi %add3A_104, %add3A_126 : i32
        %lt3A_128 = arith.cmpi slt, %add3A_127, %add3A_11 : i32
        %convert_element_type3A_129 = arith.extui %lt3A_128 : i1 to i32
        %cond3A_130 = arith.constant 0 : i32
        %cond3A_131 = arith.cmpi ne, %convert_element_type3A_129, %cond3A_130 : i32
        scf.if %cond3A_131 {
          %dma_wait3A_132 = arith.constant 1 : i32
          %dma_wait3A_133 = arith.constant 0 : i32
          %dma_wait3A_134 = tpu.memref_slice %arg3[%dma_wait3A_132, %dma_wait3A_133] : memref<2x6400000xi32, #tpu.memory_space<hbm>> -> memref<1x2048xi32, #tpu.memory_space<hbm>>
          %dma_wait3A_135 = tpu.memref_squeeze %dma_wait3A_134 : memref<1x2048xi32, #tpu.memory_space<hbm>> -> memref<2048xi32, #tpu.memory_space<hbm>>
          %dma_wait3A_136 = arith.constant 0 : i32
          %dma_wait3A_137 = tpu.memref_slice %arg3[%dma_wait3A_132, %dma_wait3A_136] : memref<2x6400000xi32, #tpu.memory_space<hbm>> -> memref<1x2048xi32, #tpu.memory_space<hbm>>
          %dma_wait3A_138 = tpu.memref_squeeze %dma_wait3A_137 : memref<1x2048xi32, #tpu.memory_space<hbm>> -> memref<2048xi32, #tpu.memory_space<hbm>>
          tpu.wait_dma2 semaphore(%arg18 : memref<!tpu.dma_semaphore, #tpu.memory_space<semaphore_mem>>) src(%dma_wait3A_138 : memref<2048xi32, #tpu.memory_space<hbm>>) dst(%arg8 : memref<2048xi32, #tpu.memory_space<vmem>>)
          %dma_wait3A_139 = arith.constant 0 : i32
          %dma_wait3A_140 = arith.constant 0 : i32
          %dma_wait3A_141 = tpu.memref_slice %arg3[%dma_wait3A_139, %dma_wait3A_140] : memref<2x6400000xi32, #tpu.memory_space<hbm>> -> memref<1x2048xi32, #tpu.memory_space<hbm>>
          %dma_wait3A_142 = tpu.memref_squeeze %dma_wait3A_141 : memref<1x2048xi32, #tpu.memory_space<hbm>> -> memref<2048xi32, #tpu.memory_space<hbm>>
          %dma_wait3A_143 = arith.constant 0 : i32
          %dma_wait3A_144 = tpu.memref_slice %arg3[%dma_wait3A_139, %dma_wait3A_143] : memref<2x6400000xi32, #tpu.memory_space<hbm>> -> memref<1x2048xi32, #tpu.memory_space<hbm>>
          %dma_wait3A_145 = tpu.memref_squeeze %dma_wait3A_144 : memref<1x2048xi32, #tpu.memory_space<hbm>> -> memref<2048xi32, #tpu.memory_space<hbm>>
          tpu.wait_dma2 semaphore(%arg18 : memref<!tpu.dma_semaphore, #tpu.memory_space<semaphore_mem>>) src(%dma_wait3A_145 : memref<2048xi32, #tpu.memory_space<hbm>>) dst(%arg10 : memref<2048xi32, #tpu.memory_space<vmem>>)
          %dma_wait3A_146 = arith.constant 0 : i32
          %dma_wait3A_147 = tpu.memref_slice %arg4[%dma_wait3A_146] : memref<6400000xf32, #tpu.memory_space<hbm>> -> memref<2048xf32, #tpu.memory_space<hbm>>
          %dma_wait3A_148 = arith.constant 0 : i32
          %dma_wait3A_149 = tpu.memref_slice %arg4[%dma_wait3A_148] : memref<6400000xf32, #tpu.memory_space<hbm>> -> memref<2048xf32, #tpu.memory_space<hbm>>
          tpu.wait_dma2 semaphore(%arg18 : memref<!tpu.dma_semaphore, #tpu.memory_space<semaphore_mem>>) src(%dma_wait3A_149 : memref<2048xf32, #tpu.memory_space<hbm>>) dst(%arg12 : memref<2048xf32, #tpu.memory_space<vmem>>)
          %dma_start3A_150 = arith.constant 0 : i32
          %dma_start3A_151 = arith.constant 0 : i32
          %dma_start3A_152 = tpu.memref_slice %arg2[%dma_start3A_150, %dma_start3A_151] : memref<100000x8xf32, #tpu.memory_space<hbm>> -> memref<100000x8xf32, #tpu.memory_space<hbm>>
          tpu.enqueue_indirect_dma source(%dma_start3A_152 : memref<100000x8xf32, #tpu.memory_space<hbm>>) target(%arg14 : memref<2048x8xf32, #tpu.memory_space<vmem>>) offsets(%arg8 : memref<2048xi32, #tpu.memory_space<vmem>>) semaphore(%arg20 : memref<!tpu.dma_semaphore, #tpu.memory_space<semaphore_mem>>)
        } else {
        }
      } else {
      }
      %while3A_109 = arith.constant 0 : i32
      scf.yield %while3A_109 : i32
    }
    %jit3A_46 = arith.constant 2 : i32
    %eq3A = arith.constant 0 : i32
    %eq3A_47 = arith.cmpi eq, %jit3A_46, %eq3A : i32
    %jit3A_48 = arith.constant 1 : i32
    %select_n3A_49 = arith.select %eq3A_47, %jit3A_48, %jit3A_46 : i32
    %rem3A_50 = arith.remsi %add3A_11, %select_n3A_49 : i32
    %ne3A_51 = arith.constant 0 : i32
    %ne3A_52 = arith.cmpi ne, %rem3A_50, %ne3A_51 : i32
    %lt3A_53 = arith.constant 0 : i32
    %lt3A_54 = arith.cmpi slt, %rem3A_50, %lt3A_53 : i32
    %lt3A_55 = arith.constant 0 : i32
    %lt3A_56 = arith.cmpi slt, %select_n3A_49, %lt3A_55 : i32
    %ne3A_57 = arith.xori %lt3A_54, %lt3A_56 : i1
    %and3A_58 = arith.andi %ne3A_57, %ne3A_52 : i1
    %add3A_59 = arith.addi %rem3A_50, %select_n3A_49 : i32
    %select_n3A_60 = arith.select %and3A_58, %add3A_59, %rem3A_50 : i32
    %eq3A_61 = arith.constant 1 : i32
    %eq3A_62 = arith.cmpi eq, %select_n3A_60, %eq3A_61 : i32
    %convert_element_type3A_63 = arith.extui %eq3A_62 : i1 to i32
    %cond3A_64 = arith.constant 0 : i32
    %cond3A_65 = arith.cmpi ne, %convert_element_type3A_63, %cond3A_64 : i32
    scf.if %cond3A_65 {
      %dma_wait3A = arith.constant 0 : i32
      %dma_wait3A_91 = arith.constant 0 : i32
      %dma_wait3A_92 = tpu.memref_slice %arg7[%dma_wait3A, %dma_wait3A_91] : memref<100096x8xf32, #tpu.memory_space<vmem_shared>> -> memref<100096x8xf32, #tpu.memory_space<vmem_shared>>
      tpu.wait_indirect_dma semaphore(%arg22 : memref<!tpu.dma_semaphore, #tpu.memory_space<semaphore_mem>>) src(%arg16 : memref<2048x8xf32, #tpu.memory_space<vmem>>) dst(%dma_wait3A_92 : memref<100096x8xf32, #tpu.memory_space<vmem_shared>>)
    } else {
    }
    %jit3A_66 = arith.constant 2 : i32
    %eq3A_67 = arith.constant 0 : i32
    %eq3A_68 = arith.cmpi eq, %jit3A_66, %eq3A_67 : i32
    %jit3A_69 = arith.constant 1 : i32
    %select_n3A_70 = arith.select %eq3A_68, %jit3A_69, %jit3A_66 : i32
    %rem3A_71 = arith.remsi %add3A_11, %select_n3A_70 : i32
    %ne3A_72 = arith.constant 0 : i32
    %ne3A_73 = arith.cmpi ne, %rem3A_71, %ne3A_72 : i32
    %lt3A_74 = arith.constant 0 : i32
    %lt3A_75 = arith.cmpi slt, %rem3A_71, %lt3A_74 : i32
    %lt3A_76 = arith.constant 0 : i32
    %lt3A_77 = arith.cmpi slt, %select_n3A_70, %lt3A_76 : i32
    %ne3A_78 = arith.xori %lt3A_75, %lt3A_77 : i1
    %and3A_79 = arith.andi %ne3A_78, %ne3A_73 : i1
    %add3A_80 = arith.addi %rem3A_71, %select_n3A_70 : i32
    %select_n3A_81 = arith.select %and3A_79, %add3A_80, %rem3A_71 : i32
    %eq3A_82 = arith.constant 0 : i32
    %eq3A_83 = arith.cmpi eq, %select_n3A_81, %eq3A_82 : i32
    %gt3A_84 = arith.constant 0 : i32
    %gt3A_85 = arith.cmpi sgt, %add3A_11, %gt3A_84 : i32
    %and3A_86 = arith.andi %eq3A_83, %gt3A_85 : i1
    %convert_element_type3A_87 = arith.extui %and3A_86 : i1 to i32
    %cond3A_88 = arith.constant 0 : i32
    %cond3A_89 = arith.cmpi ne, %convert_element_type3A_87, %cond3A_88 : i32
    scf.if %cond3A_89 {
      %dma_wait3A = arith.constant 0 : i32
      %dma_wait3A_91 = arith.constant 0 : i32
      %dma_wait3A_92 = tpu.memref_slice %arg7[%dma_wait3A, %dma_wait3A_91] : memref<100096x8xf32, #tpu.memory_space<vmem_shared>> -> memref<100096x8xf32, #tpu.memory_space<vmem_shared>>
      tpu.wait_indirect_dma semaphore(%arg23 : memref<!tpu.dma_semaphore, #tpu.memory_space<semaphore_mem>>) src(%arg17 : memref<2048x8xf32, #tpu.memory_space<vmem>>) dst(%dma_wait3A_92 : memref<100096x8xf32, #tpu.memory_space<vmem_shared>>)
    } else {
    }
    %barrier3A_90 = arith.constant 0 : index
    tpu.barrier barrier_id(%barrier3A_90)
    "tpu.region"() ({
      %run_scoped3A = tpu.sem_alloc : memref<!tpu.dma_semaphore, #tpu.memory_space<semaphore_mem>>
      %dma_start3A = arith.constant 0 : i32
      %dma_start3A_91 = tpu.memref_slice %arg6[%arg0, %mul3A_2, %dma_start3A] : memref<2x100096x8xf32, #tpu.memory_space<hbm>> -> memref<1x6256x8xf32, #tpu.memory_space<hbm>>
      %dma_start3A_92 = tpu.memref_squeeze %dma_start3A_91 : memref<1x6256x8xf32, #tpu.memory_space<hbm>> -> memref<6256x8xf32, #tpu.memory_space<hbm>>
      %dma_start3A_93 = arith.constant 0 : i32
      %dma_start3A_94 = tpu.memref_slice %arg7[%mul3A_2, %dma_start3A_93] : memref<100096x8xf32, #tpu.memory_space<vmem_shared>> -> memref<6256x8xf32, #tpu.memory_space<vmem_shared>>
      tpu.enqueue_dma source(%dma_start3A_94 : memref<6256x8xf32, #tpu.memory_space<vmem_shared>>) target(%dma_start3A_92 : memref<6256x8xf32, #tpu.memory_space<hbm>>) target_semaphore(%run_scoped3A : memref<!tpu.dma_semaphore, #tpu.memory_space<semaphore_mem>>)
      %dma_wait3A = arith.constant 0 : i32
      %dma_wait3A_95 = tpu.memref_slice %arg6[%arg0, %mul3A_2, %dma_wait3A] : memref<2x100096x8xf32, #tpu.memory_space<hbm>> -> memref<1x6256x8xf32, #tpu.memory_space<hbm>>
      %dma_wait3A_96 = tpu.memref_squeeze %dma_wait3A_95 : memref<1x6256x8xf32, #tpu.memory_space<hbm>> -> memref<6256x8xf32, #tpu.memory_space<hbm>>
      %dma_wait3A_97 = arith.constant 0 : i32
      %dma_wait3A_98 = tpu.memref_slice %arg7[%mul3A_2, %dma_wait3A_97] : memref<100096x8xf32, #tpu.memory_space<vmem_shared>> -> memref<6256x8xf32, #tpu.memory_space<vmem_shared>>
      tpu.wait_dma2 semaphore(%run_scoped3A : memref<!tpu.dma_semaphore, #tpu.memory_space<semaphore_mem>>) src(%dma_wait3A_98 : memref<6256x8xf32, #tpu.memory_space<vmem_shared>>) dst(%dma_wait3A_96 : memref<6256x8xf32, #tpu.memory_space<hbm>>)
      tpu.yield
    }) : () -> ()
    return
  }
}

#map = affine_map<(d0, d1) -> (0, 0)>
#map1 = affine_map<(d0, d1) -> (0)>
#map2 = affine_map<(d0, d1) -> (0, 0, 0)>
module attributes {stable_mosaic.version = 14 : i64} {
  func.func @_spmm_body(%arg0: i32, %arg1: i32, %arg2: memref<100000x8xf32, #tpu.memory_space<hbm>>, %arg3: memref<2x6400000xi32, #tpu.memory_space<hbm>>, %arg4: memref<6400000xf32, #tpu.memory_space<hbm>>, %arg5: memref<6256x8xf32, #tpu.memory_space<hbm>>, %arg6: memref<2x100096x8xf32, #tpu.memory_space<hbm>>, %arg7: memref<100096x8xf32, #tpu.memory_space<vmem_shared>>, %arg8: memref<2048xi32, #tpu.memory_space<vmem>>, %arg9: memref<2048xi32, #tpu.memory_space<vmem>>, %arg10: memref<2048xi32, #tpu.memory_space<vmem>>, %arg11: memref<2048xi32, #tpu.memory_space<vmem>>, %arg12: memref<2048xf32, #tpu.memory_space<vmem>>, %arg13: memref<2048xf32, #tpu.memory_space<vmem>>, %arg14: memref<2048x8xf32, #tpu.memory_space<vmem>>, %arg15: memref<2048x8xf32, #tpu.memory_space<vmem>>, %arg16: memref<2048x8xf32, #tpu.memory_space<vmem>>, %arg17: memref<2048x8xf32, #tpu.memory_space<vmem>>, %arg18: memref<!tpu.dma_semaphore, #tpu.memory_space<semaphore_mem>>, %arg19: memref<!tpu.dma_semaphore, #tpu.memory_space<semaphore_mem>>, %arg20: memref<!tpu.dma_semaphore, #tpu.memory_space<semaphore_mem>>, %arg21: memref<!tpu.dma_semaphore, #tpu.memory_space<semaphore_mem>>, %arg22: memref<!tpu.dma_semaphore, #tpu.memory_space<semaphore_mem>>, %arg23: memref<!tpu.dma_semaphore, #tpu.memory_space<semaphore_mem>>) attributes {dimension_semantics = [#tpu.dimension_semantics<core_parallel>, #tpu.dimension_semantics<subcore_parallel>], iteration_bounds = array<i64: 2, 16>, scalar_prefetch = 0 : i64, scratch_operands = 17 : i64, tpu.core_type = #tpu.core_type<sc_vector_subcore>, window_params = [{transform_indices = #map}, {transform_indices = #map}, {transform_indices = #map1}, {transform_indices = #map}, {transform_indices = #map2}]} {
    %mul3A = arith.constant 2 : i32
    %mul3A_0 = arith.muli %arg1, %mul3A : i32
    %add3A = arith.addi %mul3A_0, %arg0 : i32
    %mul3A_1 = arith.constant 6256 : i32
    %mul3A_2 = arith.muli %arg1, %mul3A_1 : i32
    "tpu.region"() ({
      %run_scoped3A = tpu.sem_alloc : memref<!tpu.dma_semaphore, #tpu.memory_space<semaphore_mem>>
      %dma_start3A = arith.constant 0 : i32
      %dma_start3A_91 = tpu.memref_slice %arg7[%mul3A_2, %dma_start3A] : memref<100096x8xf32, #tpu.memory_space<vmem_shared>> -> memref<6256x8xf32, #tpu.memory_space<vmem_shared>>
      tpu.enqueue_dma source(%arg5 : memref<6256x8xf32, #tpu.memory_space<hbm>>) target(%dma_start3A_91 : memref<6256x8xf32, #tpu.memory_space<vmem_shared>>) target_semaphore(%run_scoped3A : memref<!tpu.dma_semaphore, #tpu.memory_space<semaphore_mem>>)
      %dma_wait3A = arith.constant 0 : i32
      %dma_wait3A_92 = tpu.memref_slice %arg7[%mul3A_2, %dma_wait3A] : memref<100096x8xf32, #tpu.memory_space<vmem_shared>> -> memref<6256x8xf32, #tpu.memory_space<vmem_shared>>
      tpu.wait_dma2 semaphore(%run_scoped3A : memref<!tpu.dma_semaphore, #tpu.memory_space<semaphore_mem>>) src(%arg5 : memref<6256x8xf32, #tpu.memory_space<hbm>>) dst(%dma_wait3A_92 : memref<6256x8xf32, #tpu.memory_space<vmem_shared>>)
      tpu.yield
    }) : () -> ()
    %barrier3A = arith.constant 0 : index
    tpu.barrier barrier_id(%barrier3A)
    %iota3A = tpu.iota {dimensions = array<i32: 0>} : vector<16xi32>
    %shift_right_logical3A = arith.constant 3 : i32
    %shift_right_logical3A_3 = vector.broadcast %shift_right_logical3A : i32 to vector<16xi32>
    %shift_right_logical3A_4 = arith.shrui %iota3A, %shift_right_logical3A_3 : vector<16xi32>
    %iota3A_5 = tpu.iota {dimensions = array<i32: 0>} : vector<16xi32>
    %and3A = arith.constant 7 : i32
    %and3A_6 = vector.broadcast %and3A : i32 to vector<16xi32>
    %and3A_7 = arith.andi %iota3A_5, %and3A_6 : vector<16xi32>
    %lt3A = arith.constant 21 : i32
    %lt3A_8 = arith.cmpi slt, %add3A, %lt3A : i32
    %jit3A = arith.constant 1 : i32
    %jit3A_9 = arith.constant 0 : i32
    %select_n3A = arith.select %lt3A_8, %jit3A, %jit3A_9 : i32
    %add3A_10 = arith.constant 97 : i32
    %add3A_11 = arith.addi %add3A_10, %select_n3A : i32
    %gt3A = arith.constant 0 : i32
    %gt3A_12 = arith.cmpi sgt, %add3A_11, %gt3A : i32
    %convert_element_type3A = arith.extui %gt3A_12 : i1 to i32
    %cond3A = arith.constant 0 : i32
    %cond3A_13 = arith.cmpi ne, %convert_element_type3A, %cond3A : i32
    scf.if %cond3A_13 {
      %add3A_91 = arith.constant 0 : i32
      %add3A_92 = arith.addi %add3A, %add3A_91 : i32
      %mul3A_93 = arith.constant 2048 : i32
      %mul3A_94 = arith.muli %add3A_92, %mul3A_93 : i32
      %dma_start3A = arith.constant 1 : i32
      %dma_start3A_95 = tpu.memref_slice %arg3[%dma_start3A, %mul3A_94] : memref<2x6400000xi32, #tpu.memory_space<hbm>> -> memref<1x2048xi32, #tpu.memory_space<hbm>>
      %dma_start3A_96 = tpu.memref_squeeze %dma_start3A_95 : memref<1x2048xi32, #tpu.memory_space<hbm>> -> memref<2048xi32, #tpu.memory_space<hbm>>
      %dma_start3A_97 = tpu.memref_slice %arg3[%dma_start3A, %mul3A_94] : memref<2x6400000xi32, #tpu.memory_space<hbm>> -> memref<1x2048xi32, #tpu.memory_space<hbm>>
      %dma_start3A_98 = tpu.memref_squeeze %dma_start3A_97 : memref<1x2048xi32, #tpu.memory_space<hbm>> -> memref<2048xi32, #tpu.memory_space<hbm>>
      tpu.enqueue_dma source(%dma_start3A_98 : memref<2048xi32, #tpu.memory_space<hbm>>) target(%arg8 : memref<2048xi32, #tpu.memory_space<vmem>>) target_semaphore(%arg18 : memref<!tpu.dma_semaphore, #tpu.memory_space<semaphore_mem>>)
      %dma_start3A_99 = arith.constant 0 : i32
      %dma_start3A_100 = tpu.memref_slice %arg3[%dma_start3A_99, %mul3A_94] : memref<2x6400000xi32, #tpu.memory_space<hbm>> -> memref<1x2048xi32, #tpu.memory_space<hbm>>
      %dma_start3A_101 = tpu.memref_squeeze %dma_start3A_100 : memref<1x2048xi32, #tpu.memory_space<hbm>> -> memref<2048xi32, #tpu.memory_space<hbm>>
      %dma_start3A_102 = tpu.memref_slice %arg3[%dma_start3A_99, %mul3A_94] : memref<2x6400000xi32, #tpu.memory_space<hbm>> -> memref<1x2048xi32, #tpu.memory_space<hbm>>
      %dma_start3A_103 = tpu.memref_squeeze %dma_start3A_102 : memref<1x2048xi32, #tpu.memory_space<hbm>> -> memref<2048xi32, #tpu.memory_space<hbm>>
      tpu.enqueue_dma source(%dma_start3A_103 : memref<2048xi32, #tpu.memory_space<hbm>>) target(%arg10 : memref<2048xi32, #tpu.memory_space<vmem>>) target_semaphore(%arg18 : memref<!tpu.dma_semaphore, #tpu.memory_space<semaphore_mem>>)
      %dma_start3A_104 = tpu.memref_slice %arg4[%mul3A_94] : memref<6400000xf32, #tpu.memory_space<hbm>> -> memref<2048xf32, #tpu.memory_space<hbm>>
      %dma_start3A_105 = tpu.memref_slice %arg4[%mul3A_94] : memref<6400000xf32, #tpu.memory_space<hbm>> -> memref<2048xf32, #tpu.memory_space<hbm>>
      tpu.enqueue_dma source(%dma_start3A_105 : memref<2048xf32, #tpu.memory_space<hbm>>) target(%arg12 : memref<2048xf32, #tpu.memory_space<vmem>>) target_semaphore(%arg18 : memref<!tpu.dma_semaphore, #tpu.memory_space<semaphore_mem>>)
      %dma_wait3A = arith.constant 1 : i32
      %dma_wait3A_106 = arith.constant 0 : i32
      %dma_wait3A_107 = tpu.memref_slice %arg3[%dma_wait3A, %dma_wait3A_106] : memref<2x6400000xi32, #tpu.memory_space<hbm>> -> memref<1x2048xi32, #tpu.memory_space<hbm>>
      %dma_wait3A_108 = tpu.memref_squeeze %dma_wait3A_107 : memref<1x2048xi32, #tpu.memory_space<hbm>> -> memref<2048xi32, #tpu.memory_space<hbm>>
      %dma_wait3A_109 = arith.constant 0 : i32
      %dma_wait3A_110 = tpu.memref_slice %arg3[%dma_wait3A, %dma_wait3A_109] : memref<2x6400000xi32, #tpu.memory_space<hbm>> -> memref<1x2048xi32, #tpu.memory_space<hbm>>
      %dma_wait3A_111 = tpu.memref_squeeze %dma_wait3A_110 : memref<1x2048xi32, #tpu.memory_space<hbm>> -> memref<2048xi32, #tpu.memory_space<hbm>>
      tpu.wait_dma2 semaphore(%arg18 : memref<!tpu.dma_semaphore, #tpu.memory_space<semaphore_mem>>) src(%dma_wait3A_111 : memref<2048xi32, #tpu.memory_space<hbm>>) dst(%arg8 : memref<2048xi32, #tpu.memory_space<vmem>>)
      %dma_wait3A_112 = arith.constant 0 : i32
      %dma_wait3A_113 = arith.constant 0 : i32
      %dma_wait3A_114 = tpu.memref_slice %arg3[%dma_wait3A_112, %dma_wait3A_113] : memref<2x6400000xi32, #tpu.memory_space<hbm>> -> memref<1x2048xi32, #tpu.memory_space<hbm>>
      %dma_wait3A_115 = tpu.memref_squeeze %dma_wait3A_114 : memref<1x2048xi32, #tpu.memory_space<hbm>> -> memref<2048xi32, #tpu.memory_space<hbm>>
      %dma_wait3A_116 = arith.constant 0 : i32
      %dma_wait3A_117 = tpu.memref_slice %arg3[%dma_wait3A_112, %dma_wait3A_116] : memref<2x6400000xi32, #tpu.memory_space<hbm>> -> memref<1x2048xi32, #tpu.memory_space<hbm>>
      %dma_wait3A_118 = tpu.memref_squeeze %dma_wait3A_117 : memref<1x2048xi32, #tpu.memory_space<hbm>> -> memref<2048xi32, #tpu.memory_space<hbm>>
      tpu.wait_dma2 semaphore(%arg18 : memref<!tpu.dma_semaphore, #tpu.memory_space<semaphore_mem>>) src(%dma_wait3A_118 : memref<2048xi32, #tpu.memory_space<hbm>>) dst(%arg10 : memref<2048xi32, #tpu.memory_space<vmem>>)
      %dma_wait3A_119 = arith.constant 0 : i32
      %dma_wait3A_120 = tpu.memref_slice %arg4[%dma_wait3A_119] : memref<6400000xf32, #tpu.memory_space<hbm>> -> memref<2048xf32, #tpu.memory_space<hbm>>
      %dma_wait3A_121 = arith.constant 0 : i32
      %dma_wait3A_122 = tpu.memref_slice %arg4[%dma_wait3A_121] : memref<6400000xf32, #tpu.memory_space<hbm>> -> memref<2048xf32, #tpu.memory_space<hbm>>
      tpu.wait_dma2 semaphore(%arg18 : memref<!tpu.dma_semaphore, #tpu.memory_space<semaphore_mem>>) src(%dma_wait3A_122 : memref<2048xf32, #tpu.memory_space<hbm>>) dst(%arg12 : memref<2048xf32, #tpu.memory_space<vmem>>)
      %dma_start3A_123 = arith.constant 0 : i32
      %dma_start3A_124 = arith.constant 0 : i32
      %dma_start3A_125 = tpu.memref_slice %arg2[%dma_start3A_123, %dma_start3A_124] : memref<100000x8xf32, #tpu.memory_space<hbm>> -> memref<100000x8xf32, #tpu.memory_space<hbm>>
      tpu.enqueue_indirect_dma source(%dma_start3A_125 : memref<100000x8xf32, #tpu.memory_space<hbm>>) target(%arg14 : memref<2048x8xf32, #tpu.memory_space<vmem>>) offsets(%arg8 : memref<2048xi32, #tpu.memory_space<vmem>>) semaphore(%arg20 : memref<!tpu.dma_semaphore, #tpu.memory_space<semaphore_mem>>)
    } else {
    }
    %add3A_14 = arith.constant 1 : i32
    %add3A_15 = arith.addi %add3A_11, %add3A_14 : i32
    %jit3A_16 = arith.constant 2 : i32
    %div3A = arith.divsi %add3A_15, %jit3A_16 : i32
    %sign3A = arith.constant 0 : i32
    %sign3A_17 = arith.cmpi sgt, %add3A_15, %sign3A : i32
    %sign3A_18 = arith.extui %sign3A_17 : i1 to i32
    %sign3A_19 = arith.constant 0 : i32
    %sign3A_20 = arith.cmpi slt, %add3A_15, %sign3A_19 : i32
    %sign3A_21 = arith.extui %sign3A_20 : i1 to i32
    %sign3A_22 = arith.subi %sign3A_18, %sign3A_21 : i32
    %sign3A_23 = arith.constant 0 : i32
    %sign3A_24 = arith.cmpi sgt, %jit3A_16, %sign3A_23 : i32
    %sign3A_25 = arith.extui %sign3A_24 : i1 to i32
    %sign3A_26 = arith.constant 0 : i32
    %sign3A_27 = arith.cmpi slt, %jit3A_16, %sign3A_26 : i32
    %sign3A_28 = arith.extui %sign3A_27 : i1 to i32
    %sign3A_29 = arith.subi %sign3A_25, %sign3A_28 : i32
    %ne3A = arith.cmpi ne, %sign3A_22, %sign3A_29 : i32
    %rem3A = arith.remsi %add3A_15, %jit3A_16 : i32
    %ne3A_30 = arith.constant 0 : i32
    %ne3A_31 = arith.cmpi ne, %rem3A, %ne3A_30 : i32
    %and3A_32 = arith.andi %ne3A, %ne3A_31 : i1
    %sub3A = arith.constant 1 : i32
    %sub3A_33 = arith.subi %div3A, %sub3A : i32
    %select_n3A_34 = arith.select %and3A_32, %sub3A_33, %div3A : i32
    %while3A = arith.constant 0 : i32
    %while3A_35 = arith.constant 0 : i32
    %while3A_36 = arith.subi %select_n3A_34, %while3A : i32
    %while3A_37 = arith.addi %while3A, %while3A_36 : i32
    %while3A_38 = arith.constant 1 : i32
    %while3A_39 = arith.divsi %while3A_36, %while3A_38 : i32
    %while3A_40 = arith.muli %while3A_39, %while3A_38 : i32
    %while3A_41 = arith.addi %while3A, %while3A_40 : i32
    %while3A_42 = arith.constant 1 : i32
    %while3A_43 = scf.for %while3A_91 = %while3A to %while3A_41 step %while3A_42 iter_args(%while3A_92 = %while3A_35) -> (i32)  : i32 {
      %mul3A_93 = arith.constant 2 : i32
      %mul3A_94 = arith.muli %mul3A_93, %while3A_91 : i32
      %add3A_95 = arith.constant 0 : i32
      %add3A_96 = arith.addi %mul3A_94, %add3A_95 : i32
      %lt3A_97 = arith.cmpi slt, %add3A_96, %add3A_11 : i32
      %convert_element_type3A_98 = arith.extui %lt3A_97 : i1 to i32
      %cond3A_99 = arith.constant 0 : i32
      %cond3A_100 = arith.cmpi ne, %convert_element_type3A_98, %cond3A_99 : i32
      scf.if %cond3A_100 {
        %ge3A = arith.constant 1 : i32
        %ge3A_110 = arith.cmpi sge, %add3A_96, %ge3A : i32
        %convert_element_type3A_111 = arith.extui %ge3A_110 : i1 to i32
        %cond3A_112 = arith.constant 0 : i32
        %cond3A_113 = arith.cmpi ne, %convert_element_type3A_111, %cond3A_112 : i32
        scf.if %cond3A_113 {
          %dma_wait3A_132 = arith.constant 0 : i32
          %dma_wait3A_133 = arith.constant 0 : i32
          %dma_wait3A_134 = tpu.memref_slice %arg7[%dma_wait3A_132, %dma_wait3A_133] : memref<100096x8xf32, #tpu.memory_space<vmem_shared>> -> memref<100096x8xf32, #tpu.memory_space<vmem_shared>>
          tpu.wait_indirect_dma semaphore(%arg23 : memref<!tpu.dma_semaphore, #tpu.memory_space<semaphore_mem>>) src(%arg17 : memref<2048x8xf32, #tpu.memory_space<vmem>>) dst(%dma_wait3A_134 : memref<100096x8xf32, #tpu.memory_space<vmem_shared>>)
        } else {
        }
        %add3A_114 = arith.constant 1 : i32
        %add3A_115 = arith.addi %add3A_96, %add3A_114 : i32
        %lt3A_116 = arith.cmpi slt, %add3A_115, %add3A_11 : i32
        %convert_element_type3A_117 = arith.extui %lt3A_116 : i1 to i32
        %cond3A_118 = arith.constant 0 : i32
        %cond3A_119 = arith.cmpi ne, %convert_element_type3A_117, %cond3A_118 : i32
        scf.if %cond3A_119 {
          %add3A_132 = arith.constant 1 : i32
          %add3A_133 = arith.addi %add3A_96, %add3A_132 : i32
          %mul3A_134 = arith.constant 32 : i32
          %mul3A_135 = arith.muli %add3A_133, %mul3A_134 : i32
          %add3A_136 = arith.addi %add3A, %mul3A_135 : i32
          %mul3A_137 = arith.constant 2048 : i32
          %mul3A_138 = arith.muli %add3A_136, %mul3A_137 : i32
          %dma_start3A_139 = arith.constant 1 : i32
          %dma_start3A_140 = tpu.memref_slice %arg3[%dma_start3A_139, %mul3A_138] : memref<2x6400000xi32, #tpu.memory_space<hbm>> -> memref<1x2048xi32, #tpu.memory_space<hbm>>
          %dma_start3A_141 = tpu.memref_squeeze %dma_start3A_140 : memref<1x2048xi32, #tpu.memory_space<hbm>> -> memref<2048xi32, #tpu.memory_space<hbm>>
          %dma_start3A_142 = tpu.memref_slice %arg3[%dma_start3A_139, %mul3A_138] : memref<2x6400000xi32, #tpu.memory_space<hbm>> -> memref<1x2048xi32, #tpu.memory_space<hbm>>
          %dma_start3A_143 = tpu.memref_squeeze %dma_start3A_142 : memref<1x2048xi32, #tpu.memory_space<hbm>> -> memref<2048xi32, #tpu.memory_space<hbm>>
          tpu.enqueue_dma source(%dma_start3A_143 : memref<2048xi32, #tpu.memory_space<hbm>>) target(%arg9 : memref<2048xi32, #tpu.memory_space<vmem>>) target_semaphore(%arg19 : memref<!tpu.dma_semaphore, #tpu.memory_space<semaphore_mem>>)
          %dma_start3A_144 = arith.constant 0 : i32
          %dma_start3A_145 = tpu.memref_slice %arg3[%dma_start3A_144, %mul3A_138] : memref<2x6400000xi32, #tpu.memory_space<hbm>> -> memref<1x2048xi32, #tpu.memory_space<hbm>>
          %dma_start3A_146 = tpu.memref_squeeze %dma_start3A_145 : memref<1x2048xi32, #tpu.memory_space<hbm>> -> memref<2048xi32, #tpu.memory_space<hbm>>
          %dma_start3A_147 = tpu.memref_slice %arg3[%dma_start3A_144, %mul3A_138] : memref<2x6400000xi32, #tpu.memory_space<hbm>> -> memref<1x2048xi32, #tpu.memory_space<hbm>>
          %dma_start3A_148 = tpu.memref_squeeze %dma_start3A_147 : memref<1x2048xi32, #tpu.memory_space<hbm>> -> memref<2048xi32, #tpu.memory_space<hbm>>
          tpu.enqueue_dma source(%dma_start3A_148 : memref<2048xi32, #tpu.memory_space<hbm>>) target(%arg11 : memref<2048xi32, #tpu.memory_space<vmem>>) target_semaphore(%arg19 : memref<!tpu.dma_semaphore, #tpu.memory_space<semaphore_mem>>)
          %dma_start3A_149 = tpu.memref_slice %arg4[%mul3A_138] : memref<6400000xf32, #tpu.memory_space<hbm>> -> memref<2048xf32, #tpu.memory_space<hbm>>
          %dma_start3A_150 = tpu.memref_slice %arg4[%mul3A_138] : memref<6400000xf32, #tpu.memory_space<hbm>> -> memref<2048xf32, #tpu.memory_space<hbm>>
          tpu.enqueue_dma source(%dma_start3A_150 : memref<2048xf32, #tpu.memory_space<hbm>>) target(%arg13 : memref<2048xf32, #tpu.memory_space<vmem>>) target_semaphore(%arg19 : memref<!tpu.dma_semaphore, #tpu.memory_space<semaphore_mem>>)
        } else {
        }
        %dma_wait3A = arith.constant 0 : i32
        %dma_wait3A_120 = arith.constant 0 : i32
        %dma_wait3A_121 = tpu.memref_slice %arg2[%dma_wait3A, %dma_wait3A_120] : memref<100000x8xf32, #tpu.memory_space<hbm>> -> memref<100000x8xf32, #tpu.memory_space<hbm>>
        tpu.wait_indirect_dma semaphore(%arg20 : memref<!tpu.dma_semaphore, #tpu.memory_space<semaphore_mem>>) src(%dma_wait3A_121 : memref<100000x8xf32, #tpu.memory_space<hbm>>) dst(%arg14 : memref<2048x8xf32, #tpu.memory_space<vmem>>)
        %parallel_loop3A = arith.constant 0 : i32
        %parallel_loop3A_122 = arith.constant 1024 : i32
        %parallel_loop3A_123 = arith.constant 1 : i32
        scf.for %parallel_loop3A_132 = %parallel_loop3A to %parallel_loop3A_122 step %parallel_loop3A_123  : i32 {
          %parallel_loop3A_133 = arith.constant 2 : i32
          %parallel_loop3A_134 = arith.muli %parallel_loop3A_133, %parallel_loop3A_132 : i32
          %parallel_loop3A_135 = vector.broadcast %parallel_loop3A_134 : i32 to vector<16xi32>
          %parallel_loop3A_136 = arith.addi %shift_right_logical3A_4, %parallel_loop3A_135 : vector<16xi32>
          %parallel_loop3A_137 = tpu.vector_load_idx %arg14[%parallel_loop3A_136, %and3A_7] : memref<2048x8xf32, #tpu.memory_space<vmem>>[vector<16xi32>, vector<16xi32>], vector<16xf32>,
          %parallel_loop3A_138 = tpu.vector_load_idx %arg12[%parallel_loop3A_136] : memref<2048xf32, #tpu.memory_space<vmem>>[vector<16xi32>], vector<16xf32>,
          %parallel_loop3A_139 = arith.mulf %parallel_loop3A_137, %parallel_loop3A_138 : vector<16xf32>
          tpu.vector_store_idx %arg16[%parallel_loop3A_136, %and3A_7], %parallel_loop3A_139 : memref<2048x8xf32, #tpu.memory_space<vmem>>[vector<16xi32>, vector<16xi32>], vector<16xf32>,
        } {sc.loop_unroll_factor = 8 : i64, sc.parallel_access}
        %dma_start3A = arith.constant 0 : i32
        %dma_start3A_124 = arith.constant 0 : i32
        %dma_start3A_125 = tpu.memref_slice %arg7[%dma_start3A, %dma_start3A_124] : memref<100096x8xf32, #tpu.memory_space<vmem_shared>> -> memref<100096x8xf32, #tpu.memory_space<vmem_shared>>
        tpu.enqueue_indirect_dma source(%arg16 : memref<2048x8xf32, #tpu.memory_space<vmem>>) target(%dma_start3A_125 : memref<100096x8xf32, #tpu.memory_space<vmem_shared>>) offsets(%arg10 : memref<2048xi32, #tpu.memory_space<vmem>>) semaphore(%arg22 : memref<!tpu.dma_semaphore, #tpu.memory_space<semaphore_mem>>) {add = true}
        %add3A_126 = arith.constant 1 : i32
        %add3A_127 = arith.addi %add3A_96, %add3A_126 : i32
        %lt3A_128 = arith.cmpi slt, %add3A_127, %add3A_11 : i32
        %convert_element_type3A_129 = arith.extui %lt3A_128 : i1 to i32
        %cond3A_130 = arith.constant 0 : i32
        %cond3A_131 = arith.cmpi ne, %convert_element_type3A_129, %cond3A_130 : i32
        scf.if %cond3A_131 {
          %dma_wait3A_132 = arith.constant 1 : i32
          %dma_wait3A_133 = arith.constant 0 : i32
          %dma_wait3A_134 = tpu.memref_slice %arg3[%dma_wait3A_132, %dma_wait3A_133] : memref<2x6400000xi32, #tpu.memory_space<hbm>> -> memref<1x2048xi32, #tpu.memory_space<hbm>>
          %dma_wait3A_135 = tpu.memref_squeeze %dma_wait3A_134 : memref<1x2048xi32, #tpu.memory_space<hbm>> -> memref<2048xi32, #tpu.memory_space<hbm>>
          %dma_wait3A_136 = arith.constant 0 : i32
          %dma_wait3A_137 = tpu.memref_slice %arg3[%dma_wait3A_132, %dma_wait3A_136] : memref<2x6400000xi32, #tpu.memory_space<hbm>> -> memref<1x2048xi32, #tpu.memory_space<hbm>>
          %dma_wait3A_138 = tpu.memref_squeeze %dma_wait3A_137 : memref<1x2048xi32, #tpu.memory_space<hbm>> -> memref<2048xi32, #tpu.memory_space<hbm>>
          tpu.wait_dma2 semaphore(%arg19 : memref<!tpu.dma_semaphore, #tpu.memory_space<semaphore_mem>>) src(%dma_wait3A_138 : memref<2048xi32, #tpu.memory_space<hbm>>) dst(%arg9 : memref<2048xi32, #tpu.memory_space<vmem>>)
          %dma_wait3A_139 = arith.constant 0 : i32
          %dma_wait3A_140 = arith.constant 0 : i32
          %dma_wait3A_141 = tpu.memref_slice %arg3[%dma_wait3A_139, %dma_wait3A_140] : memref<2x6400000xi32, #tpu.memory_space<hbm>> -> memref<1x2048xi32, #tpu.memory_space<hbm>>
          %dma_wait3A_142 = tpu.memref_squeeze %dma_wait3A_141 : memref<1x2048xi32, #tpu.memory_space<hbm>> -> memref<2048xi32, #tpu.memory_space<hbm>>
          %dma_wait3A_143 = arith.constant 0 : i32
          %dma_wait3A_144 = tpu.memref_slice %arg3[%dma_wait3A_139, %dma_wait3A_143] : memref<2x6400000xi32, #tpu.memory_space<hbm>> -> memref<1x2048xi32, #tpu.memory_space<hbm>>
          %dma_wait3A_145 = tpu.memref_squeeze %dma_wait3A_144 : memref<1x2048xi32, #tpu.memory_space<hbm>> -> memref<2048xi32, #tpu.memory_space<hbm>>
          tpu.wait_dma2 semaphore(%arg19 : memref<!tpu.dma_semaphore, #tpu.memory_space<semaphore_mem>>) src(%dma_wait3A_145 : memref<2048xi32, #tpu.memory_space<hbm>>) dst(%arg11 : memref<2048xi32, #tpu.memory_space<vmem>>)
          %dma_wait3A_146 = arith.constant 0 : i32
          %dma_wait3A_147 = tpu.memref_slice %arg4[%dma_wait3A_146] : memref<6400000xf32, #tpu.memory_space<hbm>> -> memref<2048xf32, #tpu.memory_space<hbm>>
          %dma_wait3A_148 = arith.constant 0 : i32
          %dma_wait3A_149 = tpu.memref_slice %arg4[%dma_wait3A_148] : memref<6400000xf32, #tpu.memory_space<hbm>> -> memref<2048xf32, #tpu.memory_space<hbm>>
          tpu.wait_dma2 semaphore(%arg19 : memref<!tpu.dma_semaphore, #tpu.memory_space<semaphore_mem>>) src(%dma_wait3A_149 : memref<2048xf32, #tpu.memory_space<hbm>>) dst(%arg13 : memref<2048xf32, #tpu.memory_space<vmem>>)
          %dma_start3A_150 = arith.constant 0 : i32
          %dma_start3A_151 = arith.constant 0 : i32
          %dma_start3A_152 = tpu.memref_slice %arg2[%dma_start3A_150, %dma_start3A_151] : memref<100000x8xf32, #tpu.memory_space<hbm>> -> memref<100000x8xf32, #tpu.memory_space<hbm>>
          tpu.enqueue_indirect_dma source(%dma_start3A_152 : memref<100000x8xf32, #tpu.memory_space<hbm>>) target(%arg15 : memref<2048x8xf32, #tpu.memory_space<vmem>>) offsets(%arg9 : memref<2048xi32, #tpu.memory_space<vmem>>) semaphore(%arg21 : memref<!tpu.dma_semaphore, #tpu.memory_space<semaphore_mem>>)
        } else {
        }
      } else {
      }
      %mul3A_101 = arith.constant 2 : i32
      %mul3A_102 = arith.muli %mul3A_101, %while3A_91 : i32
      %add3A_103 = arith.constant 1 : i32
      %add3A_104 = arith.addi %mul3A_102, %add3A_103 : i32
      %lt3A_105 = arith.cmpi slt, %add3A_104, %add3A_11 : i32
      %convert_element_type3A_106 = arith.extui %lt3A_105 : i1 to i32
      %cond3A_107 = arith.constant 0 : i32
      %cond3A_108 = arith.cmpi ne, %convert_element_type3A_106, %cond3A_107 : i32
      scf.if %cond3A_108 {
        %ge3A = arith.constant 1 : i32
        %ge3A_110 = arith.cmpi sge, %add3A_104, %ge3A : i32
        %convert_element_type3A_111 = arith.extui %ge3A_110 : i1 to i32
        %cond3A_112 = arith.constant 0 : i32
        %cond3A_113 = arith.cmpi ne, %convert_element_type3A_111, %cond3A_112 : i32
        scf.if %cond3A_113 {
          %dma_wait3A_132 = arith.constant 0 : i32
          %dma_wait3A_133 = arith.constant 0 : i32
          %dma_wait3A_134 = tpu.memref_slice %arg7[%dma_wait3A_132, %dma_wait3A_133] : memref<100096x8xf32, #tpu.memory_space<vmem_shared>> -> memref<100096x8xf32, #tpu.memory_space<vmem_shared>>
          tpu.wait_indirect_dma semaphore(%arg22 : memref<!tpu.dma_semaphore, #tpu.memory_space<semaphore_mem>>) src(%arg16 : memref<2048x8xf32, #tpu.memory_space<vmem>>) dst(%dma_wait3A_134 : memref<100096x8xf32, #tpu.memory_space<vmem_shared>>)
        } else {
        }
        %add3A_114 = arith.constant 1 : i32
        %add3A_115 = arith.addi %add3A_104, %add3A_114 : i32
        %lt3A_116 = arith.cmpi slt, %add3A_115, %add3A_11 : i32
        %convert_element_type3A_117 = arith.extui %lt3A_116 : i1 to i32
        %cond3A_118 = arith.constant 0 : i32
        %cond3A_119 = arith.cmpi ne, %convert_element_type3A_117, %cond3A_118 : i32
        scf.if %cond3A_119 {
          %add3A_132 = arith.constant 1 : i32
          %add3A_133 = arith.addi %add3A_104, %add3A_132 : i32
          %mul3A_134 = arith.constant 32 : i32
          %mul3A_135 = arith.muli %add3A_133, %mul3A_134 : i32
          %add3A_136 = arith.addi %add3A, %mul3A_135 : i32
          %mul3A_137 = arith.constant 2048 : i32
          %mul3A_138 = arith.muli %add3A_136, %mul3A_137 : i32
          %dma_start3A_139 = arith.constant 1 : i32
          %dma_start3A_140 = tpu.memref_slice %arg3[%dma_start3A_139, %mul3A_138] : memref<2x6400000xi32, #tpu.memory_space<hbm>> -> memref<1x2048xi32, #tpu.memory_space<hbm>>
          %dma_start3A_141 = tpu.memref_squeeze %dma_start3A_140 : memref<1x2048xi32, #tpu.memory_space<hbm>> -> memref<2048xi32, #tpu.memory_space<hbm>>
          %dma_start3A_142 = tpu.memref_slice %arg3[%dma_start3A_139, %mul3A_138] : memref<2x6400000xi32, #tpu.memory_space<hbm>> -> memref<1x2048xi32, #tpu.memory_space<hbm>>
          %dma_start3A_143 = tpu.memref_squeeze %dma_start3A_142 : memref<1x2048xi32, #tpu.memory_space<hbm>> -> memref<2048xi32, #tpu.memory_space<hbm>>
          tpu.enqueue_dma source(%dma_start3A_143 : memref<2048xi32, #tpu.memory_space<hbm>>) target(%arg8 : memref<2048xi32, #tpu.memory_space<vmem>>) target_semaphore(%arg18 : memref<!tpu.dma_semaphore, #tpu.memory_space<semaphore_mem>>)
          %dma_start3A_144 = arith.constant 0 : i32
          %dma_start3A_145 = tpu.memref_slice %arg3[%dma_start3A_144, %mul3A_138] : memref<2x6400000xi32, #tpu.memory_space<hbm>> -> memref<1x2048xi32, #tpu.memory_space<hbm>>
          %dma_start3A_146 = tpu.memref_squeeze %dma_start3A_145 : memref<1x2048xi32, #tpu.memory_space<hbm>> -> memref<2048xi32, #tpu.memory_space<hbm>>
          %dma_start3A_147 = tpu.memref_slice %arg3[%dma_start3A_144, %mul3A_138] : memref<2x6400000xi32, #tpu.memory_space<hbm>> -> memref<1x2048xi32, #tpu.memory_space<hbm>>
          %dma_start3A_148 = tpu.memref_squeeze %dma_start3A_147 : memref<1x2048xi32, #tpu.memory_space<hbm>> -> memref<2048xi32, #tpu.memory_space<hbm>>
          tpu.enqueue_dma source(%dma_start3A_148 : memref<2048xi32, #tpu.memory_space<hbm>>) target(%arg10 : memref<2048xi32, #tpu.memory_space<vmem>>) target_semaphore(%arg18 : memref<!tpu.dma_semaphore, #tpu.memory_space<semaphore_mem>>)
          %dma_start3A_149 = tpu.memref_slice %arg4[%mul3A_138] : memref<6400000xf32, #tpu.memory_space<hbm>> -> memref<2048xf32, #tpu.memory_space<hbm>>
          %dma_start3A_150 = tpu.memref_slice %arg4[%mul3A_138] : memref<6400000xf32, #tpu.memory_space<hbm>> -> memref<2048xf32, #tpu.memory_space<hbm>>
          tpu.enqueue_dma source(%dma_start3A_150 : memref<2048xf32, #tpu.memory_space<hbm>>) target(%arg12 : memref<2048xf32, #tpu.memory_space<vmem>>) target_semaphore(%arg18 : memref<!tpu.dma_semaphore, #tpu.memory_space<semaphore_mem>>)
        } else {
        }
        %dma_wait3A = arith.constant 0 : i32
        %dma_wait3A_120 = arith.constant 0 : i32
        %dma_wait3A_121 = tpu.memref_slice %arg2[%dma_wait3A, %dma_wait3A_120] : memref<100000x8xf32, #tpu.memory_space<hbm>> -> memref<100000x8xf32, #tpu.memory_space<hbm>>
        tpu.wait_indirect_dma semaphore(%arg21 : memref<!tpu.dma_semaphore, #tpu.memory_space<semaphore_mem>>) src(%dma_wait3A_121 : memref<100000x8xf32, #tpu.memory_space<hbm>>) dst(%arg15 : memref<2048x8xf32, #tpu.memory_space<vmem>>)
        %parallel_loop3A = arith.constant 0 : i32
        %parallel_loop3A_122 = arith.constant 1024 : i32
        %parallel_loop3A_123 = arith.constant 1 : i32
        scf.for %parallel_loop3A_132 = %parallel_loop3A to %parallel_loop3A_122 step %parallel_loop3A_123  : i32 {
          %parallel_loop3A_133 = arith.constant 2 : i32
          %parallel_loop3A_134 = arith.muli %parallel_loop3A_133, %parallel_loop3A_132 : i32
          %parallel_loop3A_135 = vector.broadcast %parallel_loop3A_134 : i32 to vector<16xi32>
          %parallel_loop3A_136 = arith.addi %shift_right_logical3A_4, %parallel_loop3A_135 : vector<16xi32>
          %parallel_loop3A_137 = tpu.vector_load_idx %arg15[%parallel_loop3A_136, %and3A_7] : memref<2048x8xf32, #tpu.memory_space<vmem>>[vector<16xi32>, vector<16xi32>], vector<16xf32>,
          %parallel_loop3A_138 = tpu.vector_load_idx %arg13[%parallel_loop3A_136] : memref<2048xf32, #tpu.memory_space<vmem>>[vector<16xi32>], vector<16xf32>,
          %parallel_loop3A_139 = arith.mulf %parallel_loop3A_137, %parallel_loop3A_138 : vector<16xf32>
          tpu.vector_store_idx %arg17[%parallel_loop3A_136, %and3A_7], %parallel_loop3A_139 : memref<2048x8xf32, #tpu.memory_space<vmem>>[vector<16xi32>, vector<16xi32>], vector<16xf32>,
        } {sc.loop_unroll_factor = 8 : i64, sc.parallel_access}
        %dma_start3A = arith.constant 0 : i32
        %dma_start3A_124 = arith.constant 0 : i32
        %dma_start3A_125 = tpu.memref_slice %arg7[%dma_start3A, %dma_start3A_124] : memref<100096x8xf32, #tpu.memory_space<vmem_shared>> -> memref<100096x8xf32, #tpu.memory_space<vmem_shared>>
        tpu.enqueue_indirect_dma source(%arg17 : memref<2048x8xf32, #tpu.memory_space<vmem>>) target(%dma_start3A_125 : memref<100096x8xf32, #tpu.memory_space<vmem_shared>>) offsets(%arg11 : memref<2048xi32, #tpu.memory_space<vmem>>) semaphore(%arg23 : memref<!tpu.dma_semaphore, #tpu.memory_space<semaphore_mem>>) {add = true}
        %add3A_126 = arith.constant 1 : i32
        %add3A_127 = arith.addi %add3A_104, %add3A_126 : i32
        %lt3A_128 = arith.cmpi slt, %add3A_127, %add3A_11 : i32
        %convert_element_type3A_129 = arith.extui %lt3A_128 : i1 to i32
        %cond3A_130 = arith.constant 0 : i32
        %cond3A_131 = arith.cmpi ne, %convert_element_type3A_129, %cond3A_130 : i32
        scf.if %cond3A_131 {
          %dma_wait3A_132 = arith.constant 1 : i32
          %dma_wait3A_133 = arith.constant 0 : i32
          %dma_wait3A_134 = tpu.memref_slice %arg3[%dma_wait3A_132, %dma_wait3A_133] : memref<2x6400000xi32, #tpu.memory_space<hbm>> -> memref<1x2048xi32, #tpu.memory_space<hbm>>
          %dma_wait3A_135 = tpu.memref_squeeze %dma_wait3A_134 : memref<1x2048xi32, #tpu.memory_space<hbm>> -> memref<2048xi32, #tpu.memory_space<hbm>>
          %dma_wait3A_136 = arith.constant 0 : i32
          %dma_wait3A_137 = tpu.memref_slice %arg3[%dma_wait3A_132, %dma_wait3A_136] : memref<2x6400000xi32, #tpu.memory_space<hbm>> -> memref<1x2048xi32, #tpu.memory_space<hbm>>
          %dma_wait3A_138 = tpu.memref_squeeze %dma_wait3A_137 : memref<1x2048xi32, #tpu.memory_space<hbm>> -> memref<2048xi32, #tpu.memory_space<hbm>>
          tpu.wait_dma2 semaphore(%arg18 : memref<!tpu.dma_semaphore, #tpu.memory_space<semaphore_mem>>) src(%dma_wait3A_138 : memref<2048xi32, #tpu.memory_space<hbm>>) dst(%arg8 : memref<2048xi32, #tpu.memory_space<vmem>>)
          %dma_wait3A_139 = arith.constant 0 : i32
          %dma_wait3A_140 = arith.constant 0 : i32
          %dma_wait3A_141 = tpu.memref_slice %arg3[%dma_wait3A_139, %dma_wait3A_140] : memref<2x6400000xi32, #tpu.memory_space<hbm>> -> memref<1x2048xi32, #tpu.memory_space<hbm>>
          %dma_wait3A_142 = tpu.memref_squeeze %dma_wait3A_141 : memref<1x2048xi32, #tpu.memory_space<hbm>> -> memref<2048xi32, #tpu.memory_space<hbm>>
          %dma_wait3A_143 = arith.constant 0 : i32
          %dma_wait3A_144 = tpu.memref_slice %arg3[%dma_wait3A_139, %dma_wait3A_143] : memref<2x6400000xi32, #tpu.memory_space<hbm>> -> memref<1x2048xi32, #tpu.memory_space<hbm>>
          %dma_wait3A_145 = tpu.memref_squeeze %dma_wait3A_144 : memref<1x2048xi32, #tpu.memory_space<hbm>> -> memref<2048xi32, #tpu.memory_space<hbm>>
          tpu.wait_dma2 semaphore(%arg18 : memref<!tpu.dma_semaphore, #tpu.memory_space<semaphore_mem>>) src(%dma_wait3A_145 : memref<2048xi32, #tpu.memory_space<hbm>>) dst(%arg10 : memref<2048xi32, #tpu.memory_space<vmem>>)
          %dma_wait3A_146 = arith.constant 0 : i32
          %dma_wait3A_147 = tpu.memref_slice %arg4[%dma_wait3A_146] : memref<6400000xf32, #tpu.memory_space<hbm>> -> memref<2048xf32, #tpu.memory_space<hbm>>
          %dma_wait3A_148 = arith.constant 0 : i32
          %dma_wait3A_149 = tpu.memref_slice %arg4[%dma_wait3A_148] : memref<6400000xf32, #tpu.memory_space<hbm>> -> memref<2048xf32, #tpu.memory_space<hbm>>
          tpu.wait_dma2 semaphore(%arg18 : memref<!tpu.dma_semaphore, #tpu.memory_space<semaphore_mem>>) src(%dma_wait3A_149 : memref<2048xf32, #tpu.memory_space<hbm>>) dst(%arg12 : memref<2048xf32, #tpu.memory_space<vmem>>)
          %dma_start3A_150 = arith.constant 0 : i32
          %dma_start3A_151 = arith.constant 0 : i32
          %dma_start3A_152 = tpu.memref_slice %arg2[%dma_start3A_150, %dma_start3A_151] : memref<100000x8xf32, #tpu.memory_space<hbm>> -> memref<100000x8xf32, #tpu.memory_space<hbm>>
          tpu.enqueue_indirect_dma source(%dma_start3A_152 : memref<100000x8xf32, #tpu.memory_space<hbm>>) target(%arg14 : memref<2048x8xf32, #tpu.memory_space<vmem>>) offsets(%arg8 : memref<2048xi32, #tpu.memory_space<vmem>>) semaphore(%arg20 : memref<!tpu.dma_semaphore, #tpu.memory_space<semaphore_mem>>)
        } else {
        }
      } else {
      }
      %while3A_109 = arith.constant 0 : i32
      scf.yield %while3A_109 : i32
    }
    %while3A_44 = arith.constant 1 : i32
    %while3A_45 = scf.for %while3A_91 = %while3A_41 to %while3A_37 step %while3A_44 iter_args(%while3A_92 = %while3A_43) -> (i32)  : i32 {
      %mul3A_93 = arith.constant 2 : i32
      %mul3A_94 = arith.muli %mul3A_93, %while3A_91 : i32
      %add3A_95 = arith.constant 0 : i32
      %add3A_96 = arith.addi %mul3A_94, %add3A_95 : i32
      %lt3A_97 = arith.cmpi slt, %add3A_96, %add3A_11 : i32
      %convert_element_type3A_98 = arith.extui %lt3A_97 : i1 to i32
      %cond3A_99 = arith.constant 0 : i32
      %cond3A_100 = arith.cmpi ne, %convert_element_type3A_98, %cond3A_99 : i32
      scf.if %cond3A_100 {
        %ge3A = arith.constant 1 : i32
        %ge3A_110 = arith.cmpi sge, %add3A_96, %ge3A : i32
        %convert_element_type3A_111 = arith.extui %ge3A_110 : i1 to i32
        %cond3A_112 = arith.constant 0 : i32
        %cond3A_113 = arith.cmpi ne, %convert_element_type3A_111, %cond3A_112 : i32
        scf.if %cond3A_113 {
          %dma_wait3A_132 = arith.constant 0 : i32
          %dma_wait3A_133 = arith.constant 0 : i32
          %dma_wait3A_134 = tpu.memref_slice %arg7[%dma_wait3A_132, %dma_wait3A_133] : memref<100096x8xf32, #tpu.memory_space<vmem_shared>> -> memref<100096x8xf32, #tpu.memory_space<vmem_shared>>
          tpu.wait_indirect_dma semaphore(%arg23 : memref<!tpu.dma_semaphore, #tpu.memory_space<semaphore_mem>>) src(%arg17 : memref<2048x8xf32, #tpu.memory_space<vmem>>) dst(%dma_wait3A_134 : memref<100096x8xf32, #tpu.memory_space<vmem_shared>>)
        } else {
        }
        %add3A_114 = arith.constant 1 : i32
        %add3A_115 = arith.addi %add3A_96, %add3A_114 : i32
        %lt3A_116 = arith.cmpi slt, %add3A_115, %add3A_11 : i32
        %convert_element_type3A_117 = arith.extui %lt3A_116 : i1 to i32
        %cond3A_118 = arith.constant 0 : i32
        %cond3A_119 = arith.cmpi ne, %convert_element_type3A_117, %cond3A_118 : i32
        scf.if %cond3A_119 {
          %add3A_132 = arith.constant 1 : i32
          %add3A_133 = arith.addi %add3A_96, %add3A_132 : i32
          %mul3A_134 = arith.constant 32 : i32
          %mul3A_135 = arith.muli %add3A_133, %mul3A_134 : i32
          %add3A_136 = arith.addi %add3A, %mul3A_135 : i32
          %mul3A_137 = arith.constant 2048 : i32
          %mul3A_138 = arith.muli %add3A_136, %mul3A_137 : i32
          %dma_start3A_139 = arith.constant 1 : i32
          %dma_start3A_140 = tpu.memref_slice %arg3[%dma_start3A_139, %mul3A_138] : memref<2x6400000xi32, #tpu.memory_space<hbm>> -> memref<1x2048xi32, #tpu.memory_space<hbm>>
          %dma_start3A_141 = tpu.memref_squeeze %dma_start3A_140 : memref<1x2048xi32, #tpu.memory_space<hbm>> -> memref<2048xi32, #tpu.memory_space<hbm>>
          %dma_start3A_142 = tpu.memref_slice %arg3[%dma_start3A_139, %mul3A_138] : memref<2x6400000xi32, #tpu.memory_space<hbm>> -> memref<1x2048xi32, #tpu.memory_space<hbm>>
          %dma_start3A_143 = tpu.memref_squeeze %dma_start3A_142 : memref<1x2048xi32, #tpu.memory_space<hbm>> -> memref<2048xi32, #tpu.memory_space<hbm>>
          tpu.enqueue_dma source(%dma_start3A_143 : memref<2048xi32, #tpu.memory_space<hbm>>) target(%arg9 : memref<2048xi32, #tpu.memory_space<vmem>>) target_semaphore(%arg19 : memref<!tpu.dma_semaphore, #tpu.memory_space<semaphore_mem>>)
          %dma_start3A_144 = arith.constant 0 : i32
          %dma_start3A_145 = tpu.memref_slice %arg3[%dma_start3A_144, %mul3A_138] : memref<2x6400000xi32, #tpu.memory_space<hbm>> -> memref<1x2048xi32, #tpu.memory_space<hbm>>
          %dma_start3A_146 = tpu.memref_squeeze %dma_start3A_145 : memref<1x2048xi32, #tpu.memory_space<hbm>> -> memref<2048xi32, #tpu.memory_space<hbm>>
          %dma_start3A_147 = tpu.memref_slice %arg3[%dma_start3A_144, %mul3A_138] : memref<2x6400000xi32, #tpu.memory_space<hbm>> -> memref<1x2048xi32, #tpu.memory_space<hbm>>
          %dma_start3A_148 = tpu.memref_squeeze %dma_start3A_147 : memref<1x2048xi32, #tpu.memory_space<hbm>> -> memref<2048xi32, #tpu.memory_space<hbm>>
          tpu.enqueue_dma source(%dma_start3A_148 : memref<2048xi32, #tpu.memory_space<hbm>>) target(%arg11 : memref<2048xi32, #tpu.memory_space<vmem>>) target_semaphore(%arg19 : memref<!tpu.dma_semaphore, #tpu.memory_space<semaphore_mem>>)
          %dma_start3A_149 = tpu.memref_slice %arg4[%mul3A_138] : memref<6400000xf32, #tpu.memory_space<hbm>> -> memref<2048xf32, #tpu.memory_space<hbm>>
          %dma_start3A_150 = tpu.memref_slice %arg4[%mul3A_138] : memref<6400000xf32, #tpu.memory_space<hbm>> -> memref<2048xf32, #tpu.memory_space<hbm>>
          tpu.enqueue_dma source(%dma_start3A_150 : memref<2048xf32, #tpu.memory_space<hbm>>) target(%arg13 : memref<2048xf32, #tpu.memory_space<vmem>>) target_semaphore(%arg19 : memref<!tpu.dma_semaphore, #tpu.memory_space<semaphore_mem>>)
        } else {
        }
        %dma_wait3A = arith.constant 0 : i32
        %dma_wait3A_120 = arith.constant 0 : i32
        %dma_wait3A_121 = tpu.memref_slice %arg2[%dma_wait3A, %dma_wait3A_120] : memref<100000x8xf32, #tpu.memory_space<hbm>> -> memref<100000x8xf32, #tpu.memory_space<hbm>>
        tpu.wait_indirect_dma semaphore(%arg20 : memref<!tpu.dma_semaphore, #tpu.memory_space<semaphore_mem>>) src(%dma_wait3A_121 : memref<100000x8xf32, #tpu.memory_space<hbm>>) dst(%arg14 : memref<2048x8xf32, #tpu.memory_space<vmem>>)
        %parallel_loop3A = arith.constant 0 : i32
        %parallel_loop3A_122 = arith.constant 1024 : i32
        %parallel_loop3A_123 = arith.constant 1 : i32
        scf.for %parallel_loop3A_132 = %parallel_loop3A to %parallel_loop3A_122 step %parallel_loop3A_123  : i32 {
          %parallel_loop3A_133 = arith.constant 2 : i32
          %parallel_loop3A_134 = arith.muli %parallel_loop3A_133, %parallel_loop3A_132 : i32
          %parallel_loop3A_135 = vector.broadcast %parallel_loop3A_134 : i32 to vector<16xi32>
          %parallel_loop3A_136 = arith.addi %shift_right_logical3A_4, %parallel_loop3A_135 : vector<16xi32>
          %parallel_loop3A_137 = tpu.vector_load_idx %arg14[%parallel_loop3A_136, %and3A_7] : memref<2048x8xf32, #tpu.memory_space<vmem>>[vector<16xi32>, vector<16xi32>], vector<16xf32>,
          %parallel_loop3A_138 = tpu.vector_load_idx %arg12[%parallel_loop3A_136] : memref<2048xf32, #tpu.memory_space<vmem>>[vector<16xi32>], vector<16xf32>,
          %parallel_loop3A_139 = arith.mulf %parallel_loop3A_137, %parallel_loop3A_138 : vector<16xf32>
          tpu.vector_store_idx %arg16[%parallel_loop3A_136, %and3A_7], %parallel_loop3A_139 : memref<2048x8xf32, #tpu.memory_space<vmem>>[vector<16xi32>, vector<16xi32>], vector<16xf32>,
        } {sc.loop_unroll_factor = 8 : i64, sc.parallel_access}
        %dma_start3A = arith.constant 0 : i32
        %dma_start3A_124 = arith.constant 0 : i32
        %dma_start3A_125 = tpu.memref_slice %arg7[%dma_start3A, %dma_start3A_124] : memref<100096x8xf32, #tpu.memory_space<vmem_shared>> -> memref<100096x8xf32, #tpu.memory_space<vmem_shared>>
        tpu.enqueue_indirect_dma source(%arg16 : memref<2048x8xf32, #tpu.memory_space<vmem>>) target(%dma_start3A_125 : memref<100096x8xf32, #tpu.memory_space<vmem_shared>>) offsets(%arg10 : memref<2048xi32, #tpu.memory_space<vmem>>) semaphore(%arg22 : memref<!tpu.dma_semaphore, #tpu.memory_space<semaphore_mem>>) {add = true}
        %add3A_126 = arith.constant 1 : i32
        %add3A_127 = arith.addi %add3A_96, %add3A_126 : i32
        %lt3A_128 = arith.cmpi slt, %add3A_127, %add3A_11 : i32
        %convert_element_type3A_129 = arith.extui %lt3A_128 : i1 to i32
        %cond3A_130 = arith.constant 0 : i32
        %cond3A_131 = arith.cmpi ne, %convert_element_type3A_129, %cond3A_130 : i32
        scf.if %cond3A_131 {
          %dma_wait3A_132 = arith.constant 1 : i32
          %dma_wait3A_133 = arith.constant 0 : i32
          %dma_wait3A_134 = tpu.memref_slice %arg3[%dma_wait3A_132, %dma_wait3A_133] : memref<2x6400000xi32, #tpu.memory_space<hbm>> -> memref<1x2048xi32, #tpu.memory_space<hbm>>
          %dma_wait3A_135 = tpu.memref_squeeze %dma_wait3A_134 : memref<1x2048xi32, #tpu.memory_space<hbm>> -> memref<2048xi32, #tpu.memory_space<hbm>>
          %dma_wait3A_136 = arith.constant 0 : i32
          %dma_wait3A_137 = tpu.memref_slice %arg3[%dma_wait3A_132, %dma_wait3A_136] : memref<2x6400000xi32, #tpu.memory_space<hbm>> -> memref<1x2048xi32, #tpu.memory_space<hbm>>
          %dma_wait3A_138 = tpu.memref_squeeze %dma_wait3A_137 : memref<1x2048xi32, #tpu.memory_space<hbm>> -> memref<2048xi32, #tpu.memory_space<hbm>>
          tpu.wait_dma2 semaphore(%arg19 : memref<!tpu.dma_semaphore, #tpu.memory_space<semaphore_mem>>) src(%dma_wait3A_138 : memref<2048xi32, #tpu.memory_space<hbm>>) dst(%arg9 : memref<2048xi32, #tpu.memory_space<vmem>>)
          %dma_wait3A_139 = arith.constant 0 : i32
          %dma_wait3A_140 = arith.constant 0 : i32
          %dma_wait3A_141 = tpu.memref_slice %arg3[%dma_wait3A_139, %dma_wait3A_140] : memref<2x6400000xi32, #tpu.memory_space<hbm>> -> memref<1x2048xi32, #tpu.memory_space<hbm>>
          %dma_wait3A_142 = tpu.memref_squeeze %dma_wait3A_141 : memref<1x2048xi32, #tpu.memory_space<hbm>> -> memref<2048xi32, #tpu.memory_space<hbm>>
          %dma_wait3A_143 = arith.constant 0 : i32
          %dma_wait3A_144 = tpu.memref_slice %arg3[%dma_wait3A_139, %dma_wait3A_143] : memref<2x6400000xi32, #tpu.memory_space<hbm>> -> memref<1x2048xi32, #tpu.memory_space<hbm>>
          %dma_wait3A_145 = tpu.memref_squeeze %dma_wait3A_144 : memref<1x2048xi32, #tpu.memory_space<hbm>> -> memref<2048xi32, #tpu.memory_space<hbm>>
          tpu.wait_dma2 semaphore(%arg19 : memref<!tpu.dma_semaphore, #tpu.memory_space<semaphore_mem>>) src(%dma_wait3A_145 : memref<2048xi32, #tpu.memory_space<hbm>>) dst(%arg11 : memref<2048xi32, #tpu.memory_space<vmem>>)
          %dma_wait3A_146 = arith.constant 0 : i32
          %dma_wait3A_147 = tpu.memref_slice %arg4[%dma_wait3A_146] : memref<6400000xf32, #tpu.memory_space<hbm>> -> memref<2048xf32, #tpu.memory_space<hbm>>
          %dma_wait3A_148 = arith.constant 0 : i32
          %dma_wait3A_149 = tpu.memref_slice %arg4[%dma_wait3A_148] : memref<6400000xf32, #tpu.memory_space<hbm>> -> memref<2048xf32, #tpu.memory_space<hbm>>
          tpu.wait_dma2 semaphore(%arg19 : memref<!tpu.dma_semaphore, #tpu.memory_space<semaphore_mem>>) src(%dma_wait3A_149 : memref<2048xf32, #tpu.memory_space<hbm>>) dst(%arg13 : memref<2048xf32, #tpu.memory_space<vmem>>)
          %dma_start3A_150 = arith.constant 0 : i32
          %dma_start3A_151 = arith.constant 0 : i32
          %dma_start3A_152 = tpu.memref_slice %arg2[%dma_start3A_150, %dma_start3A_151] : memref<100000x8xf32, #tpu.memory_space<hbm>> -> memref<100000x8xf32, #tpu.memory_space<hbm>>
          tpu.enqueue_indirect_dma source(%dma_start3A_152 : memref<100000x8xf32, #tpu.memory_space<hbm>>) target(%arg15 : memref<2048x8xf32, #tpu.memory_space<vmem>>) offsets(%arg9 : memref<2048xi32, #tpu.memory_space<vmem>>) semaphore(%arg21 : memref<!tpu.dma_semaphore, #tpu.memory_space<semaphore_mem>>)
        } else {
        }
      } else {
      }
      %mul3A_101 = arith.constant 2 : i32
      %mul3A_102 = arith.muli %mul3A_101, %while3A_91 : i32
      %add3A_103 = arith.constant 1 : i32
      %add3A_104 = arith.addi %mul3A_102, %add3A_103 : i32
      %lt3A_105 = arith.cmpi slt, %add3A_104, %add3A_11 : i32
      %convert_element_type3A_106 = arith.extui %lt3A_105 : i1 to i32
      %cond3A_107 = arith.constant 0 : i32
      %cond3A_108 = arith.cmpi ne, %convert_element_type3A_106, %cond3A_107 : i32
      scf.if %cond3A_108 {
        %ge3A = arith.constant 1 : i32
        %ge3A_110 = arith.cmpi sge, %add3A_104, %ge3A : i32
        %convert_element_type3A_111 = arith.extui %ge3A_110 : i1 to i32
        %cond3A_112 = arith.constant 0 : i32
        %cond3A_113 = arith.cmpi ne, %convert_element_type3A_111, %cond3A_112 : i32
        scf.if %cond3A_113 {
          %dma_wait3A_132 = arith.constant 0 : i32
          %dma_wait3A_133 = arith.constant 0 : i32
          %dma_wait3A_134 = tpu.memref_slice %arg7[%dma_wait3A_132, %dma_wait3A_133] : memref<100096x8xf32, #tpu.memory_space<vmem_shared>> -> memref<100096x8xf32, #tpu.memory_space<vmem_shared>>
          tpu.wait_indirect_dma semaphore(%arg22 : memref<!tpu.dma_semaphore, #tpu.memory_space<semaphore_mem>>) src(%arg16 : memref<2048x8xf32, #tpu.memory_space<vmem>>) dst(%dma_wait3A_134 : memref<100096x8xf32, #tpu.memory_space<vmem_shared>>)
        } else {
        }
        %add3A_114 = arith.constant 1 : i32
        %add3A_115 = arith.addi %add3A_104, %add3A_114 : i32
        %lt3A_116 = arith.cmpi slt, %add3A_115, %add3A_11 : i32
        %convert_element_type3A_117 = arith.extui %lt3A_116 : i1 to i32
        %cond3A_118 = arith.constant 0 : i32
        %cond3A_119 = arith.cmpi ne, %convert_element_type3A_117, %cond3A_118 : i32
        scf.if %cond3A_119 {
          %add3A_132 = arith.constant 1 : i32
          %add3A_133 = arith.addi %add3A_104, %add3A_132 : i32
          %mul3A_134 = arith.constant 32 : i32
          %mul3A_135 = arith.muli %add3A_133, %mul3A_134 : i32
          %add3A_136 = arith.addi %add3A, %mul3A_135 : i32
          %mul3A_137 = arith.constant 2048 : i32
          %mul3A_138 = arith.muli %add3A_136, %mul3A_137 : i32
          %dma_start3A_139 = arith.constant 1 : i32
          %dma_start3A_140 = tpu.memref_slice %arg3[%dma_start3A_139, %mul3A_138] : memref<2x6400000xi32, #tpu.memory_space<hbm>> -> memref<1x2048xi32, #tpu.memory_space<hbm>>
          %dma_start3A_141 = tpu.memref_squeeze %dma_start3A_140 : memref<1x2048xi32, #tpu.memory_space<hbm>> -> memref<2048xi32, #tpu.memory_space<hbm>>
          %dma_start3A_142 = tpu.memref_slice %arg3[%dma_start3A_139, %mul3A_138] : memref<2x6400000xi32, #tpu.memory_space<hbm>> -> memref<1x2048xi32, #tpu.memory_space<hbm>>
          %dma_start3A_143 = tpu.memref_squeeze %dma_start3A_142 : memref<1x2048xi32, #tpu.memory_space<hbm>> -> memref<2048xi32, #tpu.memory_space<hbm>>
          tpu.enqueue_dma source(%dma_start3A_143 : memref<2048xi32, #tpu.memory_space<hbm>>) target(%arg8 : memref<2048xi32, #tpu.memory_space<vmem>>) target_semaphore(%arg18 : memref<!tpu.dma_semaphore, #tpu.memory_space<semaphore_mem>>)
          %dma_start3A_144 = arith.constant 0 : i32
          %dma_start3A_145 = tpu.memref_slice %arg3[%dma_start3A_144, %mul3A_138] : memref<2x6400000xi32, #tpu.memory_space<hbm>> -> memref<1x2048xi32, #tpu.memory_space<hbm>>
          %dma_start3A_146 = tpu.memref_squeeze %dma_start3A_145 : memref<1x2048xi32, #tpu.memory_space<hbm>> -> memref<2048xi32, #tpu.memory_space<hbm>>
          %dma_start3A_147 = tpu.memref_slice %arg3[%dma_start3A_144, %mul3A_138] : memref<2x6400000xi32, #tpu.memory_space<hbm>> -> memref<1x2048xi32, #tpu.memory_space<hbm>>
          %dma_start3A_148 = tpu.memref_squeeze %dma_start3A_147 : memref<1x2048xi32, #tpu.memory_space<hbm>> -> memref<2048xi32, #tpu.memory_space<hbm>>
          tpu.enqueue_dma source(%dma_start3A_148 : memref<2048xi32, #tpu.memory_space<hbm>>) target(%arg10 : memref<2048xi32, #tpu.memory_space<vmem>>) target_semaphore(%arg18 : memref<!tpu.dma_semaphore, #tpu.memory_space<semaphore_mem>>)
          %dma_start3A_149 = tpu.memref_slice %arg4[%mul3A_138] : memref<6400000xf32, #tpu.memory_space<hbm>> -> memref<2048xf32, #tpu.memory_space<hbm>>
          %dma_start3A_150 = tpu.memref_slice %arg4[%mul3A_138] : memref<6400000xf32, #tpu.memory_space<hbm>> -> memref<2048xf32, #tpu.memory_space<hbm>>
          tpu.enqueue_dma source(%dma_start3A_150 : memref<2048xf32, #tpu.memory_space<hbm>>) target(%arg12 : memref<2048xf32, #tpu.memory_space<vmem>>) target_semaphore(%arg18 : memref<!tpu.dma_semaphore, #tpu.memory_space<semaphore_mem>>)
        } else {
        }
        %dma_wait3A = arith.constant 0 : i32
        %dma_wait3A_120 = arith.constant 0 : i32
        %dma_wait3A_121 = tpu.memref_slice %arg2[%dma_wait3A, %dma_wait3A_120] : memref<100000x8xf32, #tpu.memory_space<hbm>> -> memref<100000x8xf32, #tpu.memory_space<hbm>>
        tpu.wait_indirect_dma semaphore(%arg21 : memref<!tpu.dma_semaphore, #tpu.memory_space<semaphore_mem>>) src(%dma_wait3A_121 : memref<100000x8xf32, #tpu.memory_space<hbm>>) dst(%arg15 : memref<2048x8xf32, #tpu.memory_space<vmem>>)
        %parallel_loop3A = arith.constant 0 : i32
        %parallel_loop3A_122 = arith.constant 1024 : i32
        %parallel_loop3A_123 = arith.constant 1 : i32
        scf.for %parallel_loop3A_132 = %parallel_loop3A to %parallel_loop3A_122 step %parallel_loop3A_123  : i32 {
          %parallel_loop3A_133 = arith.constant 2 : i32
          %parallel_loop3A_134 = arith.muli %parallel_loop3A_133, %parallel_loop3A_132 : i32
          %parallel_loop3A_135 = vector.broadcast %parallel_loop3A_134 : i32 to vector<16xi32>
          %parallel_loop3A_136 = arith.addi %shift_right_logical3A_4, %parallel_loop3A_135 : vector<16xi32>
          %parallel_loop3A_137 = tpu.vector_load_idx %arg15[%parallel_loop3A_136, %and3A_7] : memref<2048x8xf32, #tpu.memory_space<vmem>>[vector<16xi32>, vector<16xi32>], vector<16xf32>,
          %parallel_loop3A_138 = tpu.vector_load_idx %arg13[%parallel_loop3A_136] : memref<2048xf32, #tpu.memory_space<vmem>>[vector<16xi32>], vector<16xf32>,
          %parallel_loop3A_139 = arith.mulf %parallel_loop3A_137, %parallel_loop3A_138 : vector<16xf32>
          tpu.vector_store_idx %arg17[%parallel_loop3A_136, %and3A_7], %parallel_loop3A_139 : memref<2048x8xf32, #tpu.memory_space<vmem>>[vector<16xi32>, vector<16xi32>], vector<16xf32>,
        } {sc.loop_unroll_factor = 8 : i64, sc.parallel_access}
        %dma_start3A = arith.constant 0 : i32
        %dma_start3A_124 = arith.constant 0 : i32
        %dma_start3A_125 = tpu.memref_slice %arg7[%dma_start3A, %dma_start3A_124] : memref<100096x8xf32, #tpu.memory_space<vmem_shared>> -> memref<100096x8xf32, #tpu.memory_space<vmem_shared>>
        tpu.enqueue_indirect_dma source(%arg17 : memref<2048x8xf32, #tpu.memory_space<vmem>>) target(%dma_start3A_125 : memref<100096x8xf32, #tpu.memory_space<vmem_shared>>) offsets(%arg11 : memref<2048xi32, #tpu.memory_space<vmem>>) semaphore(%arg23 : memref<!tpu.dma_semaphore, #tpu.memory_space<semaphore_mem>>) {add = true}
        %add3A_126 = arith.constant 1 : i32
        %add3A_127 = arith.addi %add3A_104, %add3A_126 : i32
        %lt3A_128 = arith.cmpi slt, %add3A_127, %add3A_11 : i32
        %convert_element_type3A_129 = arith.extui %lt3A_128 : i1 to i32
        %cond3A_130 = arith.constant 0 : i32
        %cond3A_131 = arith.cmpi ne, %convert_element_type3A_129, %cond3A_130 : i32
        scf.if %cond3A_131 {
          %dma_wait3A_132 = arith.constant 1 : i32
          %dma_wait3A_133 = arith.constant 0 : i32
          %dma_wait3A_134 = tpu.memref_slice %arg3[%dma_wait3A_132, %dma_wait3A_133] : memref<2x6400000xi32, #tpu.memory_space<hbm>> -> memref<1x2048xi32, #tpu.memory_space<hbm>>
          %dma_wait3A_135 = tpu.memref_squeeze %dma_wait3A_134 : memref<1x2048xi32, #tpu.memory_space<hbm>> -> memref<2048xi32, #tpu.memory_space<hbm>>
          %dma_wait3A_136 = arith.constant 0 : i32
          %dma_wait3A_137 = tpu.memref_slice %arg3[%dma_wait3A_132, %dma_wait3A_136] : memref<2x6400000xi32, #tpu.memory_space<hbm>> -> memref<1x2048xi32, #tpu.memory_space<hbm>>
          %dma_wait3A_138 = tpu.memref_squeeze %dma_wait3A_137 : memref<1x2048xi32, #tpu.memory_space<hbm>> -> memref<2048xi32, #tpu.memory_space<hbm>>
          tpu.wait_dma2 semaphore(%arg18 : memref<!tpu.dma_semaphore, #tpu.memory_space<semaphore_mem>>) src(%dma_wait3A_138 : memref<2048xi32, #tpu.memory_space<hbm>>) dst(%arg8 : memref<2048xi32, #tpu.memory_space<vmem>>)
          %dma_wait3A_139 = arith.constant 0 : i32
          %dma_wait3A_140 = arith.constant 0 : i32
          %dma_wait3A_141 = tpu.memref_slice %arg3[%dma_wait3A_139, %dma_wait3A_140] : memref<2x6400000xi32, #tpu.memory_space<hbm>> -> memref<1x2048xi32, #tpu.memory_space<hbm>>
          %dma_wait3A_142 = tpu.memref_squeeze %dma_wait3A_141 : memref<1x2048xi32, #tpu.memory_space<hbm>> -> memref<2048xi32, #tpu.memory_space<hbm>>
          %dma_wait3A_143 = arith.constant 0 : i32
          %dma_wait3A_144 = tpu.memref_slice %arg3[%dma_wait3A_139, %dma_wait3A_143] : memref<2x6400000xi32, #tpu.memory_space<hbm>> -> memref<1x2048xi32, #tpu.memory_space<hbm>>
          %dma_wait3A_145 = tpu.memref_squeeze %dma_wait3A_144 : memref<1x2048xi32, #tpu.memory_space<hbm>> -> memref<2048xi32, #tpu.memory_space<hbm>>
          tpu.wait_dma2 semaphore(%arg18 : memref<!tpu.dma_semaphore, #tpu.memory_space<semaphore_mem>>) src(%dma_wait3A_145 : memref<2048xi32, #tpu.memory_space<hbm>>) dst(%arg10 : memref<2048xi32, #tpu.memory_space<vmem>>)
          %dma_wait3A_146 = arith.constant 0 : i32
          %dma_wait3A_147 = tpu.memref_slice %arg4[%dma_wait3A_146] : memref<6400000xf32, #tpu.memory_space<hbm>> -> memref<2048xf32, #tpu.memory_space<hbm>>
          %dma_wait3A_148 = arith.constant 0 : i32
          %dma_wait3A_149 = tpu.memref_slice %arg4[%dma_wait3A_148] : memref<6400000xf32, #tpu.memory_space<hbm>> -> memref<2048xf32, #tpu.memory_space<hbm>>
          tpu.wait_dma2 semaphore(%arg18 : memref<!tpu.dma_semaphore, #tpu.memory_space<semaphore_mem>>) src(%dma_wait3A_149 : memref<2048xf32, #tpu.memory_space<hbm>>) dst(%arg12 : memref<2048xf32, #tpu.memory_space<vmem>>)
          %dma_start3A_150 = arith.constant 0 : i32
          %dma_start3A_151 = arith.constant 0 : i32
          %dma_start3A_152 = tpu.memref_slice %arg2[%dma_start3A_150, %dma_start3A_151] : memref<100000x8xf32, #tpu.memory_space<hbm>> -> memref<100000x8xf32, #tpu.memory_space<hbm>>
          tpu.enqueue_indirect_dma source(%dma_start3A_152 : memref<100000x8xf32, #tpu.memory_space<hbm>>) target(%arg14 : memref<2048x8xf32, #tpu.memory_space<vmem>>) offsets(%arg8 : memref<2048xi32, #tpu.memory_space<vmem>>) semaphore(%arg20 : memref<!tpu.dma_semaphore, #tpu.memory_space<semaphore_mem>>)
        } else {
        }
      } else {
      }
      %while3A_109 = arith.constant 0 : i32
      scf.yield %while3A_109 : i32
    }
    %jit3A_46 = arith.constant 2 : i32
    %eq3A = arith.constant 0 : i32
    %eq3A_47 = arith.cmpi eq, %jit3A_46, %eq3A : i32
    %jit3A_48 = arith.constant 1 : i32
    %select_n3A_49 = arith.select %eq3A_47, %jit3A_48, %jit3A_46 : i32
    %rem3A_50 = arith.remsi %add3A_11, %select_n3A_49 : i32
    %ne3A_51 = arith.constant 0 : i32
    %ne3A_52 = arith.cmpi ne, %rem3A_50, %ne3A_51 : i32
    %lt3A_53 = arith.constant 0 : i32
    %lt3A_54 = arith.cmpi slt, %rem3A_50, %lt3A_53 : i32
    %lt3A_55 = arith.constant 0 : i32
    %lt3A_56 = arith.cmpi slt, %select_n3A_49, %lt3A_55 : i32
    %ne3A_57 = arith.xori %lt3A_54, %lt3A_56 : i1
    %and3A_58 = arith.andi %ne3A_57, %ne3A_52 : i1
    %add3A_59 = arith.addi %rem3A_50, %select_n3A_49 : i32
    %select_n3A_60 = arith.select %and3A_58, %add3A_59, %rem3A_50 : i32
    %eq3A_61 = arith.constant 1 : i32
    %eq3A_62 = arith.cmpi eq, %select_n3A_60, %eq3A_61 : i32
    %convert_element_type3A_63 = arith.extui %eq3A_62 : i1 to i32
    %cond3A_64 = arith.constant 0 : i32
    %cond3A_65 = arith.cmpi ne, %convert_element_type3A_63, %cond3A_64 : i32
    scf.if %cond3A_65 {
      %dma_wait3A = arith.constant 0 : i32
      %dma_wait3A_91 = arith.constant 0 : i32
      %dma_wait3A_92 = tpu.memref_slice %arg7[%dma_wait3A, %dma_wait3A_91] : memref<100096x8xf32, #tpu.memory_space<vmem_shared>> -> memref<100096x8xf32, #tpu.memory_space<vmem_shared>>
      tpu.wait_indirect_dma semaphore(%arg22 : memref<!tpu.dma_semaphore, #tpu.memory_space<semaphore_mem>>) src(%arg16 : memref<2048x8xf32, #tpu.memory_space<vmem>>) dst(%dma_wait3A_92 : memref<100096x8xf32, #tpu.memory_space<vmem_shared>>)
    } else {
    }
    %jit3A_66 = arith.constant 2 : i32
    %eq3A_67 = arith.constant 0 : i32
    %eq3A_68 = arith.cmpi eq, %jit3A_66, %eq3A_67 : i32
    %jit3A_69 = arith.constant 1 : i32
    %select_n3A_70 = arith.select %eq3A_68, %jit3A_69, %jit3A_66 : i32
    %rem3A_71 = arith.remsi %add3A_11, %select_n3A_70 : i32
    %ne3A_72 = arith.constant 0 : i32
    %ne3A_73 = arith.cmpi ne, %rem3A_71, %ne3A_72 : i32
    %lt3A_74 = arith.constant 0 : i32
    %lt3A_75 = arith.cmpi slt, %rem3A_71, %lt3A_74 : i32
    %lt3A_76 = arith.constant 0 : i32
    %lt3A_77 = arith.cmpi slt, %select_n3A_70, %lt3A_76 : i32
    %ne3A_78 = arith.xori %lt3A_75, %lt3A_77 : i1
    %and3A_79 = arith.andi %ne3A_78, %ne3A_73 : i1
    %add3A_80 = arith.addi %rem3A_71, %select_n3A_70 : i32
    %select_n3A_81 = arith.select %and3A_79, %add3A_80, %rem3A_71 : i32
    %eq3A_82 = arith.constant 0 : i32
    %eq3A_83 = arith.cmpi eq, %select_n3A_81, %eq3A_82 : i32
    %gt3A_84 = arith.constant 0 : i32
    %gt3A_85 = arith.cmpi sgt, %add3A_11, %gt3A_84 : i32
    %and3A_86 = arith.andi %eq3A_83, %gt3A_85 : i1
    %convert_element_type3A_87 = arith.extui %and3A_86 : i1 to i32
    %cond3A_88 = arith.constant 0 : i32
    %cond3A_89 = arith.cmpi ne, %convert_element_type3A_87, %cond3A_88 : i32
    scf.if %cond3A_89 {
      %dma_wait3A = arith.constant 0 : i32
      %dma_wait3A_91 = arith.constant 0 : i32
      %dma_wait3A_92 = tpu.memref_slice %arg7[%dma_wait3A, %dma_wait3A_91] : memref<100096x8xf32, #tpu.memory_space<vmem_shared>> -> memref<100096x8xf32, #tpu.memory_space<vmem_shared>>
      tpu.wait_indirect_dma semaphore(%arg23 : memref<!tpu.dma_semaphore, #tpu.memory_space<semaphore_mem>>) src(%arg17 : memref<2048x8xf32, #tpu.memory_space<vmem>>) dst(%dma_wait3A_92 : memref<100096x8xf32, #tpu.memory_space<vmem_shared>>)
    } else {
    }
    %barrier3A_90 = arith.constant 0 : index
    tpu.barrier barrier_id(%barrier3A_90)
    "tpu.region"() ({
      %run_scoped3A = tpu.sem_alloc : memref<!tpu.dma_semaphore, #tpu.memory_space<semaphore_mem>>
      %dma_start3A = arith.constant 0 : i32
      %dma_start3A_91 = tpu.memref_slice %arg6[%arg0, %mul3A_2, %dma_start3A] : memref<2x100096x8xf32, #tpu.memory_space<hbm>> -> memref<1x6256x8xf32, #tpu.memory_space<hbm>>
      %dma_start3A_92 = tpu.memref_squeeze %dma_start3A_91 : memref<1x6256x8xf32, #tpu.memory_space<hbm>> -> memref<6256x8xf32, #tpu.memory_space<hbm>>
      %dma_start3A_93 = arith.constant 0 : i32
      %dma_start3A_94 = tpu.memref_slice %arg7[%mul3A_2, %dma_start3A_93] : memref<100096x8xf32, #tpu.memory_space<vmem_shared>> -> memref<6256x8xf32, #tpu.memory_space<vmem_shared>>
      tpu.enqueue_dma source(%dma_start3A_94 : memref<6256x8xf32, #tpu.memory_space<vmem_shared>>) target(%dma_start3A_92 : memref<6256x8xf32, #tpu.memory_space<hbm>>) target_semaphore(%run_scoped3A : memref<!tpu.dma_semaphore, #tpu.memory_space<semaphore_mem>>)
      %dma_wait3A = arith.constant 0 : i32
      %dma_wait3A_95 = tpu.memref_slice %arg6[%arg0, %mul3A_2, %dma_wait3A] : memref<2x100096x8xf32, #tpu.memory_space<hbm>> -> memref<1x6256x8xf32, #tpu.memory_space<hbm>>
      %dma_wait3A_96 = tpu.memref_squeeze %dma_wait3A_95 : memref<1x6256x8xf32, #tpu.memory_space<hbm>> -> memref<6256x8xf32, #tpu.memory_space<hbm>>
      %dma_wait3A_97 = arith.constant 0 : i32
      %dma_wait3A_98 = tpu.memref_slice %arg7[%mul3A_2, %dma_wait3A_97] : memref<100096x8xf32, #tpu.memory_space<vmem_shared>> -> memref<6256x8xf32, #tpu.memory_space<vmem_shared>>
      tpu.wait_dma2 semaphore(%run_scoped3A : memref<!tpu.dma_semaphore, #tpu.memory_space<semaphore_mem>>) src(%dma_wait3A_98 : memref<6256x8xf32, #tpu.memory_space<vmem_shared>>) dst(%dma_wait3A_96 : memref<6256x8xf32, #tpu.memory_space<hbm>>)
      tpu.yield
    }) : () -> ()
    return
  }
}

module attributes {stable_mosaic.version = 14 : i64} {
  func.func @_softmax_body(%arg0: memref<6250x128xf32, #tpu.memory_space<vmem>>, %arg1: memref<6250x128xf32, #tpu.memory_space<vmem>>) attributes {dimension_semantics = [], scalar_prefetch = 0 : i64, scratch_operands = 0 : i64, tpu.core_type = #tpu.core_type<tc>} {
    %get3A = arith.constant 0 : index
    %get3A_0 = arith.constant 0 : index
    %get3A_1 = vector.load %arg0[%get3A, %get3A_0] : memref<6250x128xf32, #tpu.memory_space<vmem>>, vector<6250x128xf32>
    %iota3A = tpu.iota {dimensions = array<i32: 1>} : vector<6250x128xi32>
    %and3A = arith.constant 7 : i32
    %and3A_2 = vector.broadcast %and3A : i32 to vector<6250x128xi32>
    %and3A_3 = arith.andi %iota3A, %and3A_2 : vector<6250x128xi32>
    %lt3A = arith.constant 7 : i32
    %lt3A_4 = vector.broadcast %lt3A : i32 to vector<6250x128xi32>
    %lt3A_5 = arith.cmpi slt, %and3A_3, %lt3A_4 : vector<6250x128xi32>
    %exp3A = math.exp %get3A_1 : vector<6250x128xf32>
    %jit3A = arith.constant 0.000000e+00 : f32
    %broadcast_in_dim3A = vector.broadcast %jit3A : f32 to vector<6250x128xf32>
    %select_n3A = arith.select %lt3A_5, %exp3A, %broadcast_in_dim3A : vector<6250x128xi1>, vector<6250x128xf32>
    %iota3A_6 = tpu.iota {dimensions = array<i32: 0>} : vector<128x128xi32>
    %iota3A_7 = tpu.iota {dimensions = array<i32: 1>} : vector<128x128xi32>
    %shift_right_arithmetic3A = arith.constant 3 : i32
    %shift_right_arithmetic3A_8 = vector.broadcast %shift_right_arithmetic3A : i32 to vector<128x128xi32>
    %shift_right_arithmetic3A_9 = arith.shrsi %iota3A_6, %shift_right_arithmetic3A_8 : vector<128x128xi32>
    %shift_right_arithmetic3A_10 = arith.constant 3 : i32
    %shift_right_arithmetic3A_11 = vector.broadcast %shift_right_arithmetic3A_10 : i32 to vector<128x128xi32>
    %shift_right_arithmetic3A_12 = arith.shrsi %iota3A_7, %shift_right_arithmetic3A_11 : vector<128x128xi32>
    %eq3A = arith.cmpi eq, %shift_right_arithmetic3A_9, %shift_right_arithmetic3A_12 : vector<128x128xi32>
    %jit3A_13 = arith.constant 1.000000e+00 : f32
    %jit3A_14 = arith.constant 0.000000e+00 : f32
    %broadcast_in_dim3A_15 = vector.broadcast %jit3A_13 : f32 to vector<128x128xf32>
    %broadcast_in_dim3A_16 = vector.broadcast %jit3A_14 : f32 to vector<128x128xf32>
    %select_n3A_17 = arith.select %eq3A, %broadcast_in_dim3A_15, %broadcast_in_dim3A_16 : vector<128x128xi1>, vector<128x128xf32>
    %dot_general3A = arith.constant dense<0.000000e+00> : vector<6250x128xf32>
    %dot_general3A_18 = tpu.matmul %select_n3A, %select_n3A_17, %dot_general3A {dimension_numbers = #tpu.dot_dimension_numbers<[1], [0], [0], [1], [0, 0, 1, 1], [], []>, transpose_lhs_hint = false} : vector<6250x128xf32>, vector<128x128xf32>, vector<6250x128xf32> -> vector<6250x128xf32>
    %div3A = arith.divf %select_n3A, %dot_general3A_18 : vector<6250x128xf32>
    %swap3A = arith.constant 0 : index
    %swap3A_19 = arith.constant 0 : index
    %swap3A_20 = vector.load %arg1[%swap3A, %swap3A_19] : memref<6250x128xf32, #tpu.memory_space<vmem>>, vector<6250x128xf32>
    tpu.vector_store %arg1[%swap3A, %swap3A_19], %div3A {strides = array<i32>} : memref<6250x128xf32, #tpu.memory_space<vmem>>, vector<6250x128xf32>,
    return
  }
}

module attributes {stable_mosaic.version = 14 : i64} {
  func.func @_dense_body(%arg0: memref<6250x128xf32, #tpu.memory_space<vmem>>, %arg1: memref<2x6256x128xf32, #tpu.memory_space<vmem>>, %arg2: memref<8x8xf32, #tpu.memory_space<vmem>>, %arg3: memref<6250x128xf32, #tpu.memory_space<vmem>>) attributes {dimension_semantics = [], scalar_prefetch = 0 : i64, scratch_operands = 0 : i64, tpu.core_type = #tpu.core_type<tc>} {
    %get3A = arith.constant 0 : index
    %get3A_0 = arith.constant 0 : index
    %get3A_1 = arith.constant 0 : index
    %get3A_2 = vector.load %arg1[%get3A, %get3A_0, %get3A_1] : memref<2x6256x128xf32, #tpu.memory_space<vmem>>, vector<1x6250x128xf32>
    %get3A_3 = vector.shape_cast %get3A_2 : vector<1x6250x128xf32> to vector<6250x128xf32>
    %get3A_4 = arith.constant 1 : index
    %get3A_5 = arith.constant 0 : index
    %get3A_6 = arith.constant 0 : index
    %get3A_7 = vector.load %arg1[%get3A_4, %get3A_5, %get3A_6] : memref<2x6256x128xf32, #tpu.memory_space<vmem>>, vector<1x6250x128xf32>
    %get3A_8 = vector.shape_cast %get3A_7 : vector<1x6250x128xf32> to vector<6250x128xf32>
    %add3A = arith.addf %get3A_3, %get3A_8 : vector<6250x128xf32>
    %get3A_9 = arith.constant 0 : index
    %get3A_10 = arith.constant 0 : index
    %get3A_11 = vector.load %arg0[%get3A_9, %get3A_10] : memref<6250x128xf32, #tpu.memory_space<vmem>>, vector<6250x128xf32>
    %get3A_12 = arith.constant 0 : index
    %get3A_13 = arith.constant 0 : index
    %get3A_14 = vector.load %arg2[%get3A_12, %get3A_13] : memref<8x8xf32, #tpu.memory_space<vmem>>, vector<8x8xf32>
    %iota3A = tpu.iota {dimensions = array<i32: 0>} : vector<8x8xi32>
    %iota3A_15 = tpu.iota {dimensions = array<i32: 1>} : vector<8x8xi32>
    %eq3A = arith.cmpi eq, %iota3A, %iota3A_15 : vector<8x8xi32>
    %jit3A = arith.constant 1.000000e+00 : f32
    %jit3A_16 = arith.constant -1.000000e+00 : f32
    %broadcast_in_dim3A = vector.broadcast %jit3A : f32 to vector<8x8xf32>
    %broadcast_in_dim3A_17 = vector.broadcast %jit3A_16 : f32 to vector<8x8xf32>
    %select_n3A = arith.select %eq3A, %broadcast_in_dim3A, %broadcast_in_dim3A_17 : vector<8x8xi1>, vector<8x8xf32>
    %mul3A = arith.mulf %get3A_14, %select_n3A : vector<8x8xf32>
    %tile3A = tpu.concatenate %mul3A, %mul3A, %mul3A, %mul3A, %mul3A, %mul3A, %mul3A, %mul3A, %mul3A, %mul3A, %mul3A, %mul3A, %mul3A, %mul3A, %mul3A, %mul3A in 0 : vector<8x8xf32>, vector<8x8xf32>, vector<8x8xf32>, vector<8x8xf32>, vector<8x8xf32>, vector<8x8xf32>, vector<8x8xf32>, vector<8x8xf32>, vector<8x8xf32>, vector<8x8xf32>, vector<8x8xf32>, vector<8x8xf32>, vector<8x8xf32>, vector<8x8xf32>, vector<8x8xf32>, vector<8x8xf32> -> vector<128x8xf32>
    %tile3A_18 = tpu.concatenate %tile3A, %tile3A, %tile3A, %tile3A, %tile3A, %tile3A, %tile3A, %tile3A, %tile3A, %tile3A, %tile3A, %tile3A, %tile3A, %tile3A, %tile3A, %tile3A in 1 : vector<128x8xf32>, vector<128x8xf32>, vector<128x8xf32>, vector<128x8xf32>, vector<128x8xf32>, vector<128x8xf32>, vector<128x8xf32>, vector<128x8xf32>, vector<128x8xf32>, vector<128x8xf32>, vector<128x8xf32>, vector<128x8xf32>, vector<128x8xf32>, vector<128x8xf32>, vector<128x8xf32>, vector<128x8xf32> -> vector<128x128xf32>
    %iota3A_19 = tpu.iota {dimensions = array<i32: 0>} : vector<128x128xi32>
    %iota3A_20 = tpu.iota {dimensions = array<i32: 1>} : vector<128x128xi32>
    %shift_right_arithmetic3A = arith.constant 3 : i32
    %shift_right_arithmetic3A_21 = vector.broadcast %shift_right_arithmetic3A : i32 to vector<128x128xi32>
    %shift_right_arithmetic3A_22 = arith.shrsi %iota3A_19, %shift_right_arithmetic3A_21 : vector<128x128xi32>
    %shift_right_arithmetic3A_23 = arith.constant 3 : i32
    %shift_right_arithmetic3A_24 = vector.broadcast %shift_right_arithmetic3A_23 : i32 to vector<128x128xi32>
    %shift_right_arithmetic3A_25 = arith.shrsi %iota3A_20, %shift_right_arithmetic3A_24 : vector<128x128xi32>
    %eq3A_26 = arith.cmpi eq, %shift_right_arithmetic3A_22, %shift_right_arithmetic3A_25 : vector<128x128xi32>
    %jit3A_27 = arith.constant 0.000000e+00 : f32
    %broadcast_in_dim3A_28 = vector.broadcast %jit3A_27 : f32 to vector<128x128xf32>
    %select_n3A_29 = arith.select %eq3A_26, %tile3A_18, %broadcast_in_dim3A_28 : vector<128x128xi1>, vector<128x128xf32>
    %dot_general3A = arith.constant dense<0.000000e+00> : vector<6250x128xf32>
    %dot_general3A_30 = tpu.matmul %add3A, %select_n3A_29, %dot_general3A {dimension_numbers = #tpu.dot_dimension_numbers<[1], [0], [0], [1], [0, 0, 1, 1], [], []>, precision = #tpu.contract_precision<fp32>, transpose_lhs_hint = false} : vector<6250x128xf32>, vector<128x128xf32>, vector<6250x128xf32> -> vector<6250x128xf32>
    %sub3A = arith.subf %get3A_11, %dot_general3A_30 : vector<6250x128xf32>
    %swap3A = arith.constant 0 : index
    %swap3A_31 = arith.constant 0 : index
    %swap3A_32 = vector.load %arg3[%swap3A, %swap3A_31] : memref<6250x128xf32, #tpu.memory_space<vmem>>, vector<6250x128xf32>
    tpu.vector_store %arg3[%swap3A, %swap3A_31], %sub3A {strides = array<i32>} : memref<6250x128xf32, #tpu.memory_space<vmem>>, vector<6250x128xf32>,
    return
  }
}

module attributes {stable_mosaic.version = 14 : i64} {
  func.func @_final_body(%arg0: memref<6250x128xf32, #tpu.memory_space<vmem>>, %arg1: memref<6250x128xf32, #tpu.memory_space<vmem>>, %arg2: memref<2x6256x128xf32, #tpu.memory_space<vmem>>, %arg3: memref<8x8xf32, #tpu.memory_space<vmem>>, %arg4: memref<6250x128xf32, #tpu.memory_space<vmem>>) attributes {dimension_semantics = [], scalar_prefetch = 0 : i64, scratch_operands = 0 : i64, tpu.core_type = #tpu.core_type<tc>} {
    %get3A = arith.constant 0 : index
    %get3A_0 = arith.constant 0 : index
    %get3A_1 = arith.constant 0 : index
    %get3A_2 = vector.load %arg2[%get3A, %get3A_0, %get3A_1] : memref<2x6256x128xf32, #tpu.memory_space<vmem>>, vector<1x6250x128xf32>
    %get3A_3 = vector.shape_cast %get3A_2 : vector<1x6250x128xf32> to vector<6250x128xf32>
    %get3A_4 = arith.constant 1 : index
    %get3A_5 = arith.constant 0 : index
    %get3A_6 = arith.constant 0 : index
    %get3A_7 = vector.load %arg2[%get3A_4, %get3A_5, %get3A_6] : memref<2x6256x128xf32, #tpu.memory_space<vmem>>, vector<1x6250x128xf32>
    %get3A_8 = vector.shape_cast %get3A_7 : vector<1x6250x128xf32> to vector<6250x128xf32>
    %add3A = arith.addf %get3A_3, %get3A_8 : vector<6250x128xf32>
    %get3A_9 = arith.constant 0 : index
    %get3A_10 = arith.constant 0 : index
    %get3A_11 = vector.load %arg1[%get3A_9, %get3A_10] : memref<6250x128xf32, #tpu.memory_space<vmem>>, vector<6250x128xf32>
    %get3A_12 = arith.constant 0 : index
    %get3A_13 = arith.constant 0 : index
    %get3A_14 = vector.load %arg3[%get3A_12, %get3A_13] : memref<8x8xf32, #tpu.memory_space<vmem>>, vector<8x8xf32>
    %iota3A = tpu.iota {dimensions = array<i32: 0>} : vector<8x8xi32>
    %iota3A_15 = tpu.iota {dimensions = array<i32: 1>} : vector<8x8xi32>
    %eq3A = arith.cmpi eq, %iota3A, %iota3A_15 : vector<8x8xi32>
    %jit3A = arith.constant 1.000000e+00 : f32
    %jit3A_16 = arith.constant -1.000000e+00 : f32
    %broadcast_in_dim3A = vector.broadcast %jit3A : f32 to vector<8x8xf32>
    %broadcast_in_dim3A_17 = vector.broadcast %jit3A_16 : f32 to vector<8x8xf32>
    %select_n3A = arith.select %eq3A, %broadcast_in_dim3A, %broadcast_in_dim3A_17 : vector<8x8xi1>, vector<8x8xf32>
    %mul3A = arith.mulf %get3A_14, %select_n3A : vector<8x8xf32>
    %tile3A = tpu.concatenate %mul3A, %mul3A, %mul3A, %mul3A, %mul3A, %mul3A, %mul3A, %mul3A, %mul3A, %mul3A, %mul3A, %mul3A, %mul3A, %mul3A, %mul3A, %mul3A in 0 : vector<8x8xf32>, vector<8x8xf32>, vector<8x8xf32>, vector<8x8xf32>, vector<8x8xf32>, vector<8x8xf32>, vector<8x8xf32>, vector<8x8xf32>, vector<8x8xf32>, vector<8x8xf32>, vector<8x8xf32>, vector<8x8xf32>, vector<8x8xf32>, vector<8x8xf32>, vector<8x8xf32>, vector<8x8xf32> -> vector<128x8xf32>
    %tile3A_18 = tpu.concatenate %tile3A, %tile3A, %tile3A, %tile3A, %tile3A, %tile3A, %tile3A, %tile3A, %tile3A, %tile3A, %tile3A, %tile3A, %tile3A, %tile3A, %tile3A, %tile3A in 1 : vector<128x8xf32>, vector<128x8xf32>, vector<128x8xf32>, vector<128x8xf32>, vector<128x8xf32>, vector<128x8xf32>, vector<128x8xf32>, vector<128x8xf32>, vector<128x8xf32>, vector<128x8xf32>, vector<128x8xf32>, vector<128x8xf32>, vector<128x8xf32>, vector<128x8xf32>, vector<128x8xf32>, vector<128x8xf32> -> vector<128x128xf32>
    %iota3A_19 = tpu.iota {dimensions = array<i32: 0>} : vector<128x128xi32>
    %iota3A_20 = tpu.iota {dimensions = array<i32: 1>} : vector<128x128xi32>
    %shift_right_arithmetic3A = arith.constant 3 : i32
    %shift_right_arithmetic3A_21 = vector.broadcast %shift_right_arithmetic3A : i32 to vector<128x128xi32>
    %shift_right_arithmetic3A_22 = arith.shrsi %iota3A_19, %shift_right_arithmetic3A_21 : vector<128x128xi32>
    %shift_right_arithmetic3A_23 = arith.constant 3 : i32
    %shift_right_arithmetic3A_24 = vector.broadcast %shift_right_arithmetic3A_23 : i32 to vector<128x128xi32>
    %shift_right_arithmetic3A_25 = arith.shrsi %iota3A_20, %shift_right_arithmetic3A_24 : vector<128x128xi32>
    %eq3A_26 = arith.cmpi eq, %shift_right_arithmetic3A_22, %shift_right_arithmetic3A_25 : vector<128x128xi32>
    %jit3A_27 = arith.constant 0.000000e+00 : f32
    %broadcast_in_dim3A_28 = vector.broadcast %jit3A_27 : f32 to vector<128x128xf32>
    %select_n3A_29 = arith.select %eq3A_26, %tile3A_18, %broadcast_in_dim3A_28 : vector<128x128xi1>, vector<128x128xf32>
    %dot_general3A = arith.constant dense<0.000000e+00> : vector<6250x128xf32>
    %dot_general3A_30 = tpu.matmul %add3A, %select_n3A_29, %dot_general3A {dimension_numbers = #tpu.dot_dimension_numbers<[1], [0], [0], [1], [0, 0, 1, 1], [], []>, precision = #tpu.contract_precision<fp32>, transpose_lhs_hint = false} : vector<6250x128xf32>, vector<128x128xf32>, vector<6250x128xf32> -> vector<6250x128xf32>
    %sub3A = arith.subf %get3A_11, %dot_general3A_30 : vector<6250x128xf32>
    %get3A_31 = arith.constant 0 : index
    %get3A_32 = arith.constant 0 : index
    %get3A_33 = vector.load %arg0[%get3A_31, %get3A_32] : memref<6250x128xf32, #tpu.memory_space<vmem>>, vector<6250x128xf32>
    %add3A_34 = arith.addf %get3A_33, %sub3A : vector<6250x128xf32>
    %iota3A_35 = tpu.iota {dimensions = array<i32: 1>} : vector<6250x128xi32>
    %and3A = arith.constant 7 : i32
    %and3A_36 = vector.broadcast %and3A : i32 to vector<6250x128xi32>
    %and3A_37 = arith.andi %iota3A_35, %and3A_36 : vector<6250x128xi32>
    %lt3A = arith.constant 7 : i32
    %lt3A_38 = vector.broadcast %lt3A : i32 to vector<6250x128xi32>
    %lt3A_39 = arith.cmpi slt, %and3A_37, %lt3A_38 : vector<6250x128xi32>
    %exp3A = math.exp %add3A_34 : vector<6250x128xf32>
    %jit3A_40 = arith.constant 0.000000e+00 : f32
    %broadcast_in_dim3A_41 = vector.broadcast %jit3A_40 : f32 to vector<6250x128xf32>
    %select_n3A_42 = arith.select %lt3A_39, %exp3A, %broadcast_in_dim3A_41 : vector<6250x128xi1>, vector<6250x128xf32>
    %iota3A_43 = tpu.iota {dimensions = array<i32: 0>} : vector<128x128xi32>
    %iota3A_44 = tpu.iota {dimensions = array<i32: 1>} : vector<128x128xi32>
    %shift_right_arithmetic3A_45 = arith.constant 3 : i32
    %shift_right_arithmetic3A_46 = vector.broadcast %shift_right_arithmetic3A_45 : i32 to vector<128x128xi32>
    %shift_right_arithmetic3A_47 = arith.shrsi %iota3A_43, %shift_right_arithmetic3A_46 : vector<128x128xi32>
    %shift_right_arithmetic3A_48 = arith.constant 3 : i32
    %shift_right_arithmetic3A_49 = vector.broadcast %shift_right_arithmetic3A_48 : i32 to vector<128x128xi32>
    %shift_right_arithmetic3A_50 = arith.shrsi %iota3A_44, %shift_right_arithmetic3A_49 : vector<128x128xi32>
    %eq3A_51 = arith.cmpi eq, %shift_right_arithmetic3A_47, %shift_right_arithmetic3A_50 : vector<128x128xi32>
    %jit3A_52 = arith.constant 1.000000e+00 : f32
    %jit3A_53 = arith.constant 0.000000e+00 : f32
    %broadcast_in_dim3A_54 = vector.broadcast %jit3A_52 : f32 to vector<128x128xf32>
    %broadcast_in_dim3A_55 = vector.broadcast %jit3A_53 : f32 to vector<128x128xf32>
    %select_n3A_56 = arith.select %eq3A_51, %broadcast_in_dim3A_54, %broadcast_in_dim3A_55 : vector<128x128xi1>, vector<128x128xf32>
    %dot_general3A_57 = arith.constant dense<0.000000e+00> : vector<6250x128xf32>
    %dot_general3A_58 = tpu.matmul %select_n3A_42, %select_n3A_56, %dot_general3A_57 {dimension_numbers = #tpu.dot_dimension_numbers<[1], [0], [0], [1], [0, 0, 1, 1], [], []>, precision = #tpu.contract_precision<fp32>, transpose_lhs_hint = false} : vector<6250x128xf32>, vector<128x128xf32>, vector<6250x128xf32> -> vector<6250x128xf32>
    %div3A = arith.divf %select_n3A_42, %dot_general3A_58 : vector<6250x128xf32>
    %swap3A = arith.constant 0 : index
    %swap3A_59 = arith.constant 0 : index
    %swap3A_60 = vector.load %arg4[%swap3A, %swap3A_59] : memref<6250x128xf32, #tpu.memory_space<vmem>>, vector<6250x128xf32>
    tpu.vector_store %arg4[%swap3A, %swap3A_59], %div3A {strides = array<i32>} : memref<6250x128xf32, #tpu.memory_space<vmem>>, vector<6250x128xf32>,
    return
  }
}

</mosaic_0001>

<sc_bundles>
// kernel: kernel.10.cloned.1.call-start
scs
__scs_entry_jumppad:
0x0: {  	(pc) =	sbr.rel $0x88, $3  }
0x1: {  	(tag) =	ssettag $0x0;
	lr =	simm.s32 $0x1  }
0x2: {  	[smem:$0x3F9D] =	sst lr;
	_ =	strace $0xD0000000  }
0x3: {  	_ = 	snop  }
0x4: {  	_ = 	snop  }
0x5: {  	_ = 	snop  }
0x6: {  	_ = 	snop  }
0x7: {  	_ = 	snop  }
__scs_overlays_trampoline_lowered:
0x8: {  	[smem:$0x3FAC] =	sst s0  }
0x9: {  	[smem:$0x3FAD] =	sst s1  }
0xa: {  	[smem:$0x3FAE] =	sst s2  }
0xb: {  	[smem:$0x3FAF] =	sst s3  }
0xc: {  	[smem:$0x3FB0] =	sst s4  }
0xd: {  	[smem:$0x3FB1] =	sst s5  }
0xe: {  	[smem:$0x3FB2] =	sst s6  }
0xf: {  	[smem:$0x3FB3] =	sst s7  }
0x10: {  	[smem:$0x3FB4] =	sst s8  }
0x11: {  	[smem:$0x3FB5] =	sst s9;
	s0 =	simm.s32 @!p0 $0x0  }
0x12: {  	s1 =	sld [smem:$0x3F9B];
	s0 =	simm.s32 @p0 $0x1  }
0x13: {  	[smem:$0x3FB6] =	sst s0;
	s0 =	simm.s32 @!p1 $0x0  }
0x14: {  	s2 =	sld [smem:$0x3F9A];
	s0 =	simm.s32 @p1 $0x1  }
0x15: {  	[smem:$0x3FB7] =	sst s0;
	s0 =	simm.s32 @!p2 $0x0  }
0x16: {  	s3 =	sld [smem:$0x3FDB];
	s0 =	simm.s32 @p2 $0x1  }
0x17: {  	s4 =	simm.s32 $0x1BF5;
	[smem:$0x3FB9] =	sst s0  }
0x18: {  	s0 =	sld [smem:$0x3F9C];
	_ =	swait.ge [sflag:s4], $0x0  }
0x19: {  	s7 =	sld [smem:$0x3F9D]  }
0x1a: {  	s8 =	sadd.s32 $0xFFFFE003, lr  }
0x1b: {  	s9 =	sadd.s32 $0xFFFFFEF7, lr;
	s5 =	simm.s32 $0xFFFFFFFF;
	p2 =	slt.u32 s8, $0xFFFFF086  }
0x1c: {  	p1 =	slt.u32 s9, $0xF7A;
	s5 =	simm.s32 @!p2 $0x0  }
0x1d: {  	s5 =	simm.s32 @p1 $0x1;
	p0 =	seq.s32 s7, s2  }
0x1e: {  	s7 =	smul.u32 @!p0 $0xF7A, s2;
	p2 =	seq.s32 @!p0 s5, $0x0  }
0x1f: {  	s9 =	smul.u32 $0xF7A, s1;
	s8 =	simm.s32 @!p0 $0x1BF5;
	p2 =	por !p2, p0  }
0x20: {  	[sflag:s8] =	ssyncset.s32 @!p0 $0xFFFFF086;
	s6 =	sadd.s32 @!p0 s3, s7;
	s7 =	simm.s32 @!p0 $0x108  }
0x21: {  	s3 =	sadd.s32 s3, s9;
	s6 =	sadd.s32 @!p0 $0x88, s6;
	s7 =	simm.s32 @p2 $0x1082  }
0x22: {  	[simem:s7], [sflag:s8] =	dma.local @!p0 [hbm:s6], $0xF7A  }
0x23: {  	s9 =	sor.u32 $0xD0000000, s2;
	s6 =	simm.s32 $0x108;
	_ =	swait.ge @!p0 [sflag:s8], $0x0  }
0x24: {  	s3 =	sadd.s32 $0x88, s3;
	s6 =	simm.s32 @!p1 $0x1082;
	[sflag:s4] =	ssyncset.s32 $0xFFFFF086  }
0x25: {  	[simem:s6], [sflag:s4] =	dma.local [hbm:s3], $0xF7A  }
0x26: {  	[smem:$0x3F9D] =	sst s1;
	(tag) =	ssettag s2;
	_ =	strace s9  }
0x27: {  	s1 =	sld [smem:$0x3FAD]  }
0x28: {  	s2 =	sld [smem:$0x3FAE]  }
0x29: {  	s4 =	sld [smem:$0x3FB0]  }
0x2a: {  	p0 =	seq.s32 s5, $0x0;
	s5 =	sld [smem:$0x3FB1]  }
0x2b: {  	s6 =	sld [smem:$0x3FB2]  }
0x2c: {  	s7 =	sld [smem:$0x3FB3]  }
0x2d: {  	s3 =	simm.s32 $0x108;
	s8 =	sld [smem:$0x3FB4]  }
0x2e: {  	s3 =	simm.s32 @!p0 $0x1082;
	s9 =	sld [smem:$0x3FB5]  }
0x2f: {  	lr =	sadd.s32 s0, s3;
	s0 =	sld [smem:$0x3FAC]  }
0x30: {  	s3 =	sld [smem:$0x3FAF]  }
0x31: {  	[smem:$0x3FB8] =	sst s10  }
0x32: {  	s10 =	sld [smem:$0x3FB6];
	_ =	sdelay $0x3  }
0x33: {  	p0 =	seq.s32 s10, $0x1;
	s10 =	sld [smem:$0x3FB8];
	_ =	sdelay $0x3  }
0x34: {  	[smem:$0x3FB8] =	sst s10  }
0x35: {  	s10 =	sld [smem:$0x3FB7];
	_ =	sdelay $0x3  }
0x36: {  	p1 =	seq.s32 s10, $0x1;
	s10 =	sld [smem:$0x3FB8];
	_ =	sdelay $0x3  }
0x37: {  	[smem:$0x3FB8] =	sst s10  }
0x38: {  	s10 =	sld [smem:$0x3FB9]  }
0x39: {  	_ = 	snop;
	(pc) =	sbr.ind lr, $3  }
0x3a: {  	_ = 	snop  }
0x3b: {  	_ = 	snop  }
0x3c: {  	p2 =	seq.s32 s10, $0x1;
	s10 =	sld [smem:$0x3FB8]  }
0x3d: {  	_ =	shalt  }
0x3e: {  	_ =	shalt  }
0x3f: {  	_ =	shalt  }
0x40: {  	_ =	shalt  }
0x41: {  	_ =	shalt  }
0x42: {  	_ =	shalt  }
0x43: {  	_ =	shalt  }
0x44: {  	_ =	shalt  }
0x45: {  	_ =	shalt  }
0x46: {  	_ =	shalt  }
0x47: {  	_ =	shalt  }
0x48: {  	_ =	shalt  }
0x49: {  	_ =	shalt  }
0x4a: {  	_ =	shalt  }
0x4b: {  	_ =	shalt  }
0x4c: {  	_ =	shalt  }
0x4d: {  	_ =	shalt  }
0x4e: {  	_ =	shalt  }
0x4f: {  	_ =	shalt  }
0x50: {  	_ =	shalt  }
0x51: {  	_ =	shalt  }
0x52: {  	_ =	shalt  }
0x53: {  	_ =	shalt  }
0x54: {  	_ =	shalt  }
0x55: {  	_ =	shalt  }
0x56: {  	_ =	shalt  }
0x57: {  	_ =	shalt  }
0x58: {  	_ =	shalt  }
0x59: {  	_ =	shalt  }
0x5a: {  	_ =	shalt  }
0x5b: {  	_ =	shalt  }
0x5c: {  	_ =	shalt  }
0x5d: {  	_ =	shalt  }
0x5e: {  	_ =	shalt  }
0x5f: {  	_ =	shalt  }
0x60: {  	_ =	shalt  }
0x61: {  	_ =	shalt  }
0x62: {  	_ =	shalt  }
0x63: {  	_ =	shalt  }
0x64: {  	_ =	shalt  }
0x65: {  	_ =	shalt  }
0x66: {  	_ =	shalt  }
0x67: {  	_ =	shalt  }
0x68: {  	_ =	shalt  }
0x69: {  	_ =	shalt  }
0x6a: {  	_ =	shalt  }
0x6b: {  	_ =	shalt  }
0x6c: {  	_ =	shalt  }
0x6d: {  	_ =	shalt  }
0x6e: {  	_ =	shalt  }
0x6f: {  	_ =	shalt  }
0x70: {  	_ =	shalt  }
0x71: {  	_ =	shalt  }
0x72: {  	_ =	shalt  }
0x73: {  	_ =	shalt  }
0x74: {  	_ =	shalt  }
0x75: {  	_ =	shalt  }
0x76: {  	_ =	shalt  }
0x77: {  	_ =	shalt  }
0x78: {  	_ =	shalt  }
0x79: {  	_ =	shalt  }
0x7a: {  	_ =	shalt  }
0x7b: {  	_ =	shalt  }
0x7c: {  	_ =	shalt  }
0x7d: {  	_ =	shalt  }
0x7e: {  	_ =	shalt  }
0x7f: {  	_ =	shalt  }
0x80: {  	_ =	shalt  }
0x81: {  	_ =	shalt  }
0x82: {  	_ =	shalt  }
0x83: {  	_ =	shalt  }
0x84: {  	_ =	shalt  }
0x85: {  	_ =	shalt  }
0x86: {  	_ =	shalt  }
0x87: {  	_ =	shalt  }
.Lfunc_end0:
.L_simem_size_0:
called_computation.2_lowered:
.L_overlay_start_0:
0x88: {  	s2 =	sld [smem:$0x3FD9]  }
0x89: {  	s3 =	sld [smem:$0x3FFE];
	_ =	sdelay $0x1  }
0x8a: {  	s1 =	srdreg.scid  }
0x8b: {  	s0 =	sand.u32 $0x1, s1  }
0x8c: {  	s17 =	sshll.u32 s0, $0xA;
	s2 =	sadd.s32 s3, s2  }
0x8d: {  	s2 =	sadd.s32 s2, s17  }
0x8e: {  	[smem:$0x3FC4] =	sst s2  }
0x8f: {  	_ = 	snop  }
0x90: {  	s2 =	sld [smem:$0x3FC8]  }
0x91: {  	s18 =	sld [smem:$0x3FD0];
	(tm) =	ssettm $0x1  }
0x92: {  	s4 =	sld [smem:$0x3FFB];
	_ =	sdelay $0x3  }
0x93: {  	_ =	strace s4  }
0x94: {  	s4 =	sld [smem:$0x3FFC];
	_ =	sdelay $0x3  }
0x95: {  	_ =	strace s4  }
0x96: {  	s4 =	sld [smem:$0x3FFD];
	_ =	sdelay $0x3  }
0x97: {  	_ =	strace s4  }
0x98: {  	_ =	strace $0x8FFFFFFF  }
0x99: {  	s19 =	sld [smem:$0x3FDB];
	_ =	sdelay $0x1  }
0x9a: {  	s5 =	simm.s32 $_scs_section_size  }
0x9b: {  	s6 =	simm.s32 $_size__tile_overlayer_lowered;
	s7 =	simm.s32 $_tile_overlayer_lowered  }
0x9c: {  	s22 =	simm.s32 $0x1BFF;
	s21 =	sshll.u32 s7, $0x1;
	s4 =	sadd.s32 s5, s19  }
0x9d: {  	s8 =	simm.s32 $0x0;
	s20 =	sshll.u32 s6, $0x1;
	s6 =	sadd.s32 s21, s4  }
0x9e: {  	[timem:s8], [sflag:s22] =	dma.local [hbm:s6], s20  }
0x9f: {  	_ =	swait.ge [sflag:s22], s20  }
0xa0: {  	s5 =	ssub.s32 $0x0, s20;
	[sflag:s22] =	ssyncset.done $0x0  }
0xa1: {  	[sflag:s22] =	ssyncadd.s32 s5;
	_ =	sdelay $0x1  }
0xa2: {  	s23 =	simm.s32 $0x1B8B  }
0xa3: {  	_ =	swait.ge [sflag:s23], $0x1  }
0xa4: {  	[sflag:s23] =	ssyncset.done $0x0  }
0xa5: {  	s25 =	simm.s32 $0x1B8E;
	s24 =	sld [smem:$0x3FFE];
	[sflag:s23] =	ssyncadd.s32 $0xFFFFFFFF  }
0xa6: {  	s26 =	simm.s32 $execute0_lowered;
	[smem:$0x3FD2] =	sst s25  }
0xa7: {  	s6 =	sshll.u32 s26, $0x1;
	_ =	strace $0x8000004C;
	[dreg:$0x1] =	wrdreg $0xFFFFFFFF  }
0xa8: {  	s28 =	simm.s32 $_size_execute0_lowered;
	s4 =	sadd.s32 s4, s6;
	[dreg:$0x0] =	wrdreg $0x0  }
0xa9: {  	s6 =	sshll.u32 s28, $0x1;
	[dreg:$0x2] =	wrdreg s4  }
0xaa: {  	[dreg:$0x3] =	wrdreg s6  }
0xab: {  	[dreg:$0x4] =	wrdreg $0xC0  }
0xac: {  	_ =	task [dreg:s8], $0x5FFFF  }
0xad: {  	[dreg:$0x1] =	wrdreg $0xFFFFFFFF  }
0xae: {  	[dreg:$0x0] =	wrdreg $0x60  }
0xaf: {  	[dreg:$0x2] =	wrdreg s18  }
0xb0: {  	[dreg:$0x3] =	wrdreg s24  }
0xb1: {  	[dreg:$0x4] =	wrdreg s2  }
0xb2: {  	[dreg:$0x5] =	wrdreg $0x0  }
0xb3: {  	[dreg:$0x6] =	wrdreg $0x9  }
0xb4: {  	_ =	task.clear_ibuf [dreg:s8], $0x7FFFF;
	_ =	strace $0x9000004C  }
0xb5: {  	s29 =	simm.s32 $0x9;
	_ =	strace $0x8000004E  }
0xb6: {  	_ =	swait.ge [sflag:s29], $0x1  }
0xb7: {  	[sflag:s29] =	ssyncadd.s32 $0xFFFFFFFF  }
0xb8: {  	_ =	strace $0x9000004E  }
0xb9: {  	_ =	sfence  }
0xba: {  	s30 =	sld [smem:$0x0];
	_ =	sdelay $0x2  }
0xbb: {  	s31 =	sshll.u32 s1, $0xD;
	s1 =	sshrl.u32 s1, $0x2  }
0xbc: {  	s3 =	sand.u32 $0x4000, s31;
	s1 =	sadd.s32 s1, s30  }
0xbd: {  	s0 =	sor.u32 s3, s0;
	s1 =	sshll.u32 s1, $0x11  }
0xbe: {  	s0 =	sor.u32 s1, s0  }
0xbf: {  	s0 =	sadd.s32 $0x8F2B, s0  }
0xc0: {  	[sflag:s0] =	ssyncadd.remote.s32 $0x1  }
0xc1: {  	_ =	sfence.sel $0xFFFF  }
0xc2: {  	[dreg:$0x0] =	wrdreg $0xFFFFFFFF;
	(pc) =	sbr.abs _section_cstart, $3  }
0xc3: {  	[dreg:$0x1] =	wrdreg $0xFFFFFFFF  }
0xc4: {  	_ =	task.clear_ibuf [dreg:s8], $0x2FFFF;
	_ =	strace $0x9FFFFFFF  }
0xc5: {  	(tm) =	ssettm $0x7FFFFFFF  }
tec
execute0_lowered:
.L_overlay_start_1:
0x0: {  	(tag) =	ssettag $0x1  }
0x1: {  	s1 =	rddreg [dreg:$0x0]  }
0x2: {  	s0 =	rddreg [dreg:$0x1]  }
0x3: {  	s3 =	rddreg [dreg:$0x2];
	s2 =	srdreg.scid  }
0x4: {  	s5 =	stileid.u32;
	s4 =	rddreg [dreg:$0x3];
	s6 =	simm.s32 $0x0  }
0x5: {  	s17 =	simm.s32 $0x5;
	s18 =	simm.s32 $0x5;
	s28 =	simm.s32 $0x3  }
0x6: {  	s29 =	simm.s32 $0x17380;
	s30 =	simm.s32 $0x4;
	s31 =	simm.s32 $0x13380  }
0x7: {  	s2 =	sand.u32 $0x1, s2;
	s7 =	smul.u32 $0xC380, s5;
	[smem:$0x7FF] =	sst s6  }
0x8: {  	s6 =	sadd.s32 $0x1C00, s0;
	s9 =	sadd.s32 $0x188600, s0;
	s10 =	sshll.u32 s5, $0x1  }
0x9: {  	s22 =	sshll.u32 s5, $0x6;
	s8 =	smul.u32 $0xC3800, s2;
	_ =	strace $0x8000004D  }
0xa: {  	[dreg:$0x5] =	wrdreg s9;
	s20 =	ssub.s32 $0x2, s2;
	s2 =	sor.u32 s2, s10  }
0xb: {  	s10 =	simm.s32 $0x62;
	s21 =	sshrl.u32 s20, $0x1;
	s9 =	sshll.u32 s2, $0xB  }
0xc: {  	p0 =	slt.u32 s2, $0x15;
	s2 =	sshll.u32 s2, $0x8;
	s8 =	sadd.s32 s7, s8  }
0xd: {  	s11 =	ssub.s32 s20, s21;
	s7 =	sadd.s32 s7, s4;
	s12 =	sshrl.u32 s9, $0x3  }
0xe: {  	s10 =	simm.s32 @!p0 $0x61;
	s24 =	sadd.s32 s6, s2;
	s2 =	sadd.s32 s3, s2  }
0xf: {  	s20 =	simm.s32 $0x7;
	s8 =	sshrl.u32 s8, $0x3;
	[dreg:$0x8] =	wrdreg s24  }
0x10: {  	s12 =	sadd.s32 s6, s12;
	s25 =	sand.u32 $0x1, s10;
	[dreg:$0x9] =	wrdreg s2  }
0x11: {  	s14 =	sadd.s32 $0xFFFFFFFF, s10;
	s26 =	smax.u32 s11, $0x1;
	s24 =	simm.s32 $0x1  }
0x12: {  	s2 =	simm.s32 $0xEB80;
	s11 =	simm.s32 $0x0;
	s0 =	sadd.s32 s8, s0  }
0x13: {  	s8 =	sor.u32 $0x1C07, s22;
	s23 =	sadd.s32 $0xC3500, s12;
	p0 =	seq.s32 s25, $0x1  }
.Ltmp0:
0x14: {  	[dreg:$0xb] =	wrdreg s26;
	s12 =	sshrl.u32 s7, $0x3;
	(pc) =	sbr.rel .LBB2_1-.Ltmp0, $4  }
0x15: {  	s22 =	simm.s32 $0xD380;
	s25 =	simm.s32 $0x800;
	[dreg:$0x7] =	wrdreg s23  }
0x16: {  	s26 =	simm.s32 $0xF380;
	s7 =	simm.s32 $0xDB80;
	[dreg:$0x6] =	wrdreg s8  }
0x17: {  	v1 =	vlaneseq.u32;
	s0 =	sadd.s32 $0x18A000, s0;
	s17 =	simm.s32 @!p0 $0x6;
	[dreg:$0xc] =	wrdreg s12  }
0x18: {  	v0 =	vshrl.u32 v1, $0x3;
	v1 =	vand.u32 $0x7, v1;
	s23 =	simm.s32 $0xE380;
	[dreg:$0xa] =	wrdreg s0;
	s0 =	simm.s32 $0x1B380  }
.LBB2_11:
0x19: {  	_ =	swait.ge [sflag:s17], $0x4000  }
0x1a: {  	[sflag:s17] =	ssyncset.done $0x0  }
0x1b: {  	[sflag:s17] =	ssyncadd.s32 $0xFFFFC000  }
0x1c: {  	[bflag:$0x0] =	sbarrier.arrive $0xFFFF  }
0x1d: {  	s8 =	rddreg [dreg:$0x6]  }
0x1e: {  	s5 =	rddreg [dreg:$0xa]  }
0x1f: {  	s12 =	rddreg [dreg:$0xc]  }
0x20: {  	[hbm:s5], [sflag:s8] =	dma.local [spmem:s12], $0x1870  }
0x21: {  	_ =	swait.ge [sflag:s20], $0x1870  }
0x22: {  	s11 =	sadd.s32 $0x1, s11;
	s21 =	rddreg [dreg:$0xb]  }
0x23: {  	p0 =	sne.s32 s11, s21  }
.Ltmp1:
0x24: {  	_ = 	snop;
	(pc) =	sbr.rel @!p0 .LBB2_12-.Ltmp1, $3  }
0x25: {  	_ =	sdelay $0x1  }
0x26: {  	[sflag:s20] =	ssyncset.done $0x0  }
0x27: {  	[sflag:s20] =	ssyncadd.s32 $0xFFFFE790  }
.LBB2_1:
0x28: {  	s5 =	rddreg [dreg:$0x5]  }
0x29: {  	[spmem:s12], [sflag:s8] =	dma.local [hbm:s5], $0x1870  }
0x2a: {  	_ =	swait.ge [sflag:s20], $0x1870  }
0x2b: {  	[sflag:s20] =	ssyncset.done $0x0  }
0x2c: {  	[sflag:s20] =	ssyncadd.s32 $0xFFFFE790  }
0x2d: {  	[bflag:$0x0] =	sbarrier.arrive $0xFFFF  }
0x2e: {  	s13 =	simm.s32 $0x0;
	s16 =	simm.s32 $0xC380;
	s15 =	rddreg [dreg:$0x7]  }
0x2f: {  	[tilespmem:s16], [sflag:$0x1] =	stream.linear.gather [hbm4b:s15+s13], $0x800, $0x38;
	[tilespmem:$0x1F380] =	vst v63  }
0x30: {  	s19 =	rddreg [dreg:$0x8]  }
0x31: {  	[tilespmem:s22], [sflag:$0x1] =	stream.linear.gather [hbm4b:s19+s13], $0x800, $0x38;
	[tilespmem:$0x1F380] =	vst v63  }
0x32: {  	s21 =	rddreg [dreg:$0x9]  }
0x33: {  	[tilespmem:s23], [sflag:$0x1] =	stream.linear.gather [hbm4b:s21+s13], $0x800, $0x38;
	[tilespmem:$0x1F380] =	vst v63  }
0x34: {  	_ =	swait.ge [sflag:s24], $0x800  }
0x35: {  	[sflag:s24] =	ssyncset.done $0x0  }
0x36: {  	[sflag:s24] =	ssyncadd.s32 $0xFFFFF800  }
0x37: {  	_ =	swait.ge [sflag:s24], $0x800  }
0x38: {  	[sflag:s24] =	ssyncset.done $0x0  }
.Ltmp2:
0x39: {  	[sflag:s24] =	ssyncadd.s32 $0xFFFFF800;
	(pc) =	sbr.rel .LBB2_2-.Ltmp2, $4  }
0x3a: {  	_ =	swait.ge [sflag:s24], $0x800  }
0x3b: {  	[sflag:s24] =	ssyncset.done $0x0  }
0x3c: {  	s12 =	simm.s32 $0x0;
	[sflag:s24] =	ssyncadd.s32 $0xFFFFF800  }
0x3d: {  	[tilespmem:s26], [sflag:$0x3] =	stream.indirect.gather [hbm4b:s1+s25], $0x8, s16, s25, $0xb8;
	[tilespmem:$0x1F380] =	vst v63  }
.LBB2_10:
0x3e: {  	s12 =	sadd.s32 $0x1, s12  }
0x3f: {  	p0 =	sne.s32 s12, $0x31  }
.Ltmp3:
0x40: {  	_ = 	snop;
	(pc) =	sbr.rel @!p0 .LBB2_11-.Ltmp3, $1  }
0x41: {  	_ =	sdelay $0x3  }
.LBB2_2:
0x42: {  	s13 =	sshll.u32 s12, $0x1  }
0x43: {  	p0 =	sge.u32 s13, s10  }
.Ltmp4:
0x44: {  	_ = 	snop;
	(pc) =	sbr.rel @p0 .LBB2_6-.Ltmp4, $1  }
0x45: {  	_ =	sdelay $0x3  }
0x46: {  	s15 =	sor.u32 $0x1, s13  }
0x47: {  	p1 =	seq.s32 s12, $0x0;
	p0 =	sge.u32 s15, s10  }
0x48: {  	s21 =	simm.s32 @!p1 $0x6;
	s15 =	sshll.u32 @!p0 s15, $0x10  }
0x49: {  	_ =	swait.ge @!p1 [sflag:s21], $0x4000;
	s15 =	sor.u32 @!p0 s9, s15  }
0x4a: {  	[sflag:s21] =	ssyncset.done @!p1 $0x0;
	s15 =	sshrl.u32 @!p0 s15, $0x3  }
0x4b: {  	s19 =	simm.s32 $0xE;
	[sflag:s21] =	ssyncadd.s32 @!p1 $0xFFFFC000;
	s21 =	sadd.s32 @!p0 s6, s15  }
0x4c: {  	s5 =	simm.s32 @!p0 $0x0;
	s8 =	simm.s32 @!p0 $0xCB80;
	s16 =	sadd.s32 @!p0 $0xC3500, s21  }
0x4d: {  	[tilespmem:s8], [sflag:$0x2] =	stream.linear.gather @!p0 [hbm4b:s16+s5], $0x800, $0x38;
	[tilespmem:$0x1F380] =	vst v63  }
0x4e: {  	v2 =	vor.u32 s19, v0;
	s19 =	simm.s32 $0xC;
	s8 =	simm.s32 @!p0 $0xDB80  }
0x4f: {  	[tilespmem:s8], [sflag:$0x2] =	stream.linear.gather @!p0 [hbm4b:s21+s5], $0x800, $0x38;
	[tilespmem:$0x1F380] =	vst v63  }
0x50: {  	s16 =	simm.s32 @!p0 $0xEB80;
	s8 =	sadd.s32 @!p0 s3, s15;
	s21 =	simm.s32 $0x2  }
0x51: {  	v4 =	vor.u32 s19, v0;
	v3 =	vor.u32 s21, v0;
	[tilespmem:s16], [sflag:$0x2] =	stream.linear.gather @!p0 [hbm4b:s8+s5], $0x800, $0x38;
	[tilespmem:$0x1F380] =	vst v63  }
0x52: {  	v5 =	vshll.u32 v4, $0x3;
	_ =	swait.ge [sflag:s28], $0x4000  }
0x53: {  	s19 =	simm.s32 $0x4;
	v5 =	vor.u32 v1, v5;
	[sflag:s28] =	ssyncset.done $0x0  }
0x54: {  	v7 =	vor.u32 s19, v0;
	s15 =	simm.s32 $0xA;
	s16 =	simm.s32 $0x0;
	[sflag:s28] =	ssyncadd.s32 $0xFFFFC000  }
0x55: {  	v12 =	vor.u32 s15, v0;
	v6 =	vor.u32 s16, v0;
	v16 =	vld.idx.msk [tilespmem:v2+s23+$0x0], $0xffff  }
0x56: {  	v9 =	vshll.u32 v3, $0x3;
	v8 =	vshll.u32 v6, $0x3;
	v13 =	vld.idx.msk [tilespmem:v3+s23+$0x0], $0xffff  }
0x57: {  	s8 =	simm.s32 $0x8;
	v18 =	vor.u32 v1, v9;
	v15 =	vor.u32 v1, v8;
	v8 =	vshll.u32 v7, $0x3;
	v4 =	vld.idx.msk [tilespmem:v4+s23+$0x0], $0xffff  }
0x58: {  	v9 =	vor.u32 s8, v0;
	v19 =	vor.u32 v1, v8;
	v8 =	vld.idx.msk [tilespmem:v5+s26+$0x0], $0xffff  }
0x59: {  	v11 =	vshll.u32 v9, $0x3;
	v17 =	vld.idx.msk [tilespmem:v7+s23+$0x0], $0xffff  }
0x5a: {  	v22 =	vor.u32 v1, v11;
	v35 =	vld.idx.msk [tilespmem:v12+s23+$0x0], $0xffff  }
0x5b: {  	s21 =	simm.s32 $0x6;
	v6 =	vld.idx.msk [tilespmem:v6+s23+$0x0], $0xffff  }
0x5c: {  	s16 =	simm.s32 $0x1E;
	v3 =	vor.u32 s21, v0;
	v23 =	vld.idx.msk [tilespmem:v18+s26+$0x0], $0xffff  }
0x5d: {  	s19 =	simm.s32 $0x12;
	v28 =	vor.u32 s16, v0;
	v33 =	vld.idx.msk [tilespmem:v9+s23+$0x0], $0xffff  }
0x5e: {  	v2 =	vshll.u32 v2, $0x3;
	v7 =	vor.u32 s19, v0;
	v21 =	vld.idx.msk [tilespmem:v15+s26+$0x0], $0xffff  }
0x5f: {  	s21 =	simm.s32 $0x1C;
	v2 =	vor.u32 v1, v2;
	v27 =	vld.idx.msk [tilespmem:v22+s26+$0x0], $0xffff  }
0x60: {  	v10 =	vshll.u32 v3, $0x3;
	v30 =	vor.u32 s21, v0;
	v24 =	vld.idx.msk [tilespmem:v19+s26+$0x0], $0xffff  }
0x61: {  	s15 =	simm.s32 $0x14;
	v20 =	vor.u32 v1, v10;
	v32 =	vld.idx.msk [tilespmem:v3+s23+$0x0], $0xffff  }
0x62: {  	v36 =	vor.u32 s15, v0;
	v10 =	vshll.u32 v12, $0x3;
	v3 =	vld.idx.msk [tilespmem:v28+s23+$0x0], $0xffff  }
0x63: {  	s8 =	simm.s32 $0x10;
	v26 =	vor.u32 v1, v10;
	v14 =	vld.idx.msk [tilespmem:v7+s23+$0x0], $0xffff  }
0x64: {  	v34 =	vor.u32 s8, v0;
	v10 =	vshll.u32 v30, $0x3;
	v31 =	vld.idx.msk [tilespmem:v2+s26+$0x0], $0xffff  }
0x65: {  	s16 =	simm.s32 $0x16;
	v12 =	vshll.u32 v7, $0x3;
	v11 =	vor.u32 v1, v10;
	v30 =	vld.idx.msk [tilespmem:v30+s23+$0x0], $0xffff  }
0x66: {  	v9 =	vmul.f32 v4, v8;
	v8 =	vshll.u32 v34, $0x3;
	v4 =	vor.u32 s16, v0;
	v25 =	vld.idx.msk [tilespmem:v20+s26+$0x0], $0xffff  }
0x67: {  	v7 =	vor.u32 v1, v12;
	v8 =	vor.u32 v1, v8;
	v23 =	vmul.f32 v13, v23;
	v13 =	vld.idx.msk [tilespmem:v36+s23+$0x0], $0xffff  }
0x68: {  	s19 =	simm.s32 $0x18;
	v12 =	vshll.u32 v4, $0x3;
	[tilespmem:v5+s29+$0x0] =	vst.idx.msk $0xffff, v9;
	v5 =	vshll.u32 v36, $0x3;
	v29 =	vld.idx.msk [tilespmem:v26+s26+$0x0], $0xffff;
	v21 =	vmul.f32 v6, v21  }
0x69: {  	s21 =	simm.s32 $0x1A;
	v10 =	vor.u32 s19, v0;
	v9 =	vor.u32 v1, v5;
	v5 =	vor.u32 v1, v12;
	v12 =	vld.idx.msk [tilespmem:v34+s23+$0x0], $0xffff  }
0x6a: {  	v37 =	vld.idx.msk [tilespmem:v11+s26+$0x0], $0xffff;
	v6 =	vshll.u32 v10, $0x3;
	v24 =	vmul.f32 v17, v24;
	[tilespmem:v15+s29+$0x0] =	vst.idx.msk $0xffff, v21;
	v15 =	vor.u32 s21, v0  }
0x6b: {  	[tilespmem:v18+s29+$0x0] =	vst.idx.msk $0xffff, v23;
	v6 =	vor.u32 v1, v6;
	v21 =	vmul.f32 v32, v25;
	v23 =	vshll.u32 v15, $0x3  }
0x6c: {  	v18 =	vld.idx.msk [tilespmem:v7+s26+$0x0], $0xffff;
	[tilespmem:v19+s29+$0x0] =	vst.idx.msk $0xffff, v24;
	v24 =	vshll.u32 v28, $0x3;
	v23 =	vor.u32 v1, v23  }
0x6d: {  	v17 =	vld.idx.msk [tilespmem:v8+s26+$0x0], $0xffff;
	v25 =	vmul.f32 v33, v27;
	[tilespmem:v20+s29+$0x0] =	vst.idx.msk $0xffff, v21;
	v21 =	vor.u32 v1, v24  }
0x6e: {  	v27 =	vmul.f32 v35, v29;
	v19 =	vld.idx.msk [tilespmem:v9+s26+$0x0], $0xffff  }
0x6f: {  	v20 =	vld.idx.msk [tilespmem:v5+s26+$0x0], $0xffff;
	[tilespmem:v22+s29+$0x0] =	vst.idx.msk $0xffff, v25;
	v25 =	vmul.f32 v30, v37  }
0x70: {  	s15 =	simm.s32 $0x2E;
	s21 =	simm.s32 $0x8;
	v24 =	vmul.f32 v16, v31;
	v16 =	vmov v23;
	v22 =	vld.idx.msk [tilespmem:v6+s26+$0x0], $0xffff;
	[tilespmem:v26+s29+$0x0] =	vst.idx.msk $0xffff, v27  }
.LBB2_4:
0x71: {  	s5 =	sadd.s32 $0xFFFFFFF4, s15;
	s8 =	sadd.s32 $0xFFFFFFFE, s15;
	v26 =	vor.u32 s15, v0;
	s21 =	sadd.s32 $0x8, s21;
	v27 =	vld.idx.msk [tilespmem:v23+s26+$0x0], $0xffff;
	[tilespmem:v11+s29+$0x0] =	vst.idx.msk $0xffff, v25  }
0x72: {  	s16 =	sadd.s32 $0xFFFFFFF8, s15;
	v23 =	vor.u32 s5, v0;
	s5 =	sadd.s32 $0xFFFFFFF6, s15;
	v25 =	vor.u32 s8, v0;
	v28 =	vshll.u32 v26, $0x3;
	p1 =	slt.u32 s21, $0x3F8;
	v29 =	vld.idx.msk [tilespmem:v21+s26+$0x0], $0xffff;
	[tilespmem:v2+s29+$0x0] =	vst.idx.msk $0xffff, v24;
	v2 =	vmovc v21  }
0x73: {  	s19 =	sadd.s32 $0xFFFFFFFC, s15;
	s8 =	sadd.s32 $0xFFFFFFF2, s15;
	v24 =	vor.u32 s5, v0;
	s5 =	sadd.s32 $0xFFFFFFFA, s15;
	v11 =	vshll.u32 v25, $0x3;
	v30 =	vld.idx.msk [tilespmem:v4+s23+$0x0], $0xffff;
	v4 =	vor.u32 s16, v0  }
0x74: {  	v31 =	vor.u32 s8, v0;
	v11 =	vor.u32 v1, v11;
	v32 =	vld.idx.msk [tilespmem:v10+s23+$0x0], $0xffff;
	v10 =	vor.u32 s5, v0  }
0x75: {  	v33 =	vshll.u32 v23, $0x3;
	v21 =	vshll.u32 v31, $0x3;
	v34 =	vld.idx.msk [tilespmem:v15+s23+$0x0], $0xffff;
	v15 =	vor.u32 s19, v0  }
0x76: {  	v35 =	vshll.u32 v24, $0x3;
	v36 =	vshll.u32 v4, $0x3;
	v37 =	vshll.u32 v10, $0x3;
	v26 =	vld.idx.msk [tilespmem:v26+s23+$0x0], $0xffff  }
0x77: {  	v33 =	vor.u32 v1, v33;
	v38 =	vor.u32 v1, v21;
	v21 =	vshll.u32 v15, $0x3;
	v39 =	vld.idx.msk [tilespmem:v23+s23+$0x0], $0xffff  }
0x78: {  	v35 =	vor.u32 v1, v35;
	v36 =	vor.u32 v1, v36;
	v37 =	vor.u32 v1, v37;
	v25 =	vld.idx.msk [tilespmem:v25+s23+$0x0], $0xffff  }
0x79: {  	v17 =	vmul.f32 v12, v17;
	v23 =	vor.u32 v1, v21;
	v21 =	vor.u32 v1, v28;
	v40 =	vld.idx.msk [tilespmem:v11+s26+$0x0], $0xffff  }
0x7a: {  	v19 =	vmul.f32 v13, v19;
	v28 =	vmul.f32 v14, v18;
	v12 =	vld.idx.msk [tilespmem:v31+s23+$0x0], $0xffff  }
0x7b: {  	v20 =	vmul.f32 v30, v20;
	v22 =	vmul.f32 v32, v22;
	v13 =	vld.idx.msk [tilespmem:v24+s23+$0x0], $0xffff;
	[tilespmem:v8+s29+$0x0] =	vst.idx.msk $0xffff, v17  }
.Ltmp5:
0x7c: {  	v27 =	vmul.f32 v34, v27;
	v24 =	vmul.f32 v3, v29;
	v17 =	vld.idx.msk [tilespmem:v38+s26+$0x0], $0xffff;
	[tilespmem:v7+s29+$0x0] =	vst.idx.msk $0xffff, v28;
	(pc) =	sbr.rel @p1 .LBB2_4-.Ltmp5, $4  }
0x7d: {  	v3 =	vmovc v26;
	v8 =	vmov v38;
	v7 =	vmov v33;
	v14 =	vmov v39;
	v18 =	vld.idx.msk [tilespmem:v33+s26+$0x0], $0xffff;
	[tilespmem:v9+s29+$0x0] =	vst.idx.msk $0xffff, v19  }
0x7e: {  	v9 =	vmov v35;
	v19 =	vld.idx.msk [tilespmem:v35+s26+$0x0], $0xffff;
	[tilespmem:v5+s29+$0x0] =	vst.idx.msk $0xffff, v20;
	v5 =	vmov v36  }
0x7f: {  	v25 =	vmul.f32 v25, v40;
	v20 =	vld.idx.msk [tilespmem:v36+s26+$0x0], $0xffff;
	[tilespmem:v6+s29+$0x0] =	vst.idx.msk $0xffff, v22;
	v6 =	vmov v37  }
0x80: {  	s15 =	sadd.s32 $0x10, s15;
	v22 =	vld.idx.msk [tilespmem:v37+s26+$0x0], $0xffff;
	[tilespmem:v16+s29+$0x0] =	vst.idx.msk $0xffff, v27;
	v16 =	vmov v23  }
0x81: {  	_ =	sdelay $0x3  }
0x82: {  	v23 =	vld.idx.msk [tilespmem:v23+s26+$0x0], $0xffff  }
0x83: {  	v4 =	vld.idx.msk [tilespmem:v4+s23+$0x0], $0xffff  }
0x84: {  	v10 =	vld.idx.msk [tilespmem:v10+s23+$0x0], $0xffff  }
0x85: {  	[tilespmem:v11+s29+$0x0] =	vst.idx.msk $0xffff, v25;
	v61 =	vld.idx.msk [tilespmem:v15+s23+$0x0], $0xffff;
	v12 =	vmul.f32 v12, v17  }
0x86: {  	v62 =	vld.idx.msk [tilespmem:v21+s26+$0x0], $0xffff;
	[tilespmem:v2+s29+$0x0] =	vst.idx.msk $0xffff, v24;
	v2 =	vmul.f32 v14, v18  }
0x87: {  	v13 =	vmul.f32 v13, v19;
	[tilespmem:v8+s29+$0x0] =	vst.idx.msk $0xffff, v12  }
0x88: {  	[tilespmem:v7+s29+$0x0] =	vst.idx.msk $0xffff, v2;
	v4 =	vmul.f32 v4, v20  }
0x89: {  	[tilespmem:v9+s29+$0x0] =	vst.idx.msk $0xffff, v13;
	v2 =	vmul.f32 v10, v22  }
0x8a: {  	v63 =	vmul.f32 v61, v23;
	[tilespmem:v5+s29+$0x0] =	vst.idx.msk $0xffff, v4  }
0x8b: {  	v3 =	vmul.f32 v3, v62;
	[tilespmem:v6+s29+$0x0] =	vst.idx.msk $0xffff, v2  }
0x8c: {  	[tilespmem:v16+s29+$0x0] =	vst.idx.msk $0xffff, v63  }
0x8d: {  	s5 =	simm.s32 @!p0 $0x2;
	[tilespmem:v21+s29+$0x0] =	vst.idx.msk $0xffff, v3  }
0x8e: {  	[spmem:s4] =	stream.indirect.scatter.add.f32 [tilespmem:s29], [sflag:$0x5], $0x8, s22, s25, $0xb8;
	[tilespmem:$0x1F380] =	vst v63  }
0x8f: {  	_ =	swait.ge @!p0 [sflag:s5], $0x800  }
0x90: {  	[sflag:s5] =	ssyncset.done @!p0 $0x0  }
0x91: {  	[sflag:s5] =	ssyncadd.s32 @!p0 $0xFFFFF800  }
0x92: {  	_ =	swait.ge @!p0 [sflag:s5], $0x800  }
0x93: {  	[sflag:s5] =	ssyncset.done @!p0 $0x0  }
0x94: {  	[sflag:s5] =	ssyncadd.s32 @!p0 $0xFFFFF800  }
0x95: {  	_ =	swait.ge @!p0 [sflag:s5], $0x800  }
0x96: {  	s8 =	simm.s32 @!p0 $0xCB80;
	[sflag:s5] =	ssyncset.done @!p0 $0x0  }
0x97: {  	s15 =	simm.s32 @!p0 $0x13380;
	[sflag:s5] =	ssyncadd.s32 @!p0 $0xFFFFF800;
	s5 =	simm.s32 @!p0 $0x800  }
0x98: {  	[tilespmem:s15], [sflag:$0x4] =	stream.indirect.gather @!p0 [hbm4b:s1+s5], $0x8, s8, s5, $0xb8;
	[tilespmem:$0x1F380] =	vst v63  }
.LBB2_6:
0x99: {  	p0 =	sge.u32 s13, s14  }
.Ltmp6:
0x9a: {  	_ = 	snop;
	(pc) =	sbr.rel @p0 .LBB2_10-.Ltmp6, $1  }
0x9b: {  	_ =	sdelay $0x3  }
0x9c: {  	s5 =	sadd.s32 $0x2, s13  }
0x9d: {  	p0 =	sge.u32 s5, s10  }
0x9e: {  	s5 =	sshll.u32 @!p0 s5, $0x10  }
0x9f: {  	_ =	swait.ge [sflag:s18], $0x4000;
	s5 =	sor.u32 @!p0 s9, s5  }
0xa0: {  	[sflag:s18] =	ssyncset.done $0x0;
	s5 =	sshrl.u32 @!p0 s5, $0x3  }
0xa1: {  	[sflag:s18] =	ssyncadd.s32 $0xFFFFC000;
	s8 =	sadd.s32 @!p0 s6, s5  }
0xa2: {  	s15 =	simm.s32 @!p0 $0x0;
	s16 =	simm.s32 @!p0 $0xC380;
	s13 =	sadd.s32 @!p0 $0xC3500, s8  }
0xa3: {  	[tilespmem:s16], [sflag:$0x1] =	stream.linear.gather @!p0 [hbm4b:s13+s15], $0x800, $0x38;
	[tilespmem:$0x1F380] =	vst v63  }
0xa4: {  	s19 =	simm.s32 $0x2;
	s13 =	simm.s32 @!p0 $0xD380;
	s16 =	simm.s32 $0xE  }
0xa5: {  	[tilespmem:s13], [sflag:$0x1] =	stream.linear.gather @!p0 [hbm4b:s8+s15], $0x800, $0x38;
	[tilespmem:$0x1F380] =	vst v63  }
0xa6: {  	s21 =	simm.s32 $0xC;
	s5 =	sadd.s32 @!p0 s3, s5;
	v2 =	vor.u32 s16, v0;
	s13 =	simm.s32 @!p0 $0xE380  }
0xa7: {  	v3 =	vor.u32 s19, v0;
	v4 =	vor.u32 s21, v0;
	[tilespmem:s13], [sflag:$0x1] =	stream.linear.gather @!p0 [hbm4b:s5+s15], $0x800, $0x38;
	[tilespmem:$0x1F380] =	vst v63  }
0xa8: {  	v5 =	vshll.u32 v4, $0x3;
	_ =	swait.ge [sflag:s30], $0x4000  }
0xa9: {  	s19 =	simm.s32 $0x0;
	v5 =	vor.u32 v1, v5;
	[sflag:s30] =	ssyncset.done $0x0  }
0xaa: {  	s21 =	simm.s32 $0x4;
	v6 =	vor.u32 s19, v0;
	[sflag:s30] =	ssyncadd.s32 $0xFFFFC000  }
0xab: {  	v7 =	vor.u32 s21, v0;
	v8 =	vshll.u32 v6, $0x3;
	v16 =	vld.idx.msk [tilespmem:v2+s2+$0x0], $0xffff  }
0xac: {  	v9 =	vshll.u32 v3, $0x3;
	v15 =	vor.u32 v1, v8;
	v13 =	vld.idx.msk [tilespmem:v3+s2+$0x0], $0xffff  }
0xad: {  	v18 =	vor.u32 v1, v9;
	v8 =	vshll.u32 v7, $0x3;
	v4 =	vld.idx.msk [tilespmem:v4+s2+$0x0], $0xffff  }
0xae: {  	v19 =	vor.u32 v1, v8;
	s13 =	simm.s32 $0x8;
	v8 =	vld.idx.msk [tilespmem:v5+s31+$0x0], $0xffff  }
0xaf: {  	s15 =	simm.s32 $0xA;
	v9 =	vor.u32 s13, v0;
	v6 =	vld.idx.msk [tilespmem:v6+s2+$0x0], $0xffff  }
0xb0: {  	s21 =	simm.s32 $0x1C;
	v12 =	vor.u32 s15, v0;
	v17 =	vld.idx.msk [tilespmem:v7+s2+$0x0], $0xffff  }
0xb1: {  	v30 =	vor.u32 s21, v0;
	v11 =	vshll.u32 v9, $0x3;
	v21 =	vld.idx.msk [tilespmem:v15+s31+$0x0], $0xffff  }
0xb2: {  	s8 =	simm.s32 $0x6;
	v22 =	vor.u32 v1, v11;
	v23 =	vld.idx.msk [tilespmem:v18+s31+$0x0], $0xffff  }
0xb3: {  	s16 =	simm.s32 $0x1E;
	v3 =	vor.u32 s8, v0;
	v24 =	vld.idx.msk [tilespmem:v19+s31+$0x0], $0xffff  }
0xb4: {  	s19 =	simm.s32 $0x12;
	v28 =	vor.u32 s16, v0;
	v10 =	vshll.u32 v3, $0x3;
	v33 =	vld.idx.msk [tilespmem:v9+s2+$0x0], $0xffff  }
0xb5: {  	v7 =	vor.u32 s19, v0;
	v20 =	vor.u32 v1, v10;
	v10 =	vshll.u32 v12, $0x3;
	v35 =	vld.idx.msk [tilespmem:v12+s2+$0x0], $0xffff  }
0xb6: {  	s15 =	simm.s32 $0x14;
	v26 =	vor.u32 v1, v10;
	v10 =	vshll.u32 v30, $0x3;
	v30 =	vld.idx.msk [tilespmem:v30+s2+$0x0], $0xffff  }
0xb7: {  	v36 =	vor.u32 s15, v0;
	v2 =	vshll.u32 v2, $0x3;
	v27 =	vld.idx.msk [tilespmem:v22+s31+$0x0], $0xffff  }
0xb8: {  	s13 =	simm.s32 $0x10;
	v2 =	vor.u32 v1, v2;
	v32 =	vld.idx.msk [tilespmem:v3+s2+$0x0], $0xffff  }
0xb9: {  	v34 =	vor.u32 s13, v0;
	s19 =	simm.s32 $0x18;
	v12 =	vshll.u32 v7, $0x3;
	v3 =	vld.idx.msk [tilespmem:v28+s2+$0x0], $0xffff  }
0xba: {  	s16 =	simm.s32 $0x16;
	v11 =	vor.u32 v1, v10;
	v10 =	vor.u32 s19, v0;
	v9 =	vmul.f32 v4, v8;
	v14 =	vld.idx.msk [tilespmem:v7+s2+$0x0], $0xffff  }
0xbb: {  	v8 =	vshll.u32 v34, $0x3;
	v4 =	vor.u32 s16, v0;
	v21 =	vmul.f32 v6, v21;
	v25 =	vld.idx.msk [tilespmem:v20+s31+$0x0], $0xffff  }
0xbc: {  	v7 =	vor.u32 v1, v12;
	v23 =	vmul.f32 v13, v23;
	v24 =	vmul.f32 v17, v24;
	v13 =	vld.idx.msk [tilespmem:v36+s2+$0x0], $0xffff  }
0xbd: {  	v6 =	vshll.u32 v10, $0x3;
	v31 =	vld.idx.msk [tilespmem:v2+s31+$0x0], $0xffff;
	v8 =	vor.u32 v1, v8;
	[tilespmem:v5+s0+$0x0] =	vst.idx.msk $0xffff, v9;
	v5 =	vshll.u32 v36, $0x3  }
0xbe: {  	s21 =	simm.s32 $0x1A;
	v12 =	vshll.u32 v4, $0x3;
	v6 =	vor.u32 v1, v6;
	v29 =	vld.idx.msk [tilespmem:v26+s31+$0x0], $0xffff;
	v9 =	vor.u32 v1, v5  }
0xbf: {  	[tilespmem:v15+s0+$0x0] =	vst.idx.msk $0xffff, v21;
	v15 =	vor.u32 s21, v0;
	v5 =	vor.u32 v1, v12;
	v37 =	vld.idx.msk [tilespmem:v11+s31+$0x0], $0xffff  }
0xc0: {  	[tilespmem:v18+s0+$0x0] =	vst.idx.msk $0xffff, v23;
	v12 =	vld.idx.msk [tilespmem:v34+s2+$0x0], $0xffff;
	v23 =	vshll.u32 v15, $0x3;
	v21 =	vmul.f32 v32, v25  }
0xc1: {  	[tilespmem:v19+s0+$0x0] =	vst.idx.msk $0xffff, v24;
	v24 =	vshll.u32 v28, $0x3;
	v23 =	vor.u32 v1, v23;
	v18 =	vld.idx.msk [tilespmem:v7+s31+$0x0], $0xffff  }
0xc2: {  	v17 =	vld.idx.msk [tilespmem:v8+s31+$0x0], $0xffff;
	v25 =	vmul.f32 v33, v27;
	[tilespmem:v20+s0+$0x0] =	vst.idx.msk $0xffff, v21;
	v21 =	vor.u32 v1, v24  }
0xc3: {  	v27 =	vmul.f32 v35, v29;
	v19 =	vld.idx.msk [tilespmem:v9+s31+$0x0], $0xffff  }
0xc4: {  	v20 =	vld.idx.msk [tilespmem:v5+s31+$0x0], $0xffff;
	[tilespmem:v22+s0+$0x0] =	vst.idx.msk $0xffff, v25;
	v25 =	vmul.f32 v30, v37  }
0xc5: {  	s13 =	simm.s32 $0x8;
	s15 =	simm.s32 $0x2E;
	v24 =	vmul.f32 v16, v31;
	v22 =	vld.idx.msk [tilespmem:v6+s31+$0x0], $0xffff;
	v16 =	vmov v23;
	[tilespmem:v26+s0+$0x0] =	vst.idx.msk $0xffff, v27  }
.LBB2_8:
0xc6: {  	s5 =	sadd.s32 $0xFFFFFFF4, s15;
	s8 =	sadd.s32 $0xFFFFFFFE, s15;
	v26 =	vor.u32 s15, v0;
	s13 =	sadd.s32 $0x8, s13;
	v27 =	vld.idx.msk [tilespmem:v23+s31+$0x0], $0xffff;
	[tilespmem:v11+s0+$0x0] =	vst.idx.msk $0xffff, v25  }
0xc7: {  	s16 =	sadd.s32 $0xFFFFFFF8, s15;
	v23 =	vor.u32 s5, v0;
	s5 =	sadd.s32 $0xFFFFFFF6, s15;
	v25 =	vor.u32 s8, v0;
	v28 =	vshll.u32 v26, $0x3;
	p1 =	slt.u32 s13, $0x3F8;
	v29 =	vld.idx.msk [tilespmem:v21+s31+$0x0], $0xffff;
	[tilespmem:v2+s0+$0x0] =	vst.idx.msk $0xffff, v24;
	v2 =	vmovc v21  }
0xc8: {  	s19 =	sadd.s32 $0xFFFFFFFC, s15;
	s8 =	sadd.s32 $0xFFFFFFF2, s15;
	v24 =	vor.u32 s5, v0;
	s5 =	sadd.s32 $0xFFFFFFFA, s15;
	v11 =	vshll.u32 v25, $0x3;
	v30 =	vld.idx.msk [tilespmem:v4+s2+$0x0], $0xffff;
	v4 =	vor.u32 s16, v0  }
0xc9: {  	v31 =	vor.u32 s8, v0;
	v11 =	vor.u32 v1, v11;
	v32 =	vld.idx.msk [tilespmem:v10+s2+$0x0], $0xffff;
	v10 =	vor.u32 s5, v0  }
0xca: {  	v33 =	vshll.u32 v23, $0x3;
	v21 =	vshll.u32 v31, $0x3;
	v34 =	vld.idx.msk [tilespmem:v15+s2+$0x0], $0xffff;
	v15 =	vor.u32 s19, v0  }
0xcb: {  	v35 =	vshll.u32 v24, $0x3;
	v36 =	vshll.u32 v4, $0x3;
	v37 =	vshll.u32 v10, $0x3;
	v26 =	vld.idx.msk [tilespmem:v26+s2+$0x0], $0xffff  }
0xcc: {  	v33 =	vor.u32 v1, v33;
	v38 =	vor.u32 v1, v21;
	v21 =	vshll.u32 v15, $0x3;
	v39 =	vld.idx.msk [tilespmem:v23+s2+$0x0], $0xffff  }
0xcd: {  	v35 =	vor.u32 v1, v35;
	v36 =	vor.u32 v1, v36;
	v37 =	vor.u32 v1, v37;
	v25 =	vld.idx.msk [tilespmem:v25+s2+$0x0], $0xffff  }
0xce: {  	v17 =	vmul.f32 v12, v17;
	v23 =	vor.u32 v1, v21;
	v21 =	vor.u32 v1, v28;
	v40 =	vld.idx.msk [tilespmem:v11+s31+$0x0], $0xffff  }
0xcf: {  	v19 =	vmul.f32 v13, v19;
	v28 =	vmul.f32 v14, v18;
	v12 =	vld.idx.msk [tilespmem:v31+s2+$0x0], $0xffff  }
0xd0: {  	v20 =	vmul.f32 v30, v20;
	v22 =	vmul.f32 v32, v22;
	v13 =	vld.idx.msk [tilespmem:v24+s2+$0x0], $0xffff;
	[tilespmem:v8+s0+$0x0] =	vst.idx.msk $0xffff, v17  }
.Ltmp7:
0xd1: {  	v27 =	vmul.f32 v34, v27;
	v24 =	vmul.f32 v3, v29;
	v17 =	vld.idx.msk [tilespmem:v38+s31+$0x0], $0xffff;
	[tilespmem:v7+s0+$0x0] =	vst.idx.msk $0xffff, v28;
	(pc) =	sbr.rel @p1 .LBB2_8-.Ltmp7, $4  }
0xd2: {  	v3 =	vmovc v26;
	v8 =	vmov v38;
	v7 =	vmov v33;
	v14 =	vmov v39;
	v18 =	vld.idx.msk [tilespmem:v33+s31+$0x0], $0xffff;
	[tilespmem:v9+s0+$0x0] =	vst.idx.msk $0xffff, v19  }
0xd3: {  	v9 =	vmov v35;
	v19 =	vld.idx.msk [tilespmem:v35+s31+$0x0], $0xffff;
	[tilespmem:v5+s0+$0x0] =	vst.idx.msk $0xffff, v20;
	v5 =	vmov v36  }
0xd4: {  	v25 =	vmul.f32 v25, v40;
	v20 =	vld.idx.msk [tilespmem:v36+s31+$0x0], $0xffff;
	[tilespmem:v6+s0+$0x0] =	vst.idx.msk $0xffff, v22;
	v6 =	vmov v37  }
0xd5: {  	s15 =	sadd.s32 $0x10, s15;
	v22 =	vld.idx.msk [tilespmem:v37+s31+$0x0], $0xffff;
	[tilespmem:v16+s0+$0x0] =	vst.idx.msk $0xffff, v27;
	v16 =	vmov v23  }
0xd6: {  	_ =	sdelay $0x3  }
0xd7: {  	v23 =	vld.idx.msk [tilespmem:v23+s31+$0x0], $0xffff  }
0xd8: {  	v4 =	vld.idx.msk [tilespmem:v4+s2+$0x0], $0xffff  }
0xd9: {  	v10 =	vld.idx.msk [tilespmem:v10+s2+$0x0], $0xffff  }
0xda: {  	[tilespmem:v11+s0+$0x0] =	vst.idx.msk $0xffff, v25;
	v61 =	vld.idx.msk [tilespmem:v15+s2+$0x0], $0xffff;
	v12 =	vmul.f32 v12, v17  }
0xdb: {  	v62 =	vld.idx.msk [tilespmem:v21+s31+$0x0], $0xffff;
	[tilespmem:v2+s0+$0x0] =	vst.idx.msk $0xffff, v24;
	v2 =	vmul.f32 v14, v18  }
0xdc: {  	v13 =	vmul.f32 v13, v19;
	[tilespmem:v8+s0+$0x0] =	vst.idx.msk $0xffff, v12  }
0xdd: {  	[tilespmem:v7+s0+$0x0] =	vst.idx.msk $0xffff, v2;
	v4 =	vmul.f32 v4, v20  }
0xde: {  	[tilespmem:v9+s0+$0x0] =	vst.idx.msk $0xffff, v13;
	v2 =	vmul.f32 v10, v22  }
0xdf: {  	v63 =	vmul.f32 v61, v23;
	[tilespmem:v5+s0+$0x0] =	vst.idx.msk $0xffff, v4  }
0xe0: {  	v3 =	vmul.f32 v3, v62;
	[tilespmem:v6+s0+$0x0] =	vst.idx.msk $0xffff, v2  }
0xe1: {  	[tilespmem:v16+s0+$0x0] =	vst.idx.msk $0xffff, v63  }
0xe2: {  	s5 =	simm.s32 @!p0 $0x1;
	[tilespmem:v21+s0+$0x0] =	vst.idx.msk $0xffff, v3  }
0xe3: {  	[spmem:s4] =	stream.indirect.scatter.add.f32 [tilespmem:s0], [sflag:$0x6], $0x8, s7, s25, $0xb8;
	[tilespmem:$0x1F380] =	vst v63  }
0xe4: {  	_ =	swait.ge @!p0 [sflag:s5], $0x800  }
0xe5: {  	[sflag:s5] =	ssyncset.done @!p0 $0x0  }
0xe6: {  	[sflag:s5] =	ssyncadd.s32 @!p0 $0xFFFFF800  }
0xe7: {  	_ =	swait.ge @!p0 [sflag:s5], $0x800  }
0xe8: {  	[sflag:s5] =	ssyncset.done @!p0 $0x0  }
.Ltmp8:
0xe9: {  	[sflag:s5] =	ssyncadd.s32 @!p0 $0xFFFFF800;
	(pc) =	sbr.rel .LBB2_10-.Ltmp8, $4  }
0xea: {  	_ =	swait.ge @!p0 [sflag:s5], $0x800  }
0xeb: {  	s8 =	simm.s32 @!p0 $0xC380;
	[sflag:s5] =	ssyncset.done @!p0 $0x0  }
0xec: {  	s13 =	simm.s32 @!p0 $0xF380;
	[sflag:s5] =	ssyncadd.s32 @!p0 $0xFFFFF800;
	s5 =	simm.s32 @!p0 $0x800  }
0xed: {  	[tilespmem:s13], [sflag:$0x3] =	stream.indirect.gather @!p0 [hbm4b:s1+s5], $0x8, s8, s5, $0xb8;
	[tilespmem:$0x1F380] =	vst v63  }
.LBB2_12:
0xee: {  	_ =	sfence.sel $0x180000  }
0xef: {  	[bflag:$0x0] =	sbarrier.arrive $0xFFFF  }
0xf0: {  	_ =	strace $0x9000004D  }
0xf1: {  	s0 =	stileid.u32;
	[bflag:$0x2] =	sbarrier.arrive $0xFFFF  }
0xf2: {  	p0 =	sne.s32 s0, $0x0;
	s0 =	rddreg [dreg:$0x4]  }
0xf3: {  	s0 =	sadd.s32 @!p0 $0x100000, s0  }
0xf4: {  	[sflag:s0] =	ssyncadd.tile.s32 @!p0 $0x1;
	_ =	shalt  }
.Lfunc_end2:
_tile_overlayer_lowered:
.L_overlay_start_2:
0xf5: {  	(tag) =	ssettag $0x2  }
0xf6: {  	s0 =	rddreg [dreg:$0x0];
	s2 =	stileid.u32  }
0xf7: {  	s1 =	rddreg [dreg:$0x1];
	p0 =	sne.s32 s2, $0x0  }
0xf8: {  	s3 =	rddreg [dreg:$0x2];
	[bflag:$0x3] =	sbarrier.arrive $0xFFFF;
	s2 =	simm.s32 @!p0 $0x1C07  }
0xf9: {  	[timem:s3], [sflag:s2] =	dma.local @!p0 [hbm:s0], s1  }
0xfa: {  	s0 =	simm.s32 @!p0 $0x7  }
0xfb: {  	_ =	swait.ge @!p0 [sflag:s0], s1  }
0xfc: {  	s1 =	ssub.s32 @!p0 $0x0, s1;
	[sflag:s0] =	ssyncset.done @!p0 $0x0  }
0xfd: {  	[sflag:s0] =	ssyncadd.s32 @!p0 s1  }
0xfe: {  	[bflag:$0x3] =	sbarrier.arrive $0xFFFF  }
0xff: {  	_ =	shalt  }

// kernel: kernel.7.cloned.1.call-start
scs
__scs_entry_jumppad:
0x0: {  	(pc) =	sbr.rel $0x88, $3  }
0x1: {  	(tag) =	ssettag $0x0;
	lr =	simm.s32 $0x1  }
0x2: {  	[smem:$0x3F9D] =	sst lr;
	_ =	strace $0xD0000000  }
0x3: {  	_ = 	snop  }
0x4: {  	_ = 	snop  }
0x5: {  	_ = 	snop  }
0x6: {  	_ = 	snop  }
0x7: {  	_ = 	snop  }
__scs_overlays_trampoline_lowered:
0x8: {  	[smem:$0x3FAC] =	sst s0  }
0x9: {  	[smem:$0x3FAD] =	sst s1  }
0xa: {  	[smem:$0x3FAE] =	sst s2  }
0xb: {  	[smem:$0x3FAF] =	sst s3  }
0xc: {  	[smem:$0x3FB0] =	sst s4  }
0xd: {  	[smem:$0x3FB1] =	sst s5  }
0xe: {  	[smem:$0x3FB2] =	sst s6  }
0xf: {  	[smem:$0x3FB3] =	sst s7  }
0x10: {  	[smem:$0x3FB4] =	sst s8  }
0x11: {  	[smem:$0x3FB5] =	sst s9;
	s0 =	simm.s32 @!p0 $0x0  }
0x12: {  	s1 =	sld [smem:$0x3F9B];
	s0 =	simm.s32 @p0 $0x1  }
0x13: {  	[smem:$0x3FB6] =	sst s0;
	s0 =	simm.s32 @!p1 $0x0  }
0x14: {  	s2 =	sld [smem:$0x3F9A];
	s0 =	simm.s32 @p1 $0x1  }
0x15: {  	[smem:$0x3FB7] =	sst s0;
	s0 =	simm.s32 @!p2 $0x0  }
0x16: {  	s3 =	sld [smem:$0x3FDB];
	s0 =	simm.s32 @p2 $0x1  }
0x17: {  	s4 =	simm.s32 $0x1BF5;
	[smem:$0x3FB9] =	sst s0  }
0x18: {  	s0 =	sld [smem:$0x3F9C];
	_ =	swait.ge [sflag:s4], $0x0  }
0x19: {  	s7 =	sld [smem:$0x3F9D]  }
0x1a: {  	s8 =	sadd.s32 $0xFFFFE003, lr  }
0x1b: {  	s9 =	sadd.s32 $0xFFFFFEF7, lr;
	s5 =	simm.s32 $0xFFFFFFFF;
	p2 =	slt.u32 s8, $0xFFFFF086  }
0x1c: {  	p1 =	slt.u32 s9, $0xF7A;
	s5 =	simm.s32 @!p2 $0x0  }
0x1d: {  	s5 =	simm.s32 @p1 $0x1;
	p0 =	seq.s32 s7, s2  }
0x1e: {  	s7 =	smul.u32 @!p0 $0xF7A, s2;
	p2 =	seq.s32 @!p0 s5, $0x0  }
0x1f: {  	s9 =	smul.u32 $0xF7A, s1;
	s8 =	simm.s32 @!p0 $0x1BF5;
	p2 =	por !p2, p0  }
0x20: {  	[sflag:s8] =	ssyncset.s32 @!p0 $0xFFFFF086;
	s6 =	sadd.s32 @!p0 s3, s7;
	s7 =	simm.s32 @!p0 $0x108  }
0x21: {  	s3 =	sadd.s32 s3, s9;
	s6 =	sadd.s32 @!p0 $0x88, s6;
	s7 =	simm.s32 @p2 $0x1082  }
0x22: {  	[simem:s7], [sflag:s8] =	dma.local @!p0 [hbm:s6], $0xF7A  }
0x23: {  	s9 =	sor.u32 $0xD0000000, s2;
	s6 =	simm.s32 $0x108;
	_ =	swait.ge @!p0 [sflag:s8], $0x0  }
0x24: {  	s3 =	sadd.s32 $0x88, s3;
	s6 =	simm.s32 @!p1 $0x1082;
	[sflag:s4] =	ssyncset.s32 $0xFFFFF086  }
0x25: {  	[simem:s6], [sflag:s4] =	dma.local [hbm:s3], $0xF7A  }
0x26: {  	[smem:$0x3F9D] =	sst s1;
	(tag) =	ssettag s2;
	_ =	strace s9  }
0x27: {  	s1 =	sld [smem:$0x3FAD]  }
0x28: {  	s2 =	sld [smem:$0x3FAE]  }
0x29: {  	s4 =	sld [smem:$0x3FB0]  }
0x2a: {  	p0 =	seq.s32 s5, $0x0;
	s5 =	sld [smem:$0x3FB1]  }
0x2b: {  	s6 =	sld [smem:$0x3FB2]  }
0x2c: {  	s7 =	sld [smem:$0x3FB3]  }
0x2d: {  	s3 =	simm.s32 $0x108;
	s8 =	sld [smem:$0x3FB4]  }
0x2e: {  	s3 =	simm.s32 @!p0 $0x1082;
	s9 =	sld [smem:$0x3FB5]  }
0x2f: {  	lr =	sadd.s32 s0, s3;
	s0 =	sld [smem:$0x3FAC]  }
0x30: {  	s3 =	sld [smem:$0x3FAF]  }
0x31: {  	[smem:$0x3FB8] =	sst s10  }
0x32: {  	s10 =	sld [smem:$0x3FB6];
	_ =	sdelay $0x3  }
0x33: {  	p0 =	seq.s32 s10, $0x1;
	s10 =	sld [smem:$0x3FB8];
	_ =	sdelay $0x3  }
0x34: {  	[smem:$0x3FB8] =	sst s10  }
0x35: {  	s10 =	sld [smem:$0x3FB7];
	_ =	sdelay $0x3  }
0x36: {  	p1 =	seq.s32 s10, $0x1;
	s10 =	sld [smem:$0x3FB8];
	_ =	sdelay $0x3  }
0x37: {  	[smem:$0x3FB8] =	sst s10  }
0x38: {  	s10 =	sld [smem:$0x3FB9]  }
0x39: {  	_ = 	snop;
	(pc) =	sbr.ind lr, $3  }
0x3a: {  	_ = 	snop  }
0x3b: {  	_ = 	snop  }
0x3c: {  	p2 =	seq.s32 s10, $0x1;
	s10 =	sld [smem:$0x3FB8]  }
0x3d: {  	_ =	shalt  }
0x3e: {  	_ =	shalt  }
0x3f: {  	_ =	shalt  }
0x40: {  	_ =	shalt  }
0x41: {  	_ =	shalt  }
0x42: {  	_ =	shalt  }
0x43: {  	_ =	shalt  }
0x44: {  	_ =	shalt  }
0x45: {  	_ =	shalt  }
0x46: {  	_ =	shalt  }
0x47: {  	_ =	shalt  }
0x48: {  	_ =	shalt  }
0x49: {  	_ =	shalt  }
0x4a: {  	_ =	shalt  }
0x4b: {  	_ =	shalt  }
0x4c: {  	_ =	shalt  }
0x4d: {  	_ =	shalt  }
0x4e: {  	_ =	shalt  }
0x4f: {  	_ =	shalt  }
0x50: {  	_ =	shalt  }
0x51: {  	_ =	shalt  }
0x52: {  	_ =	shalt  }
0x53: {  	_ =	shalt  }
0x54: {  	_ =	shalt  }
0x55: {  	_ =	shalt  }
0x56: {  	_ =	shalt  }
0x57: {  	_ =	shalt  }
0x58: {  	_ =	shalt  }
0x59: {  	_ =	shalt  }
0x5a: {  	_ =	shalt  }
0x5b: {  	_ =	shalt  }
0x5c: {  	_ =	shalt  }
0x5d: {  	_ =	shalt  }
0x5e: {  	_ =	shalt  }
0x5f: {  	_ =	shalt  }
0x60: {  	_ =	shalt  }
0x61: {  	_ =	shalt  }
0x62: {  	_ =	shalt  }
0x63: {  	_ =	shalt  }
0x64: {  	_ =	shalt  }
0x65: {  	_ =	shalt  }
0x66: {  	_ =	shalt  }
0x67: {  	_ =	shalt  }
0x68: {  	_ =	shalt  }
0x69: {  	_ =	shalt  }
0x6a: {  	_ =	shalt  }
0x6b: {  	_ =	shalt  }
0x6c: {  	_ =	shalt  }
0x6d: {  	_ =	shalt  }
0x6e: {  	_ =	shalt  }
0x6f: {  	_ =	shalt  }
0x70: {  	_ =	shalt  }
0x71: {  	_ =	shalt  }
0x72: {  	_ =	shalt  }
0x73: {  	_ =	shalt  }
0x74: {  	_ =	shalt  }
0x75: {  	_ =	shalt  }
0x76: {  	_ =	shalt  }
0x77: {  	_ =	shalt  }
0x78: {  	_ =	shalt  }
0x79: {  	_ =	shalt  }
0x7a: {  	_ =	shalt  }
0x7b: {  	_ =	shalt  }
0x7c: {  	_ =	shalt  }
0x7d: {  	_ =	shalt  }
0x7e: {  	_ =	shalt  }
0x7f: {  	_ =	shalt  }
0x80: {  	_ =	shalt  }
0x81: {  	_ =	shalt  }
0x82: {  	_ =	shalt  }
0x83: {  	_ =	shalt  }
0x84: {  	_ =	shalt  }
0x85: {  	_ =	shalt  }
0x86: {  	_ =	shalt  }
0x87: {  	_ =	shalt  }
.Lfunc_end0:
.L_simem_size_0:
called_computation.1_lowered:
.L_overlay_start_0:
0x88: {  	s2 =	sld [smem:$0x3FD9]  }
0x89: {  	s3 =	sld [smem:$0x3FFE];
	_ =	sdelay $0x1  }
0x8a: {  	s1 =	srdreg.scid  }
0x8b: {  	s0 =	sand.u32 $0x1, s1  }
0x8c: {  	s17 =	sshll.u32 s0, $0xA;
	s2 =	sadd.s32 s3, s2  }
0x8d: {  	s2 =	sadd.s32 s2, s17  }
0x8e: {  	[smem:$0x3FC4] =	sst s2  }
0x8f: {  	_ = 	snop  }
0x90: {  	s2 =	sld [smem:$0x3FC8]  }
0x91: {  	s18 =	sld [smem:$0x3FD0];
	(tm) =	ssettm $0x1  }
0x92: {  	s4 =	sld [smem:$0x3FFB];
	_ =	sdelay $0x3  }
0x93: {  	_ =	strace s4  }
0x94: {  	s4 =	sld [smem:$0x3FFC];
	_ =	sdelay $0x3  }
0x95: {  	_ =	strace s4  }
0x96: {  	s4 =	sld [smem:$0x3FFD];
	_ =	sdelay $0x3  }
0x97: {  	_ =	strace s4  }
0x98: {  	_ =	strace $0x8FFFFFFF  }
0x99: {  	s19 =	sld [smem:$0x3FDB];
	_ =	sdelay $0x1  }
0x9a: {  	s5 =	simm.s32 $_scs_section_size  }
0x9b: {  	s6 =	simm.s32 $_size__tile_overlayer_lowered;
	s7 =	simm.s32 $_tile_overlayer_lowered  }
0x9c: {  	s22 =	simm.s32 $0x1BFF;
	s21 =	sshll.u32 s7, $0x1;
	s4 =	sadd.s32 s5, s19  }
0x9d: {  	s8 =	simm.s32 $0x0;
	s20 =	sshll.u32 s6, $0x1;
	s6 =	sadd.s32 s21, s4  }
0x9e: {  	[timem:s8], [sflag:s22] =	dma.local [hbm:s6], s20  }
0x9f: {  	_ =	swait.ge [sflag:s22], s20  }
0xa0: {  	s5 =	ssub.s32 $0x0, s20;
	[sflag:s22] =	ssyncset.done $0x0  }
0xa1: {  	[sflag:s22] =	ssyncadd.s32 s5;
	_ =	sdelay $0x1  }
0xa2: {  	s23 =	simm.s32 $0x1B8B  }
0xa3: {  	_ =	swait.ge [sflag:s23], $0x1  }
0xa4: {  	[sflag:s23] =	ssyncset.done $0x0  }
0xa5: {  	s25 =	simm.s32 $0x1B8E;
	s24 =	sld [smem:$0x3FFE];
	[sflag:s23] =	ssyncadd.s32 $0xFFFFFFFF  }
0xa6: {  	s26 =	simm.s32 $execute0_lowered;
	[smem:$0x3FD2] =	sst s25  }
0xa7: {  	s6 =	sshll.u32 s26, $0x1;
	_ =	strace $0x80000049;
	[dreg:$0x1] =	wrdreg $0xFFFFFFFF  }
0xa8: {  	s28 =	simm.s32 $_size_execute0_lowered;
	s4 =	sadd.s32 s4, s6;
	[dreg:$0x0] =	wrdreg $0x0  }
0xa9: {  	s6 =	sshll.u32 s28, $0x1;
	[dreg:$0x2] =	wrdreg s4  }
0xaa: {  	[dreg:$0x3] =	wrdreg s6  }
0xab: {  	[dreg:$0x4] =	wrdreg $0xC0  }
0xac: {  	_ =	task [dreg:s8], $0x5FFFF  }
0xad: {  	[dreg:$0x1] =	wrdreg $0xFFFFFFFF  }
0xae: {  	[dreg:$0x0] =	wrdreg $0x60  }
0xaf: {  	[dreg:$0x2] =	wrdreg s18  }
0xb0: {  	[dreg:$0x3] =	wrdreg s24  }
0xb1: {  	[dreg:$0x4] =	wrdreg s2  }
0xb2: {  	[dreg:$0x5] =	wrdreg $0x0  }
0xb3: {  	[dreg:$0x6] =	wrdreg $0x9  }
0xb4: {  	_ =	task.clear_ibuf [dreg:s8], $0x7FFFF;
	_ =	strace $0x90000049  }
0xb5: {  	s29 =	simm.s32 $0x9;
	_ =	strace $0x8000004B  }
0xb6: {  	_ =	swait.ge [sflag:s29], $0x1  }
0xb7: {  	[sflag:s29] =	ssyncadd.s32 $0xFFFFFFFF  }
0xb8: {  	_ =	strace $0x9000004B  }
0xb9: {  	_ =	sfence  }
0xba: {  	s30 =	sld [smem:$0x0];
	_ =	sdelay $0x2  }
0xbb: {  	s31 =	sshll.u32 s1, $0xD;
	s1 =	sshrl.u32 s1, $0x2  }
0xbc: {  	s3 =	sand.u32 $0x4000, s31;
	s1 =	sadd.s32 s1, s30  }
0xbd: {  	s0 =	sor.u32 s3, s0;
	s1 =	sshll.u32 s1, $0x11  }
0xbe: {  	s0 =	sor.u32 s1, s0  }
0xbf: {  	s0 =	sadd.s32 $0x8F2B, s0  }
0xc0: {  	[sflag:s0] =	ssyncadd.remote.s32 $0x1  }
0xc1: {  	_ =	sfence.sel $0xFFFF  }
0xc2: {  	[dreg:$0x0] =	wrdreg $0xFFFFFFFF;
	(pc) =	sbr.abs _section_cstart, $3  }
0xc3: {  	[dreg:$0x1] =	wrdreg $0xFFFFFFFF  }
0xc4: {  	_ =	task.clear_ibuf [dreg:s8], $0x2FFFF;
	_ =	strace $0x9FFFFFFF  }
0xc5: {  	(tm) =	ssettm $0x7FFFFFFF  }
tec
execute0_lowered:
.L_overlay_start_1:
0x0: {  	(tag) =	ssettag $0x1  }
0x1: {  	s1 =	rddreg [dreg:$0x0]  }
0x2: {  	s0 =	rddreg [dreg:$0x1]  }
0x3: {  	s3 =	rddreg [dreg:$0x2];
	s2 =	srdreg.scid  }
0x4: {  	s5 =	stileid.u32;
	s4 =	rddreg [dreg:$0x3];
	s6 =	simm.s32 $0x0  }
0x5: {  	s17 =	simm.s32 $0x5;
	s18 =	simm.s32 $0x5;
	s28 =	simm.s32 $0x3  }
0x6: {  	s29 =	simm.s32 $0x17380;
	s30 =	simm.s32 $0x4;
	s31 =	simm.s32 $0x13380  }
0x7: {  	s2 =	sand.u32 $0x1, s2;
	s7 =	smul.u32 $0xC380, s5;
	[smem:$0x7FF] =	sst s6  }
0x8: {  	s6 =	sadd.s32 $0x1C00, s0;
	s9 =	sadd.s32 $0x188600, s0;
	s10 =	sshll.u32 s5, $0x1  }
0x9: {  	s22 =	sshll.u32 s5, $0x6;
	s8 =	smul.u32 $0xC3800, s2;
	_ =	strace $0x8000004A  }
0xa: {  	[dreg:$0x5] =	wrdreg s9;
	s20 =	ssub.s32 $0x2, s2;
	s2 =	sor.u32 s2, s10  }
0xb: {  	s10 =	simm.s32 $0x62;
	s21 =	sshrl.u32 s20, $0x1;
	s9 =	sshll.u32 s2, $0xB  }
0xc: {  	p0 =	slt.u32 s2, $0x15;
	s2 =	sshll.u32 s2, $0x8;
	s8 =	sadd.s32 s7, s8  }
0xd: {  	s11 =	ssub.s32 s20, s21;
	s7 =	sadd.s32 s7, s4;
	s12 =	sshrl.u32 s9, $0x3  }
0xe: {  	s10 =	simm.s32 @!p0 $0x61;
	s24 =	sadd.s32 s6, s2;
	s2 =	sadd.s32 s3, s2  }
0xf: {  	s20 =	simm.s32 $0x7;
	s8 =	sshrl.u32 s8, $0x3;
	[dreg:$0x8] =	wrdreg s24  }
0x10: {  	s12 =	sadd.s32 s6, s12;
	s25 =	sand.u32 $0x1, s10;
	[dreg:$0x9] =	wrdreg s2  }
0x11: {  	s14 =	sadd.s32 $0xFFFFFFFF, s10;
	s26 =	smax.u32 s11, $0x1;
	s24 =	simm.s32 $0x1  }
0x12: {  	s2 =	simm.s32 $0xEB80;
	s11 =	simm.s32 $0x0;
	s0 =	sadd.s32 s8, s0  }
0x13: {  	s8 =	sor.u32 $0x1C07, s22;
	s23 =	sadd.s32 $0xC3500, s12;
	p0 =	seq.s32 s25, $0x1  }
.Ltmp0:
0x14: {  	[dreg:$0xb] =	wrdreg s26;
	s12 =	sshrl.u32 s7, $0x3;
	(pc) =	sbr.rel .LBB2_1-.Ltmp0, $4  }
0x15: {  	s22 =	simm.s32 $0xD380;
	s25 =	simm.s32 $0x800;
	[dreg:$0x7] =	wrdreg s23  }
0x16: {  	s26 =	simm.s32 $0xF380;
	s7 =	simm.s32 $0xDB80;
	[dreg:$0x6] =	wrdreg s8  }
0x17: {  	v1 =	vlaneseq.u32;
	s0 =	sadd.s32 $0x18A000, s0;
	s17 =	simm.s32 @!p0 $0x6;
	[dreg:$0xc] =	wrdreg s12  }
0x18: {  	v0 =	vshrl.u32 v1, $0x3;
	v1 =	vand.u32 $0x7, v1;
	s23 =	simm.s32 $0xE380;
	[dreg:$0xa] =	wrdreg s0;
	s0 =	simm.s32 $0x1B380  }
.LBB2_11:
0x19: {  	_ =	swait.ge [sflag:s17], $0x4000  }
0x1a: {  	[sflag:s17] =	ssyncset.done $0x0  }
0x1b: {  	[sflag:s17] =	ssyncadd.s32 $0xFFFFC000  }
0x1c: {  	[bflag:$0x0] =	sbarrier.arrive $0xFFFF  }
0x1d: {  	s8 =	rddreg [dreg:$0x6]  }
0x1e: {  	s5 =	rddreg [dreg:$0xa]  }
0x1f: {  	s12 =	rddreg [dreg:$0xc]  }
0x20: {  	[hbm:s5], [sflag:s8] =	dma.local [spmem:s12], $0x1870  }
0x21: {  	_ =	swait.ge [sflag:s20], $0x1870  }
0x22: {  	s11 =	sadd.s32 $0x1, s11;
	s21 =	rddreg [dreg:$0xb]  }
0x23: {  	p0 =	sne.s32 s11, s21  }
.Ltmp1:
0x24: {  	_ = 	snop;
	(pc) =	sbr.rel @!p0 .LBB2_12-.Ltmp1, $3  }
0x25: {  	_ =	sdelay $0x1  }
0x26: {  	[sflag:s20] =	ssyncset.done $0x0  }
0x27: {  	[sflag:s20] =	ssyncadd.s32 $0xFFFFE790  }
.LBB2_1:
0x28: {  	s5 =	rddreg [dreg:$0x5]  }
0x29: {  	[spmem:s12], [sflag:s8] =	dma.local [hbm:s5], $0x1870  }
0x2a: {  	_ =	swait.ge [sflag:s20], $0x1870  }
0x2b: {  	[sflag:s20] =	ssyncset.done $0x0  }
0x2c: {  	[sflag:s20] =	ssyncadd.s32 $0xFFFFE790  }
0x2d: {  	[bflag:$0x0] =	sbarrier.arrive $0xFFFF  }
0x2e: {  	s13 =	simm.s32 $0x0;
	s16 =	simm.s32 $0xC380;
	s15 =	rddreg [dreg:$0x7]  }
0x2f: {  	[tilespmem:s16], [sflag:$0x1] =	stream.linear.gather [hbm4b:s15+s13], $0x800, $0x38;
	[tilespmem:$0x1F380] =	vst v63  }
0x30: {  	s19 =	rddreg [dreg:$0x8]  }
0x31: {  	[tilespmem:s22], [sflag:$0x1] =	stream.linear.gather [hbm4b:s19+s13], $0x800, $0x38;
	[tilespmem:$0x1F380] =	vst v63  }
0x32: {  	s21 =	rddreg [dreg:$0x9]  }
0x33: {  	[tilespmem:s23], [sflag:$0x1] =	stream.linear.gather [hbm4b:s21+s13], $0x800, $0x38;
	[tilespmem:$0x1F380] =	vst v63  }
0x34: {  	_ =	swait.ge [sflag:s24], $0x800  }
0x35: {  	[sflag:s24] =	ssyncset.done $0x0  }
0x36: {  	[sflag:s24] =	ssyncadd.s32 $0xFFFFF800  }
0x37: {  	_ =	swait.ge [sflag:s24], $0x800  }
0x38: {  	[sflag:s24] =	ssyncset.done $0x0  }
.Ltmp2:
0x39: {  	[sflag:s24] =	ssyncadd.s32 $0xFFFFF800;
	(pc) =	sbr.rel .LBB2_2-.Ltmp2, $4  }
0x3a: {  	_ =	swait.ge [sflag:s24], $0x800  }
0x3b: {  	[sflag:s24] =	ssyncset.done $0x0  }
0x3c: {  	s12 =	simm.s32 $0x0;
	[sflag:s24] =	ssyncadd.s32 $0xFFFFF800  }
0x3d: {  	[tilespmem:s26], [sflag:$0x3] =	stream.indirect.gather [hbm4b:s1+s25], $0x8, s16, s25, $0xb8;
	[tilespmem:$0x1F380] =	vst v63  }
.LBB2_10:
0x3e: {  	s12 =	sadd.s32 $0x1, s12  }
0x3f: {  	p0 =	sne.s32 s12, $0x31  }
.Ltmp3:
0x40: {  	_ = 	snop;
	(pc) =	sbr.rel @!p0 .LBB2_11-.Ltmp3, $1  }
0x41: {  	_ =	sdelay $0x3  }
.LBB2_2:
0x42: {  	s13 =	sshll.u32 s12, $0x1  }
0x43: {  	p0 =	sge.u32 s13, s10  }
.Ltmp4:
0x44: {  	_ = 	snop;
	(pc) =	sbr.rel @p0 .LBB2_6-.Ltmp4, $1  }
0x45: {  	_ =	sdelay $0x3  }
0x46: {  	s15 =	sor.u32 $0x1, s13  }
0x47: {  	p1 =	seq.s32 s12, $0x0;
	p0 =	sge.u32 s15, s10  }
0x48: {  	s21 =	simm.s32 @!p1 $0x6;
	s15 =	sshll.u32 @!p0 s15, $0x10  }
0x49: {  	_ =	swait.ge @!p1 [sflag:s21], $0x4000;
	s15 =	sor.u32 @!p0 s9, s15  }
0x4a: {  	[sflag:s21] =	ssyncset.done @!p1 $0x0;
	s15 =	sshrl.u32 @!p0 s15, $0x3  }
0x4b: {  	s19 =	simm.s32 $0xE;
	[sflag:s21] =	ssyncadd.s32 @!p1 $0xFFFFC000;
	s21 =	sadd.s32 @!p0 s6, s15  }
0x4c: {  	s5 =	simm.s32 @!p0 $0x0;
	s8 =	simm.s32 @!p0 $0xCB80;
	s16 =	sadd.s32 @!p0 $0xC3500, s21  }
0x4d: {  	[tilespmem:s8], [sflag:$0x2] =	stream.linear.gather @!p0 [hbm4b:s16+s5], $0x800, $0x38;
	[tilespmem:$0x1F380] =	vst v63  }
0x4e: {  	v2 =	vor.u32 s19, v0;
	s19 =	simm.s32 $0xC;
	s8 =	simm.s32 @!p0 $0xDB80  }
0x4f: {  	[tilespmem:s8], [sflag:$0x2] =	stream.linear.gather @!p0 [hbm4b:s21+s5], $0x800, $0x38;
	[tilespmem:$0x1F380] =	vst v63  }
0x50: {  	s16 =	simm.s32 @!p0 $0xEB80;
	s8 =	sadd.s32 @!p0 s3, s15;
	s21 =	simm.s32 $0x2  }
0x51: {  	v4 =	vor.u32 s19, v0;
	v3 =	vor.u32 s21, v0;
	[tilespmem:s16], [sflag:$0x2] =	stream.linear.gather @!p0 [hbm4b:s8+s5], $0x800, $0x38;
	[tilespmem:$0x1F380] =	vst v63  }
0x52: {  	v5 =	vshll.u32 v4, $0x3;
	_ =	swait.ge [sflag:s28], $0x4000  }
0x53: {  	s19 =	simm.s32 $0x4;
	v5 =	vor.u32 v1, v5;
	[sflag:s28] =	ssyncset.done $0x0  }
0x54: {  	v7 =	vor.u32 s19, v0;
	s15 =	simm.s32 $0xA;
	s16 =	simm.s32 $0x0;
	[sflag:s28] =	ssyncadd.s32 $0xFFFFC000  }
0x55: {  	v12 =	vor.u32 s15, v0;
	v6 =	vor.u32 s16, v0;
	v16 =	vld.idx.msk [tilespmem:v2+s23+$0x0], $0xffff  }
0x56: {  	v9 =	vshll.u32 v3, $0x3;
	v8 =	vshll.u32 v6, $0x3;
	v13 =	vld.idx.msk [tilespmem:v3+s23+$0x0], $0xffff  }
0x57: {  	s8 =	simm.s32 $0x8;
	v18 =	vor.u32 v1, v9;
	v15 =	vor.u32 v1, v8;
	v8 =	vshll.u32 v7, $0x3;
	v4 =	vld.idx.msk [tilespmem:v4+s23+$0x0], $0xffff  }
0x58: {  	v9 =	vor.u32 s8, v0;
	v19 =	vor.u32 v1, v8;
	v8 =	vld.idx.msk [tilespmem:v5+s26+$0x0], $0xffff  }
0x59: {  	v11 =	vshll.u32 v9, $0x3;
	v17 =	vld.idx.msk [tilespmem:v7+s23+$0x0], $0xffff  }
0x5a: {  	v22 =	vor.u32 v1, v11;
	v35 =	vld.idx.msk [tilespmem:v12+s23+$0x0], $0xffff  }
0x5b: {  	s21 =	simm.s32 $0x6;
	v6 =	vld.idx.msk [tilespmem:v6+s23+$0x0], $0xffff  }
0x5c: {  	s16 =	simm.s32 $0x1E;
	v3 =	vor.u32 s21, v0;
	v23 =	vld.idx.msk [tilespmem:v18+s26+$0x0], $0xffff  }
0x5d: {  	s19 =	simm.s32 $0x12;
	v28 =	vor.u32 s16, v0;
	v33 =	vld.idx.msk [tilespmem:v9+s23+$0x0], $0xffff  }
0x5e: {  	v2 =	vshll.u32 v2, $0x3;
	v7 =	vor.u32 s19, v0;
	v21 =	vld.idx.msk [tilespmem:v15+s26+$0x0], $0xffff  }
0x5f: {  	s21 =	simm.s32 $0x1C;
	v2 =	vor.u32 v1, v2;
	v27 =	vld.idx.msk [tilespmem:v22+s26+$0x0], $0xffff  }
0x60: {  	v10 =	vshll.u32 v3, $0x3;
	v30 =	vor.u32 s21, v0;
	v24 =	vld.idx.msk [tilespmem:v19+s26+$0x0], $0xffff  }
0x61: {  	s15 =	simm.s32 $0x14;
	v20 =	vor.u32 v1, v10;
	v32 =	vld.idx.msk [tilespmem:v3+s23+$0x0], $0xffff  }
0x62: {  	v36 =	vor.u32 s15, v0;
	v10 =	vshll.u32 v12, $0x3;
	v3 =	vld.idx.msk [tilespmem:v28+s23+$0x0], $0xffff  }
0x63: {  	s8 =	simm.s32 $0x10;
	v26 =	vor.u32 v1, v10;
	v14 =	vld.idx.msk [tilespmem:v7+s23+$0x0], $0xffff  }
0x64: {  	v34 =	vor.u32 s8, v0;
	v10 =	vshll.u32 v30, $0x3;
	v31 =	vld.idx.msk [tilespmem:v2+s26+$0x0], $0xffff  }
0x65: {  	s16 =	simm.s32 $0x16;
	v12 =	vshll.u32 v7, $0x3;
	v11 =	vor.u32 v1, v10;
	v30 =	vld.idx.msk [tilespmem:v30+s23+$0x0], $0xffff  }
0x66: {  	v9 =	vmul.f32 v4, v8;
	v8 =	vshll.u32 v34, $0x3;
	v4 =	vor.u32 s16, v0;
	v25 =	vld.idx.msk [tilespmem:v20+s26+$0x0], $0xffff  }
0x67: {  	v7 =	vor.u32 v1, v12;
	v8 =	vor.u32 v1, v8;
	v23 =	vmul.f32 v13, v23;
	v13 =	vld.idx.msk [tilespmem:v36+s23+$0x0], $0xffff  }
0x68: {  	s19 =	simm.s32 $0x18;
	v12 =	vshll.u32 v4, $0x3;
	[tilespmem:v5+s29+$0x0] =	vst.idx.msk $0xffff, v9;
	v5 =	vshll.u32 v36, $0x3;
	v29 =	vld.idx.msk [tilespmem:v26+s26+$0x0], $0xffff;
	v21 =	vmul.f32 v6, v21  }
0x69: {  	s21 =	simm.s32 $0x1A;
	v10 =	vor.u32 s19, v0;
	v9 =	vor.u32 v1, v5;
	v5 =	vor.u32 v1, v12;
	v12 =	vld.idx.msk [tilespmem:v34+s23+$0x0], $0xffff  }
0x6a: {  	v37 =	vld.idx.msk [tilespmem:v11+s26+$0x0], $0xffff;
	v6 =	vshll.u32 v10, $0x3;
	v24 =	vmul.f32 v17, v24;
	[tilespmem:v15+s29+$0x0] =	vst.idx.msk $0xffff, v21;
	v15 =	vor.u32 s21, v0  }
0x6b: {  	[tilespmem:v18+s29+$0x0] =	vst.idx.msk $0xffff, v23;
	v6 =	vor.u32 v1, v6;
	v21 =	vmul.f32 v32, v25;
	v23 =	vshll.u32 v15, $0x3  }
0x6c: {  	v18 =	vld.idx.msk [tilespmem:v7+s26+$0x0], $0xffff;
	[tilespmem:v19+s29+$0x0] =	vst.idx.msk $0xffff, v24;
	v24 =	vshll.u32 v28, $0x3;
	v23 =	vor.u32 v1, v23  }
0x6d: {  	v17 =	vld.idx.msk [tilespmem:v8+s26+$0x0], $0xffff;
	v25 =	vmul.f32 v33, v27;
	[tilespmem:v20+s29+$0x0] =	vst.idx.msk $0xffff, v21;
	v21 =	vor.u32 v1, v24  }
0x6e: {  	v27 =	vmul.f32 v35, v29;
	v19 =	vld.idx.msk [tilespmem:v9+s26+$0x0], $0xffff  }
0x6f: {  	v20 =	vld.idx.msk [tilespmem:v5+s26+$0x0], $0xffff;
	[tilespmem:v22+s29+$0x0] =	vst.idx.msk $0xffff, v25;
	v25 =	vmul.f32 v30, v37  }
0x70: {  	s15 =	simm.s32 $0x2E;
	s21 =	simm.s32 $0x8;
	v24 =	vmul.f32 v16, v31;
	v16 =	vmov v23;
	v22 =	vld.idx.msk [tilespmem:v6+s26+$0x0], $0xffff;
	[tilespmem:v26+s29+$0x0] =	vst.idx.msk $0xffff, v27  }
.LBB2_4:
0x71: {  	s5 =	sadd.s32 $0xFFFFFFF4, s15;
	s8 =	sadd.s32 $0xFFFFFFFE, s15;
	v26 =	vor.u32 s15, v0;
	s21 =	sadd.s32 $0x8, s21;
	v27 =	vld.idx.msk [tilespmem:v23+s26+$0x0], $0xffff;
	[tilespmem:v11+s29+$0x0] =	vst.idx.msk $0xffff, v25  }
0x72: {  	s16 =	sadd.s32 $0xFFFFFFF8, s15;
	v23 =	vor.u32 s5, v0;
	s5 =	sadd.s32 $0xFFFFFFF6, s15;
	v25 =	vor.u32 s8, v0;
	v28 =	vshll.u32 v26, $0x3;
	p1 =	slt.u32 s21, $0x3F8;
	v29 =	vld.idx.msk [tilespmem:v21+s26+$0x0], $0xffff;
	[tilespmem:v2+s29+$0x0] =	vst.idx.msk $0xffff, v24;
	v2 =	vmovc v21  }
0x73: {  	s19 =	sadd.s32 $0xFFFFFFFC, s15;
	s8 =	sadd.s32 $0xFFFFFFF2, s15;
	v24 =	vor.u32 s5, v0;
	s5 =	sadd.s32 $0xFFFFFFFA, s15;
	v11 =	vshll.u32 v25, $0x3;
	v30 =	vld.idx.msk [tilespmem:v4+s23+$0x0], $0xffff;
	v4 =	vor.u32 s16, v0  }
0x74: {  	v31 =	vor.u32 s8, v0;
	v11 =	vor.u32 v1, v11;
	v32 =	vld.idx.msk [tilespmem:v10+s23+$0x0], $0xffff;
	v10 =	vor.u32 s5, v0  }
0x75: {  	v33 =	vshll.u32 v23, $0x3;
	v21 =	vshll.u32 v31, $0x3;
	v34 =	vld.idx.msk [tilespmem:v15+s23+$0x0], $0xffff;
	v15 =	vor.u32 s19, v0  }
0x76: {  	v35 =	vshll.u32 v24, $0x3;
	v36 =	vshll.u32 v4, $0x3;
	v37 =	vshll.u32 v10, $0x3;
	v26 =	vld.idx.msk [tilespmem:v26+s23+$0x0], $0xffff  }
0x77: {  	v33 =	vor.u32 v1, v33;
	v38 =	vor.u32 v1, v21;
	v21 =	vshll.u32 v15, $0x3;
	v39 =	vld.idx.msk [tilespmem:v23+s23+$0x0], $0xffff  }
0x78: {  	v35 =	vor.u32 v1, v35;
	v36 =	vor.u32 v1, v36;
	v37 =	vor.u32 v1, v37;
	v25 =	vld.idx.msk [tilespmem:v25+s23+$0x0], $0xffff  }
0x79: {  	v17 =	vmul.f32 v12, v17;
	v23 =	vor.u32 v1, v21;
	v21 =	vor.u32 v1, v28;
	v40 =	vld.idx.msk [tilespmem:v11+s26+$0x0], $0xffff  }
0x7a: {  	v19 =	vmul.f32 v13, v19;
	v28 =	vmul.f32 v14, v18;
	v12 =	vld.idx.msk [tilespmem:v31+s23+$0x0], $0xffff  }
0x7b: {  	v20 =	vmul.f32 v30, v20;
	v22 =	vmul.f32 v32, v22;
	v13 =	vld.idx.msk [tilespmem:v24+s23+$0x0], $0xffff;
	[tilespmem:v8+s29+$0x0] =	vst.idx.msk $0xffff, v17  }
.Ltmp5:
0x7c: {  	v27 =	vmul.f32 v34, v27;
	v24 =	vmul.f32 v3, v29;
	v17 =	vld.idx.msk [tilespmem:v38+s26+$0x0], $0xffff;
	[tilespmem:v7+s29+$0x0] =	vst.idx.msk $0xffff, v28;
	(pc) =	sbr.rel @p1 .LBB2_4-.Ltmp5, $4  }
0x7d: {  	v3 =	vmovc v26;
	v8 =	vmov v38;
	v7 =	vmov v33;
	v14 =	vmov v39;
	v18 =	vld.idx.msk [tilespmem:v33+s26+$0x0], $0xffff;
	[tilespmem:v9+s29+$0x0] =	vst.idx.msk $0xffff, v19  }
0x7e: {  	v9 =	vmov v35;
	v19 =	vld.idx.msk [tilespmem:v35+s26+$0x0], $0xffff;
	[tilespmem:v5+s29+$0x0] =	vst.idx.msk $0xffff, v20;
	v5 =	vmov v36  }
0x7f: {  	v25 =	vmul.f32 v25, v40;
	v20 =	vld.idx.msk [tilespmem:v36+s26+$0x0], $0xffff;
	[tilespmem:v6+s29+$0x0] =	vst.idx.msk $0xffff, v22;
	v6 =	vmov v37  }
0x80: {  	s15 =	sadd.s32 $0x10, s15;
	v22 =	vld.idx.msk [tilespmem:v37+s26+$0x0], $0xffff;
	[tilespmem:v16+s29+$0x0] =	vst.idx.msk $0xffff, v27;
	v16 =	vmov v23  }
0x81: {  	_ =	sdelay $0x3  }
0x82: {  	v23 =	vld.idx.msk [tilespmem:v23+s26+$0x0], $0xffff  }
0x83: {  	v4 =	vld.idx.msk [tilespmem:v4+s23+$0x0], $0xffff  }
0x84: {  	v10 =	vld.idx.msk [tilespmem:v10+s23+$0x0], $0xffff  }
0x85: {  	[tilespmem:v11+s29+$0x0] =	vst.idx.msk $0xffff, v25;
	v61 =	vld.idx.msk [tilespmem:v15+s23+$0x0], $0xffff;
	v12 =	vmul.f32 v12, v17  }
0x86: {  	v62 =	vld.idx.msk [tilespmem:v21+s26+$0x0], $0xffff;
	[tilespmem:v2+s29+$0x0] =	vst.idx.msk $0xffff, v24;
	v2 =	vmul.f32 v14, v18  }
0x87: {  	v13 =	vmul.f32 v13, v19;
	[tilespmem:v8+s29+$0x0] =	vst.idx.msk $0xffff, v12  }
0x88: {  	[tilespmem:v7+s29+$0x0] =	vst.idx.msk $0xffff, v2;
	v4 =	vmul.f32 v4, v20  }
0x89: {  	[tilespmem:v9+s29+$0x0] =	vst.idx.msk $0xffff, v13;
	v2 =	vmul.f32 v10, v22  }
0x8a: {  	v63 =	vmul.f32 v61, v23;
	[tilespmem:v5+s29+$0x0] =	vst.idx.msk $0xffff, v4  }
0x8b: {  	v3 =	vmul.f32 v3, v62;
	[tilespmem:v6+s29+$0x0] =	vst.idx.msk $0xffff, v2  }
0x8c: {  	[tilespmem:v16+s29+$0x0] =	vst.idx.msk $0xffff, v63  }
0x8d: {  	s5 =	simm.s32 @!p0 $0x2;
	[tilespmem:v21+s29+$0x0] =	vst.idx.msk $0xffff, v3  }
0x8e: {  	[spmem:s4] =	stream.indirect.scatter.add.f32 [tilespmem:s29], [sflag:$0x5], $0x8, s22, s25, $0xb8;
	[tilespmem:$0x1F380] =	vst v63  }
0x8f: {  	_ =	swait.ge @!p0 [sflag:s5], $0x800  }
0x90: {  	[sflag:s5] =	ssyncset.done @!p0 $0x0  }
0x91: {  	[sflag:s5] =	ssyncadd.s32 @!p0 $0xFFFFF800  }
0x92: {  	_ =	swait.ge @!p0 [sflag:s5], $0x800  }
0x93: {  	[sflag:s5] =	ssyncset.done @!p0 $0x0  }
0x94: {  	[sflag:s5] =	ssyncadd.s32 @!p0 $0xFFFFF800  }
0x95: {  	_ =	swait.ge @!p0 [sflag:s5], $0x800  }
0x96: {  	s8 =	simm.s32 @!p0 $0xCB80;
	[sflag:s5] =	ssyncset.done @!p0 $0x0  }
0x97: {  	s15 =	simm.s32 @!p0 $0x13380;
	[sflag:s5] =	ssyncadd.s32 @!p0 $0xFFFFF800;
	s5 =	simm.s32 @!p0 $0x800  }
0x98: {  	[tilespmem:s15], [sflag:$0x4] =	stream.indirect.gather @!p0 [hbm4b:s1+s5], $0x8, s8, s5, $0xb8;
	[tilespmem:$0x1F380] =	vst v63  }
.LBB2_6:
0x99: {  	p0 =	sge.u32 s13, s14  }
.Ltmp6:
0x9a: {  	_ = 	snop;
	(pc) =	sbr.rel @p0 .LBB2_10-.Ltmp6, $1  }
0x9b: {  	_ =	sdelay $0x3  }
0x9c: {  	s5 =	sadd.s32 $0x2, s13  }
0x9d: {  	p0 =	sge.u32 s5, s10  }
0x9e: {  	s5 =	sshll.u32 @!p0 s5, $0x10  }
0x9f: {  	_ =	swait.ge [sflag:s18], $0x4000;
	s5 =	sor.u32 @!p0 s9, s5  }
0xa0: {  	[sflag:s18] =	ssyncset.done $0x0;
	s5 =	sshrl.u32 @!p0 s5, $0x3  }
0xa1: {  	[sflag:s18] =	ssyncadd.s32 $0xFFFFC000;
	s8 =	sadd.s32 @!p0 s6, s5  }
0xa2: {  	s15 =	simm.s32 @!p0 $0x0;
	s16 =	simm.s32 @!p0 $0xC380;
	s13 =	sadd.s32 @!p0 $0xC3500, s8  }
0xa3: {  	[tilespmem:s16], [sflag:$0x1] =	stream.linear.gather @!p0 [hbm4b:s13+s15], $0x800, $0x38;
	[tilespmem:$0x1F380] =	vst v63  }
0xa4: {  	s19 =	simm.s32 $0x2;
	s13 =	simm.s32 @!p0 $0xD380;
	s16 =	simm.s32 $0xE  }
0xa5: {  	[tilespmem:s13], [sflag:$0x1] =	stream.linear.gather @!p0 [hbm4b:s8+s15], $0x800, $0x38;
	[tilespmem:$0x1F380] =	vst v63  }
0xa6: {  	s21 =	simm.s32 $0xC;
	s5 =	sadd.s32 @!p0 s3, s5;
	v2 =	vor.u32 s16, v0;
	s13 =	simm.s32 @!p0 $0xE380  }
0xa7: {  	v3 =	vor.u32 s19, v0;
	v4 =	vor.u32 s21, v0;
	[tilespmem:s13], [sflag:$0x1] =	stream.linear.gather @!p0 [hbm4b:s5+s15], $0x800, $0x38;
	[tilespmem:$0x1F380] =	vst v63  }
0xa8: {  	v5 =	vshll.u32 v4, $0x3;
	_ =	swait.ge [sflag:s30], $0x4000  }
0xa9: {  	s19 =	simm.s32 $0x0;
	v5 =	vor.u32 v1, v5;
	[sflag:s30] =	ssyncset.done $0x0  }
0xaa: {  	s21 =	simm.s32 $0x4;
	v6 =	vor.u32 s19, v0;
	[sflag:s30] =	ssyncadd.s32 $0xFFFFC000  }
0xab: {  	v7 =	vor.u32 s21, v0;
	v8 =	vshll.u32 v6, $0x3;
	v16 =	vld.idx.msk [tilespmem:v2+s2+$0x0], $0xffff  }
0xac: {  	v9 =	vshll.u32 v3, $0x3;
	v15 =	vor.u32 v1, v8;
	v13 =	vld.idx.msk [tilespmem:v3+s2+$0x0], $0xffff  }
0xad: {  	v18 =	vor.u32 v1, v9;
	v8 =	vshll.u32 v7, $0x3;
	v4 =	vld.idx.msk [tilespmem:v4+s2+$0x0], $0xffff  }
0xae: {  	v19 =	vor.u32 v1, v8;
	s13 =	simm.s32 $0x8;
	v8 =	vld.idx.msk [tilespmem:v5+s31+$0x0], $0xffff  }
0xaf: {  	s15 =	simm.s32 $0xA;
	v9 =	vor.u32 s13, v0;
	v6 =	vld.idx.msk [tilespmem:v6+s2+$0x0], $0xffff  }
0xb0: {  	s21 =	simm.s32 $0x1C;
	v12 =	vor.u32 s15, v0;
	v17 =	vld.idx.msk [tilespmem:v7+s2+$0x0], $0xffff  }
0xb1: {  	v30 =	vor.u32 s21, v0;
	v11 =	vshll.u32 v9, $0x3;
	v21 =	vld.idx.msk [tilespmem:v15+s31+$0x0], $0xffff  }
0xb2: {  	s8 =	simm.s32 $0x6;
	v22 =	vor.u32 v1, v11;
	v23 =	vld.idx.msk [tilespmem:v18+s31+$0x0], $0xffff  }
0xb3: {  	s16 =	simm.s32 $0x1E;
	v3 =	vor.u32 s8, v0;
	v24 =	vld.idx.msk [tilespmem:v19+s31+$0x0], $0xffff  }
0xb4: {  	s19 =	simm.s32 $0x12;
	v28 =	vor.u32 s16, v0;
	v10 =	vshll.u32 v3, $0x3;
	v33 =	vld.idx.msk [tilespmem:v9+s2+$0x0], $0xffff  }
0xb5: {  	v7 =	vor.u32 s19, v0;
	v20 =	vor.u32 v1, v10;
	v10 =	vshll.u32 v12, $0x3;
	v35 =	vld.idx.msk [tilespmem:v12+s2+$0x0], $0xffff  }
0xb6: {  	s15 =	simm.s32 $0x14;
	v26 =	vor.u32 v1, v10;
	v10 =	vshll.u32 v30, $0x3;
	v30 =	vld.idx.msk [tilespmem:v30+s2+$0x0], $0xffff  }
0xb7: {  	v36 =	vor.u32 s15, v0;
	v2 =	vshll.u32 v2, $0x3;
	v27 =	vld.idx.msk [tilespmem:v22+s31+$0x0], $0xffff  }
0xb8: {  	s13 =	simm.s32 $0x10;
	v2 =	vor.u32 v1, v2;
	v32 =	vld.idx.msk [tilespmem:v3+s2+$0x0], $0xffff  }
0xb9: {  	v34 =	vor.u32 s13, v0;
	s19 =	simm.s32 $0x18;
	v12 =	vshll.u32 v7, $0x3;
	v3 =	vld.idx.msk [tilespmem:v28+s2+$0x0], $0xffff  }
0xba: {  	s16 =	simm.s32 $0x16;
	v11 =	vor.u32 v1, v10;
	v10 =	vor.u32 s19, v0;
	v9 =	vmul.f32 v4, v8;
	v14 =	vld.idx.msk [tilespmem:v7+s2+$0x0], $0xffff  }
0xbb: {  	v8 =	vshll.u32 v34, $0x3;
	v4 =	vor.u32 s16, v0;
	v21 =	vmul.f32 v6, v21;
	v25 =	vld.idx.msk [tilespmem:v20+s31+$0x0], $0xffff  }
0xbc: {  	v7 =	vor.u32 v1, v12;
	v23 =	vmul.f32 v13, v23;
	v24 =	vmul.f32 v17, v24;
	v13 =	vld.idx.msk [tilespmem:v36+s2+$0x0], $0xffff  }
0xbd: {  	v6 =	vshll.u32 v10, $0x3;
	v31 =	vld.idx.msk [tilespmem:v2+s31+$0x0], $0xffff;
	v8 =	vor.u32 v1, v8;
	[tilespmem:v5+s0+$0x0] =	vst.idx.msk $0xffff, v9;
	v5 =	vshll.u32 v36, $0x3  }
0xbe: {  	s21 =	simm.s32 $0x1A;
	v12 =	vshll.u32 v4, $0x3;
	v6 =	vor.u32 v1, v6;
	v29 =	vld.idx.msk [tilespmem:v26+s31+$0x0], $0xffff;
	v9 =	vor.u32 v1, v5  }
0xbf: {  	[tilespmem:v15+s0+$0x0] =	vst.idx.msk $0xffff, v21;
	v15 =	vor.u32 s21, v0;
	v5 =	vor.u32 v1, v12;
	v37 =	vld.idx.msk [tilespmem:v11+s31+$0x0], $0xffff  }
0xc0: {  	[tilespmem:v18+s0+$0x0] =	vst.idx.msk $0xffff, v23;
	v12 =	vld.idx.msk [tilespmem:v34+s2+$0x0], $0xffff;
	v23 =	vshll.u32 v15, $0x3;
	v21 =	vmul.f32 v32, v25  }
0xc1: {  	[tilespmem:v19+s0+$0x0] =	vst.idx.msk $0xffff, v24;
	v24 =	vshll.u32 v28, $0x3;
	v23 =	vor.u32 v1, v23;
	v18 =	vld.idx.msk [tilespmem:v7+s31+$0x0], $0xffff  }
0xc2: {  	v17 =	vld.idx.msk [tilespmem:v8+s31+$0x0], $0xffff;
	v25 =	vmul.f32 v33, v27;
	[tilespmem:v20+s0+$0x0] =	vst.idx.msk $0xffff, v21;
	v21 =	vor.u32 v1, v24  }
0xc3: {  	v27 =	vmul.f32 v35, v29;
	v19 =	vld.idx.msk [tilespmem:v9+s31+$0x0], $0xffff  }
0xc4: {  	v20 =	vld.idx.msk [tilespmem:v5+s31+$0x0], $0xffff;
	[tilespmem:v22+s0+$0x0] =	vst.idx.msk $0xffff, v25;
	v25 =	vmul.f32 v30, v37  }
0xc5: {  	s13 =	simm.s32 $0x8;
	s15 =	simm.s32 $0x2E;
	v24 =	vmul.f32 v16, v31;
	v22 =	vld.idx.msk [tilespmem:v6+s31+$0x0], $0xffff;
	v16 =	vmov v23;
	[tilespmem:v26+s0+$0x0] =	vst.idx.msk $0xffff, v27  }
.LBB2_8:
0xc6: {  	s5 =	sadd.s32 $0xFFFFFFF4, s15;
	s8 =	sadd.s32 $0xFFFFFFFE, s15;
	v26 =	vor.u32 s15, v0;
	s13 =	sadd.s32 $0x8, s13;
	v27 =	vld.idx.msk [tilespmem:v23+s31+$0x0], $0xffff;
	[tilespmem:v11+s0+$0x0] =	vst.idx.msk $0xffff, v25  }
0xc7: {  	s16 =	sadd.s32 $0xFFFFFFF8, s15;
	v23 =	vor.u32 s5, v0;
	s5 =	sadd.s32 $0xFFFFFFF6, s15;
	v25 =	vor.u32 s8, v0;
	v28 =	vshll.u32 v26, $0x3;
	p1 =	slt.u32 s13, $0x3F8;
	v29 =	vld.idx.msk [tilespmem:v21+s31+$0x0], $0xffff;
	[tilespmem:v2+s0+$0x0] =	vst.idx.msk $0xffff, v24;
	v2 =	vmovc v21  }
0xc8: {  	s19 =	sadd.s32 $0xFFFFFFFC, s15;
	s8 =	sadd.s32 $0xFFFFFFF2, s15;
	v24 =	vor.u32 s5, v0;
	s5 =	sadd.s32 $0xFFFFFFFA, s15;
	v11 =	vshll.u32 v25, $0x3;
	v30 =	vld.idx.msk [tilespmem:v4+s2+$0x0], $0xffff;
	v4 =	vor.u32 s16, v0  }
0xc9: {  	v31 =	vor.u32 s8, v0;
	v11 =	vor.u32 v1, v11;
	v32 =	vld.idx.msk [tilespmem:v10+s2+$0x0], $0xffff;
	v10 =	vor.u32 s5, v0  }
0xca: {  	v33 =	vshll.u32 v23, $0x3;
	v21 =	vshll.u32 v31, $0x3;
	v34 =	vld.idx.msk [tilespmem:v15+s2+$0x0], $0xffff;
	v15 =	vor.u32 s19, v0  }
0xcb: {  	v35 =	vshll.u32 v24, $0x3;
	v36 =	vshll.u32 v4, $0x3;
	v37 =	vshll.u32 v10, $0x3;
	v26 =	vld.idx.msk [tilespmem:v26+s2+$0x0], $0xffff  }
0xcc: {  	v33 =	vor.u32 v1, v33;
	v38 =	vor.u32 v1, v21;
	v21 =	vshll.u32 v15, $0x3;
	v39 =	vld.idx.msk [tilespmem:v23+s2+$0x0], $0xffff  }
0xcd: {  	v35 =	vor.u32 v1, v35;
	v36 =	vor.u32 v1, v36;
	v37 =	vor.u32 v1, v37;
	v25 =	vld.idx.msk [tilespmem:v25+s2+$0x0], $0xffff  }
0xce: {  	v17 =	vmul.f32 v12, v17;
	v23 =	vor.u32 v1, v21;
	v21 =	vor.u32 v1, v28;
	v40 =	vld.idx.msk [tilespmem:v11+s31+$0x0], $0xffff  }
0xcf: {  	v19 =	vmul.f32 v13, v19;
	v28 =	vmul.f32 v14, v18;
	v12 =	vld.idx.msk [tilespmem:v31+s2+$0x0], $0xffff  }
0xd0: {  	v20 =	vmul.f32 v30, v20;
	v22 =	vmul.f32 v32, v22;
	v13 =	vld.idx.msk [tilespmem:v24+s2+$0x0], $0xffff;
	[tilespmem:v8+s0+$0x0] =	vst.idx.msk $0xffff, v17  }
.Ltmp7:
0xd1: {  	v27 =	vmul.f32 v34, v27;
	v24 =	vmul.f32 v3, v29;
	v17 =	vld.idx.msk [tilespmem:v38+s31+$0x0], $0xffff;
	[tilespmem:v7+s0+$0x0] =	vst.idx.msk $0xffff, v28;
	(pc) =	sbr.rel @p1 .LBB2_8-.Ltmp7, $4  }
0xd2: {  	v3 =	vmovc v26;
	v8 =	vmov v38;
	v7 =	vmov v33;
	v14 =	vmov v39;
	v18 =	vld.idx.msk [tilespmem:v33+s31+$0x0], $0xffff;
	[tilespmem:v9+s0+$0x0] =	vst.idx.msk $0xffff, v19  }
0xd3: {  	v9 =	vmov v35;
	v19 =	vld.idx.msk [tilespmem:v35+s31+$0x0], $0xffff;
	[tilespmem:v5+s0+$0x0] =	vst.idx.msk $0xffff, v20;
	v5 =	vmov v36  }
0xd4: {  	v25 =	vmul.f32 v25, v40;
	v20 =	vld.idx.msk [tilespmem:v36+s31+$0x0], $0xffff;
	[tilespmem:v6+s0+$0x0] =	vst.idx.msk $0xffff, v22;
	v6 =	vmov v37  }
0xd5: {  	s15 =	sadd.s32 $0x10, s15;
	v22 =	vld.idx.msk [tilespmem:v37+s31+$0x0], $0xffff;
	[tilespmem:v16+s0+$0x0] =	vst.idx.msk $0xffff, v27;
	v16 =	vmov v23  }
0xd6: {  	_ =	sdelay $0x3  }
0xd7: {  	v23 =	vld.idx.msk [tilespmem:v23+s31+$0x0], $0xffff  }
0xd8: {  	v4 =	vld.idx.msk [tilespmem:v4+s2+$0x0], $0xffff  }
0xd9: {  	v10 =	vld.idx.msk [tilespmem:v10+s2+$0x0], $0xffff  }
0xda: {  	[tilespmem:v11+s0+$0x0] =	vst.idx.msk $0xffff, v25;
	v61 =	vld.idx.msk [tilespmem:v15+s2+$0x0], $0xffff;
	v12 =	vmul.f32 v12, v17  }
0xdb: {  	v62 =	vld.idx.msk [tilespmem:v21+s31+$0x0], $0xffff;
	[tilespmem:v2+s0+$0x0] =	vst.idx.msk $0xffff, v24;
	v2 =	vmul.f32 v14, v18  }
0xdc: {  	v13 =	vmul.f32 v13, v19;
	[tilespmem:v8+s0+$0x0] =	vst.idx.msk $0xffff, v12  }
0xdd: {  	[tilespmem:v7+s0+$0x0] =	vst.idx.msk $0xffff, v2;
	v4 =	vmul.f32 v4, v20  }
0xde: {  	[tilespmem:v9+s0+$0x0] =	vst.idx.msk $0xffff, v13;
	v2 =	vmul.f32 v10, v22  }
0xdf: {  	v63 =	vmul.f32 v61, v23;
	[tilespmem:v5+s0+$0x0] =	vst.idx.msk $0xffff, v4  }
0xe0: {  	v3 =	vmul.f32 v3, v62;
	[tilespmem:v6+s0+$0x0] =	vst.idx.msk $0xffff, v2  }
0xe1: {  	[tilespmem:v16+s0+$0x0] =	vst.idx.msk $0xffff, v63  }
0xe2: {  	s5 =	simm.s32 @!p0 $0x1;
	[tilespmem:v21+s0+$0x0] =	vst.idx.msk $0xffff, v3  }
0xe3: {  	[spmem:s4] =	stream.indirect.scatter.add.f32 [tilespmem:s0], [sflag:$0x6], $0x8, s7, s25, $0xb8;
	[tilespmem:$0x1F380] =	vst v63  }
0xe4: {  	_ =	swait.ge @!p0 [sflag:s5], $0x800  }
0xe5: {  	[sflag:s5] =	ssyncset.done @!p0 $0x0  }
0xe6: {  	[sflag:s5] =	ssyncadd.s32 @!p0 $0xFFFFF800  }
0xe7: {  	_ =	swait.ge @!p0 [sflag:s5], $0x800  }
0xe8: {  	[sflag:s5] =	ssyncset.done @!p0 $0x0  }
.Ltmp8:
0xe9: {  	[sflag:s5] =	ssyncadd.s32 @!p0 $0xFFFFF800;
	(pc) =	sbr.rel .LBB2_10-.Ltmp8, $4  }
0xea: {  	_ =	swait.ge @!p0 [sflag:s5], $0x800  }
0xeb: {  	s8 =	simm.s32 @!p0 $0xC380;
	[sflag:s5] =	ssyncset.done @!p0 $0x0  }
0xec: {  	s13 =	simm.s32 @!p0 $0xF380;
	[sflag:s5] =	ssyncadd.s32 @!p0 $0xFFFFF800;
	s5 =	simm.s32 @!p0 $0x800  }
0xed: {  	[tilespmem:s13], [sflag:$0x3] =	stream.indirect.gather @!p0 [hbm4b:s1+s5], $0x8, s8, s5, $0xb8;
	[tilespmem:$0x1F380] =	vst v63  }
.LBB2_12:
0xee: {  	_ =	sfence.sel $0x180000  }
0xef: {  	[bflag:$0x0] =	sbarrier.arrive $0xFFFF  }
0xf0: {  	_ =	strace $0x9000004A  }
0xf1: {  	s0 =	stileid.u32;
	[bflag:$0x2] =	sbarrier.arrive $0xFFFF  }
0xf2: {  	p0 =	sne.s32 s0, $0x0;
	s0 =	rddreg [dreg:$0x4]  }
0xf3: {  	s0 =	sadd.s32 @!p0 $0x100000, s0  }
0xf4: {  	[sflag:s0] =	ssyncadd.tile.s32 @!p0 $0x1;
	_ =	shalt  }
.Lfunc_end2:
_tile_overlayer_lowered:
.L_overlay_start_2:
0xf5: {  	(tag) =	ssettag $0x2  }
0xf6: {  	s0 =	rddreg [dreg:$0x0];
	s2 =	stileid.u32  }
0xf7: {  	s1 =	rddreg [dreg:$0x1];
	p0 =	sne.s32 s2, $0x0  }
0xf8: {  	s3 =	rddreg [dreg:$0x2];
	[bflag:$0x3] =	sbarrier.arrive $0xFFFF;
	s2 =	simm.s32 @!p0 $0x1C07  }
0xf9: {  	[timem:s3], [sflag:s2] =	dma.local @!p0 [hbm:s0], s1  }
0xfa: {  	s0 =	simm.s32 @!p0 $0x7  }
0xfb: {  	_ =	swait.ge @!p0 [sflag:s0], s1  }
0xfc: {  	s1 =	ssub.s32 @!p0 $0x0, s1;
	[sflag:s0] =	ssyncset.done @!p0 $0x0  }
0xfd: {  	[sflag:s0] =	ssyncadd.s32 @!p0 s1  }
0xfe: {  	[bflag:$0x3] =	sbarrier.arrive $0xFFFF  }
0xff: {  	_ =	shalt  }

// kernel: sparse-core-data-format-call.cloned.1.call-start
scs
called_computation_lowered:
.L_overlay_start_0:
0x0: {  	s2 =	sld [smem:$0x3FD9]  }
0x1: {  	s3 =	sld [smem:$0x3FFE];
	_ =	sdelay $0x1  }
0x2: {  	s1 =	srdreg.scid  }
0x3: {  	s0 =	sand.u32 $0x1, s1  }
0x4: {  	s18 =	sshll.u32 s0, $0xA;
	s2 =	sadd.s32 s3, s2  }
0x5: {  	s2 =	sadd.s32 s2, s18  }
0x6: {  	[smem:$0x3FC4] =	sst s2  }
0x7: {  	_ = 	snop  }
0x8: {  	s2 =	sld [smem:$0x3FC6];
	(tm) =	ssettm $0x1  }
0x9: {  	s19 =	sld [smem:$0x3FFB];
	_ =	sdelay $0x3  }
0xa: {  	_ =	strace s19  }
0xb: {  	s3 =	sld [smem:$0x3FFC];
	_ =	sdelay $0x3  }
0xc: {  	_ =	strace s3  }
0xd: {  	s3 =	sld [smem:$0x3FFD];
	_ =	sdelay $0x3  }
0xe: {  	_ =	strace s3  }
0xf: {  	_ =	strace $0x8FFFFFFF  }
0x10: {  	s20 =	sld [smem:$0x3FDB];
	_ =	sdelay $0x1  }
0x11: {  	s4 =	simm.s32 $_scs_section_size  }
0x12: {  	s5 =	simm.s32 $_size__tile_overlayer_lowered;
	s6 =	simm.s32 $_tile_overlayer_lowered  }
0x13: {  	s23 =	simm.s32 $0x1BFF;
	s22 =	sshll.u32 s6, $0x1;
	s3 =	sadd.s32 s4, s20  }
0x14: {  	s7 =	simm.s32 $0x0;
	s21 =	sshll.u32 s5, $0x1;
	s5 =	sadd.s32 s22, s3  }
0x15: {  	[timem:s7], [sflag:s23] =	dma.local [hbm:s5], s21  }
0x16: {  	_ =	swait.ge [sflag:s23], s21  }
0x17: {  	s4 =	ssub.s32 $0x0, s21;
	[sflag:s23] =	ssyncset.done $0x0  }
0x18: {  	[sflag:s23] =	ssyncadd.s32 s4;
	_ =	sdelay $0x1  }
0x19: {  	s24 =	simm.s32 $0x1B8B  }
0x1a: {  	_ =	swait.ge [sflag:s24], $0x1  }
0x1b: {  	[sflag:s24] =	ssyncset.done $0x0  }
0x1c: {  	s26 =	simm.s32 $0x1B8E;
	s25 =	sld [smem:$0x3FFE];
	[sflag:s24] =	ssyncadd.s32 $0xFFFFFFFF  }
0x1d: {  	s27 =	simm.s32 $execute0_lowered;
	[smem:$0x3FD2] =	sst s26  }
0x1e: {  	s5 =	sshll.u32 s27, $0x1;
	_ =	strace $0x80000046;
	[dreg:$0x1] =	wrdreg $0xFFFFFFFF  }
0x1f: {  	s28 =	simm.s32 $_size_execute0_lowered;
	s3 =	sadd.s32 s3, s5;
	[dreg:$0x0] =	wrdreg $0x0  }
0x20: {  	s5 =	sshll.u32 s28, $0x1;
	[dreg:$0x2] =	wrdreg s3  }
0x21: {  	[dreg:$0x3] =	wrdreg s5  }
0x22: {  	[dreg:$0x4] =	wrdreg $0xC0  }
0x23: {  	_ =	task [dreg:s7], $0x5FFFF  }
0x24: {  	[dreg:$0x1] =	wrdreg $0xFFFFFFFF  }
0x25: {  	[dreg:$0x0] =	wrdreg $0x60  }
0x26: {  	[dreg:$0x2] =	wrdreg s2  }
0x27: {  	[dreg:$0x3] =	wrdreg s25  }
0x28: {  	[dreg:$0x4] =	wrdreg $0x9  }
0x29: {  	_ =	task.clear_ibuf [dreg:s7], $0x5FFFF;
	_ =	strace $0x90000046  }
0x2a: {  	s29 =	simm.s32 $0x9;
	_ =	strace $0x80000048  }
0x2b: {  	_ =	swait.ge [sflag:s29], $0x1  }
0x2c: {  	[sflag:s29] =	ssyncadd.s32 $0xFFFFFFFF  }
0x2d: {  	_ =	strace $0x90000048  }
0x2e: {  	_ =	sfence  }
0x2f: {  	s30 =	sld [smem:$0x0];
	_ =	sdelay $0x2  }
0x30: {  	s31 =	sshll.u32 s1, $0xD;
	s1 =	sshrl.u32 s1, $0x2  }
0x31: {  	s3 =	sand.u32 $0x4000, s31;
	s1 =	sadd.s32 s1, s30  }
0x32: {  	s0 =	sor.u32 s3, s0;
	s1 =	sshll.u32 s1, $0x11  }
0x33: {  	s0 =	sor.u32 s1, s0  }
0x34: {  	s0 =	sadd.s32 $0x8F2B, s0  }
0x35: {  	[sflag:s0] =	ssyncadd.remote.s32 $0x1  }
0x36: {  	_ =	sfence.sel $0xFFFF  }
0x37: {  	[dreg:$0x0] =	wrdreg $0xFFFFFFFF;
	(pc) =	sbr.abs _section_cstart, $3  }
0x38: {  	[dreg:$0x1] =	wrdreg $0xFFFFFFFF  }
0x39: {  	_ =	task.clear_ibuf [dreg:s7], $0x2FFFF;
	_ =	strace $0x9FFFFFFF  }
0x3a: {  	(tm) =	ssettm $0x7FFFFFFF  }
0x3b: {  	_ =	shalt  }
tec
execute0_lowered:
.L_overlay_start_1:
0x0: {  	(tag) =	ssettag $0x1  }
0x1: {  	s0 =	stileid.u32;
	s7 =	rddreg [dreg:$0x0]  }
0x2: {  	s1 =	srdreg.scid;
	s4 =	rddreg [dreg:$0x1]  }
0x3: {  	s30 =	simm.s32 $0x2;
	s10 =	simm.s32 $0x0;
	s14 =	simm.s32 $0x0  }
0x4: {  	s15 =	simm.s32 $0x0;
	s11 =	simm.s32 $0x0;
	s13 =	simm.s32 $0x0  }
0x5: {  	s2 =	sand.u32 $0x1, s1;
	s3 =	sshll.u32 s0, $0x7;
	s1 =	rddreg [dreg:$0x2]  }
0x6: {  	_ =	strace $0x80000047;
	s5 =	ssub.s32 $0xC300, s3;
	s6 =	ssub.s32 $0x2, s2  }
.Ltmp0:
0x7: {  	s5 =	sshrl.u32 s5, $0xB;
	s8 =	sshrl.u32 s6, $0x1;
	(pc) =	sbr.rel .LBB1_1-.Ltmp0, $4  }
0x8: {  	s4 =	sadd.s32 $0x1C00, s4;
	s9 =	sadd.s32 $0x1, s5;
	s6 =	ssub.s32 s6, s8  }
0x9: {  	s31 =	sshll.u32 s2, $0x4;
	s5 =	simm.s32 $0x1;
	s6 =	smul.u32 s9, s6  }
0xa: {  	s12 =	smov.u32 s3;
	s7 =	sadd.s32 s7, s31;
	[sflag:s5] =	ssyncpa.u1 $0x0  }
0xb: {  	s9 =	simm.s32 $0x0;
	[sflag:s30] =	ssyncpa.u1 $0x0;
	s8 =	sadd.s32 $0x1, s6  }
.LBB1_4:
0xc: {  	s21 =	simm.s32 $0x0  }
.LBB1_8:
0xd: {  	_ =	sdelay $0x3  }
0xe: {  	v6 =	vld [tilespmem:s18+$0xFFFFFFC0];
	[tilespmem:v0+s20+$0x30 ss:$0x1] =	vst.idx.msk @p0 $0xffff, v2  }
0xf: {  	v58 =	vld [tilespmem:s18+$0xFFFFFFD0];
	[tilespmem:v0+s20+$0x40 ss:$0x1] =	vst.idx.msk @p0 $0xffff, v3;
	s21 =	sadd.s32 @p0 $0x80, s21  }
0x10: {  	v59 =	vld [tilespmem:s18+$0xFFFFFFE0];
	[tilespmem:v0+s20+$0x50 ss:$0x1] =	vst.idx.msk @p0 $0xffff, v5;
	s19 =	smov.u32 @p0 s21  }
0x11: {  	v60 =	vld [tilespmem:s18+$0xFFFFFFF0];
	[tilespmem:v0+s20+$0x60 ss:$0x1] =	vst.idx.msk @p0 $0xffff, v4;
	s19 =	sand.u32 $0x3F80, s19  }
0x12: {  	v61 =	vld [tilespmem:s18+$0x0];
	[tilespmem:v0+s19+$0x70 ss:$0x1] =	vst.idx.msk $0xffff, v1  }
0x13: {  	v62 =	vld [tilespmem:s18+$0x10];
	[tilespmem:v0+s19+$0x0 ss:$0x1] =	vst.idx.msk $0xffff, v6  }
0x14: {  	v63 =	vld [tilespmem:s18+$0x20];
	[tilespmem:v0+s19+$0x10 ss:$0x1] =	vst.idx.msk $0xffff, v58  }
0x15: {  	[tilespmem:v0+s19+$0x20 ss:$0x1] =	vst.idx.msk $0xffff, v59  }
0x16: {  	[tilespmem:v0+s19+$0x30 ss:$0x1] =	vst.idx.msk $0xffff, v60  }
0x17: {  	[tilespmem:v0+s19+$0x40 ss:$0x1] =	vst.idx.msk $0xffff, v61  }
0x18: {  	[tilespmem:v0+s19+$0x50 ss:$0x1] =	vst.idx.msk $0xffff, v62  }
0x19: {  	[tilespmem:v0+s19+$0x60 ss:$0x1] =	vst.idx.msk $0xffff, v63  }
.LBB1_9:
0x1a: {  	s18 =	sand.u32 $0x1FFFFFF, s11  }
0x1b: {  	s19 =	smulhi.u32 $0x14F8B59, s18;
	_ =	sdelay $0x1  }
0x1c: {  	s19 =	sshrl.u32 s19, $0x8  }
0x1d: {  	s19 =	smul.u32 $0xC350, s19  }
0x1e: {  	s15 =	smul.u32 $0xC3500, s15  }
0x1f: {  	s18 =	ssub.s32 s18, s19  }
0x20: {  	s15 =	sadd.s32 s4, s15;
	s18 =	sshll.u32 s18, $0x4  }
0x21: {  	s15 =	sadd.s32 s18, s15  }
0x22: {  	[hbm4b:s15+s9] =	stream.linear.scatter [tilespmem:s17], [sflag:$0x2], s16, $0x38;
	[tilespmem:$0x10000] =	vst v63  }
.LBB1_10:
0x23: {  	p0 =	slt.u32 s13, $0x2  }
0x24: {  	p1 =	sgt.s32 @!p0 s14, $0xC2D0  }
0x25: {  	s15 =	smov.u32 s14;
	s16 =	sshra.s32 @!p0 s14, $0x1F;
	p1 =	por !p1, p0  }
0x26: {  	s14 =	sand.u32 @!p0 s16, s14;
	s15 =	simm.s32 @p1 $0xC2D0  }
0x27: {  	s14 =	ssub.s32 @!p0 s15, s14  }
0x28: {  	s14 =	sadd.s32 @!p0 $0xFFFF3D30, s14  }
0x29: {  	s15 =	sshll.u32 @!p0 s14, $0x7  }
0x2a: {  	p1 =	sgt.s32 @!p0 s14, $0x7F;
	s14 =	ssub.s32 @!p0 $0x4000, s15  }
0x2b: {  	s16 =	sadd.s32 $0x800, s12;
	p1 =	por !p1, p0;
	s14 =	sand.u32 @!p0 $0x3FFFFF80, s14  }
0x2c: {  	s14 =	simm.s32 @!p1 $0x0;
	p1 =	sgt.s32 s16, $0xC34F  }
0x2d: {  	s16 =	smov.u32 @p1 s3;
	p1 =	sne.s32 s13, s8  }
.Ltmp1:
0x2e: {  	_ = 	snop;
	(pc) =	sbr.rel @!p1 .LBB1_11-.Ltmp1, $4  }
0x2f: {  	s10 =	sadd.s32 $0x4000, s10;
	s15 =	simm.s32 @!p0 $0x2  }
0x30: {  	_ =	swait.ge @!p0 [sflag:s15], s14;
	s17 =	ssub.s32 @!p0 $0x0, s14;
	s14 =	smov.u32 s11  }
0x31: {  	s13 =	sadd.s32 $0x1, s13;
	s11 =	smov.u32 s12;
	[sflag:s15] =	ssyncset.done @!p0 $0x0  }
0x32: {  	s12 =	smov.u32 s16;
	[sflag:s15] =	ssyncadd.s32 @!p0 s17;
	s15 =	smov.u32 s2  }
.LBB1_1:
0x33: {  	p0 =	sge.u32 s13, s6  }
0x34: {  	p1 =	sgt.s32 @!p0 s12, $0xC2D0  }
0x35: {  	s16 =	smov.u32 s12;
	s17 =	sshra.s32 @!p0 s12, $0x1F;
	p1 =	por !p1, p0  }
0x36: {  	s17 =	sand.u32 @!p0 s17, s12;
	s16 =	simm.s32 @p1 $0xC2D0  }
0x37: {  	s16 =	ssub.s32 @!p0 s16, s17  }
0x38: {  	s31 =	sadd.s32 $0xFFFFFFFF, s13;
	s18 =	sxor.u32 @!p0 $0xFFFFFFFF, s13;
	s16 =	sadd.s32 @!p0 $0xFFFF3D30, s16  }
0x39: {  	s19 =	simm.s32 @!p0 $0x80;
	s20 =	simm.s32 @!p0 $0x100;
	s17 =	sshll.u32 @!p0 s16, $0x7  }
0x3a: {  	p1 =	sgt.s32 @!p0 s16, $0x7F;
	s16 =	ssub.s32 @!p0 $0x4000, s17;
	s17 =	sshll.u32 @!p0 s18, $0xE  }
0x3b: {  	p1 =	por !p1, p0;
	s18 =	sshll.u32 @!p0 s12, $0x5;
	s16 =	sand.u32 @!p0 $0x3FFFFF80, s16  }
0x3c: {  	s17 =	sand.u32 @!p0 $0x4000, s17;
	s18 =	sadd.s32 @!p0 s18, s7;
	s16 =	simm.s32 @!p1 $0x0  }
0x3d: {  	[tilespmem:s17], [sflag:$0x1] =	stream.strided.gather @!p0 [hbm4b:s18+s19], s16, s20, s19, $0x38;
	[tilespmem:$0x10000] =	vst v63  }
0x3e: {  	p0 =	sge.u32 s31, s6  }
.Ltmp2:
0x3f: {  	_ = 	snop;
	(pc) =	sbr.rel @p0 .LBB1_10-.Ltmp2, $1  }
0x40: {  	_ =	sdelay $0x3  }
0x41: {  	p0 =	sgt.s32 s11, $0xC2D0;
	s16 =	smov.u32 s11;
	s17 =	sshra.s32 s11, $0x1F  }
0x42: {  	s16 =	simm.s32 @!p0 $0xC2D0;
	s17 =	sand.u32 s17, s11  }
0x43: {  	s16 =	ssub.s32 s16, s17  }
0x44: {  	s16 =	sadd.s32 $0xFFFF3D30, s16  }
0x45: {  	s30 =	sshll.u32 s16, $0x7  }
0x46: {  	s17 =	ssub.s32 $0x4000, s30  }
0x47: {  	p0 =	sgt.s32 s16, $0x7F;
	s16 =	sand.u32 $0x3FFFFF80, s17;
	s17 =	sadd.s32 $0x80, s11  }
0x48: {  	s16 =	simm.s32 @p0 $0x0;
	p0 =	slt.s32 s17, $0xC350  }
0x49: {  	s17 =	simm.s32 @!p0 $0xC350  }
0x4a: {  	s20 =	ssub.s32 s17, s11  }
0x4b: {  	p0 =	slt.s32 s20, $0x1  }
.Ltmp3:
0x4c: {  	_ = 	snop;
	(pc) =	sbr.rel @p0 .LBB1_9-.Ltmp3, $4  }
0x4d: {  	_ = 	snop  }
0x4e: {  	s19 =	sshll.u32 s13, $0xE;
	_ =	swait.ge [sflag:s5], s16  }
0x4f: {  	s31 =	sand.u32 $0x4000, s19;
	s18 =	ssub.s32 $0x0, s16;
	[sflag:s5] =	ssyncset.done $0x0  }
0x50: {  	s17 =	sor.u32 $0x8000, s31;
	[sflag:s5] =	ssyncadd.s32 s18  }
0x51: {  	p1 =	sne.s32 s20, $0x1  }
.Ltmp4:
0x52: {  	v0 =	vmov s17;
	(pc) =	sbr.rel @!p1 .LBB1_4-.Ltmp4, $4  }
0x53: {  	_ = 	snop  }
0x54: {  	s18 =	sand.u32 $0x4000, s10  }
0x55: {  	s18 =	sor.u32 $0x40, s18  }
0x56: {  	s19 =	simm.s32 $0x0;
	s21 =	sadd.s32 $0xFFFFFFFF, s20;
	p0 =	por $0x0, $0x0;
	v1 =	vld [tilespmem:s18+$0x30]  }
0x57: {  	v4 =	vld [tilespmem:s18+$0xFFFFFFC0]  }
0x58: {  	v6 =	vld [tilespmem:s18+$0xFFFFFFD0]  }
0x59: {  	v7 =	vld [tilespmem:s18+$0xFFFFFFE0];
	p1 =	sne.s32 s21, $0x1  }
.Ltmp5:
0x5a: {  	v2 =	vld [tilespmem:s18+$0xFFFFFFF0];
	s20 =	sand.u32 $0x3F80, s19;
	(pc) =	sbr.rel @!p1 .LBB1_6-.Ltmp5, $4  }
0x5b: {  	v3 =	vld [tilespmem:s18+$0x0];
	[tilespmem:v0+s20+$0x70 ss:$0x1] =	vst.idx.msk $0xffff, v1  }
0x5c: {  	v5 =	vld [tilespmem:s18+$0x10];
	[tilespmem:v0+s20+$0x0 ss:$0x1] =	vst.idx.msk $0xffff, v4  }
0x5d: {  	v4 =	vld [tilespmem:s18+$0x20];
	[tilespmem:v0+s20+$0x10 ss:$0x1] =	vst.idx.msk $0xffff, v6;
	s18 =	sadd.s32 $0x80, s18  }
0x5e: {  	s22 =	sadd.s32 $0xFFFFFFFF, s21;
	p0 =	por $0x1, $0x1;
	s21 =	simm.s32 $0x0;
	[tilespmem:v0+s20+$0x20 ss:$0x1] =	vst.idx.msk $0xffff, v7;
	v1 =	vld [tilespmem:s18+$0x30]  }
.LBB1_7:
0x5f: {  	p1 =	sne.s32 s22, $0x1;
	v6 =	vld [tilespmem:s18+$0xFFFFFFC0];
	[tilespmem:v0+s20+$0x30 ss:$0x1] =	vst.idx.msk $0xffff, v2  }
0x60: {  	v7 =	vld [tilespmem:s18+$0xFFFFFFD0];
	[tilespmem:v0+s20+$0x40 ss:$0x1] =	vst.idx.msk $0xffff, v3  }
0x61: {  	s21 =	sadd.s32 $0x80, s21;
	v8 =	vld [tilespmem:s18+$0xFFFFFFE0];
	[tilespmem:v0+s20+$0x50 ss:$0x1] =	vst.idx.msk $0xffff, v5  }
.Ltmp6:
0x62: {  	v2 =	vld [tilespmem:s18+$0xFFFFFFF0];
	[tilespmem:v0+s20+$0x60 ss:$0x1] =	vst.idx.msk $0xffff, v4;
	s20 =	sand.u32 $0x3F80, s21;
	(pc) =	sbr.rel @p1 .LBB1_7-.Ltmp6, $4  }
0x63: {  	v3 =	vld [tilespmem:s18+$0x0];
	[tilespmem:v0+s20+$0x70 ss:$0x1] =	vst.idx.msk $0xffff, v1  }
0x64: {  	[tilespmem:v0+s20+$0x0 ss:$0x1] =	vst.idx.msk $0xffff, v6;
	v5 =	vld [tilespmem:s18+$0x10]  }
0x65: {  	[tilespmem:v0+s20+$0x10 ss:$0x1] =	vst.idx.msk $0xffff, v7;
	v4 =	vld [tilespmem:s18+$0x20];
	s18 =	sadd.s32 $0x80, s18  }
0x66: {  	s22 =	sadd.s32 $0xFFFFFFFF, s22;
	v1 =	vld [tilespmem:s18+$0x30];
	[tilespmem:v0+s20+$0x20 ss:$0x1] =	vst.idx.msk $0xffff, v8  }
.Ltmp7:
0x67: {  	_ = 	snop;
	(pc) =	sbr.rel .LBB1_8-.Ltmp7, $1  }
0x68: {  	_ =	sdelay $0x3  }
.LBB1_6:
.Ltmp8:
0x69: {  	(pc) =	sbr.rel .LBB1_8-.Ltmp8, $2  }
0x6a: {  	_ =	sdelay $0x2  }
0x6b: {  	s21 =	simm.s32 $0x0  }
.LBB1_11:
0x6c: {  	_ =	sfence.sel $0x180000  }
0x6d: {  	s2 =	simm.s32 $0x1;
	[bflag:$0x0] =	sbarrier.arrive $0xFFFF  }
0x6e: {  	s31 =	simm.s32 $0x2;
	[sflag:s2] =	ssyncpa.u1 $0x1  }
0x6f: {  	[sflag:s31] =	ssyncpa.u1 $0x1  }
0x70: {  	p0 =	sne.s32 s0, $0x0;
	_ =	strace $0x90000047  }
0x71: {  	s0 =	sadd.s32 @!p0 $0x100000, s1;
	[bflag:$0x2] =	sbarrier.arrive $0xFFFF  }
0x72: {  	[sflag:s0] =	ssyncadd.tile.s32 @!p0 $0x1;
	_ =	shalt  }
.Lfunc_end1:
_tile_overlayer_lowered:
.L_overlay_start_2:
0x73: {  	(tag) =	ssettag $0x2  }
0x74: {  	s0 =	rddreg [dreg:$0x0];
	s2 =	stileid.u32  }
0x75: {  	s1 =	rddreg [dreg:$0x1];
	p0 =	sne.s32 s2, $0x0  }
0x76: {  	s3 =	rddreg [dreg:$0x2];
	[bflag:$0x3] =	sbarrier.arrive $0xFFFF;
	s2 =	simm.s32 @!p0 $0x1C01  }
0x77: {  	[timem:s3], [sflag:s2] =	dma.local @!p0 [hbm:s0], s1  }
0x78: {  	s0 =	simm.s32 @!p0 $0x1  }
0x79: {  	_ =	swait.ge @!p0 [sflag:s0], s1  }
0x7a: {  	s1 =	ssub.s32 @!p0 $0x0, s1;
	[sflag:s0] =	ssyncset.done @!p0 $0x0  }
0x7b: {  	[sflag:s0] =	ssyncadd.s32 @!p0 s1  }
0x7c: {  	[bflag:$0x3] =	sbarrier.arrive $0xFFFF  }
0x7d: {  	_ =	shalt  }

</sc_bundles>
